<compile_context>
chip_gen: v7x
topology: tpu7x:2x2x1
jax: 0.10.2.dev20260603
libtpu: 0.0.44.dev20260713+nightly
codegen_flags: <defaults>
</compile_context>

<pallas_src>
import functools

import jax
import jax.numpy as jnp
from jax import lax
from jax.experimental import pallas as pl
from jax.experimental.pallas import tpu as pltpu
from jax.experimental.pallas import tpu_sc as plsc

_BETA = 1.0 / 9.0

_B, _N, _C = 2, 126720, 4
_T = _N // 128
_NW = 32
_S = 5
_NSTEP = 6


def _smooth_l1(diff):
    ad = jnp.abs(diff)
    t = jnp.minimum(ad, _BETA)
    return ad - t + t * t * (0.5 / _BETA)


def _sc_body(cls_h, b2d_h, b3d_h, b2dt_h, b3dt_h, w_h, lab_h, out_h,
             cls_v0, b2d_v0, b2dt_v0, b3d_v0, b3dt_v0, w_v0, lab_v0,
             cls_v1, b2d_v1, b2dt_v1, b3d_v1, b3dt_v1, w_v1, lab_v1,
             obuf, sem0, sem1):
    wid = lax.axis_index("s") * 2 + lax.axis_index("c")
    t0 = jnp.where(wid < 30, wid * 31, 930 + (wid - 30) * 30)
    tail_t = jnp.minimum(t0 + 30, _T - 1)
    zero = jnp.zeros((16,), jnp.float32)

    bufs = ((cls_v0, b2d_v0, b2dt_v0, b3d_v0, b3dt_v0, w_v0, lab_v0),
            (cls_v1, b2d_v1, b2dt_v1, b3d_v1, b3dt_v1, w_v1, lab_v1))
    sems = (sem0, sem1)

    def _pairs(bi, tbase, s_chunks):
        cls_v, b2d_v, b2dt_v, b3d_v, b3dt_v, w_v, lab_v = bufs[bi]
        return (
            (b3d_h.at[:, pl.ds(tbase, s_chunks)],
             b3d_v.at[:, pl.ds(0, s_chunks)]),
            (b3dt_h.at[:, pl.ds(tbase, s_chunks)],
             b3dt_v.at[:, pl.ds(0, s_chunks)]),
            (cls_h.at[:, pl.ds(tbase, s_chunks)],
             cls_v.at[:, pl.ds(0, s_chunks)]),
            (b2d_h.at[:, pl.ds(tbase, s_chunks)],
             b2d_v.at[:, pl.ds(0, s_chunks)]),
            (b2dt_h.at[:, pl.ds(tbase, s_chunks)],
             b2dt_v.at[:, pl.ds(0, s_chunks)]),
            (w_h.at[pl.ds(tbase, s_chunks)], w_v.at[pl.ds(0, s_chunks)]),
            (lab_h.at[pl.ds(tbase, s_chunks)], lab_v.at[pl.ds(0, s_chunks)]),
        )

    def fire(bi, tbase, s_chunks):
        for src, dst in _pairs(bi, tbase, s_chunks):
            pltpu.async_copy(src, dst, sems[bi])

    def drain(bi, tbase, s_chunks):
        for src, dst in _pairs(bi, tbase, s_chunks):
            pltpu.make_async_copy(src, dst, sems[bi]).wait()

    def compute(bi, s_chunks, accs):
        cls_v, b2d_v, b2dt_v, b3d_v, b3dt_v, w_v, lab_v = bufs[bi]

        def body(i, accs):
            sba, cea, fga = accs
            tt = jnp.int32(i) >> 4
            b = (i >> 3) & 1
            j = i & 7
            ds = pl.ds(j * 16, 16)

            lb = lab_v[tt, b, ds]
            fg1 = jnp.where(lb > 0, 1.0, 0.0)
            weff = fg1 * w_v[tt, b, ds]

            x0 = cls_v[b, tt, 0, ds]
            x1 = cls_v[b, tt, 1, ds]
            x2 = cls_v[b, tt, 2, ds]
            x3 = cls_v[b, tt, 3, ds]
            sel = jnp.where(lb == 0, x0,
                            jnp.where(lb == 1, x1,
                                      jnp.where(lb == 2, x2, x3)))
            cea = cea + sel

            sl = [_smooth_l1(b2d_v[b, tt, c, ds] - b2dt_v[b, tt, c, ds])
                  for c in range(4)]
            sl += [_smooth_l1(b3d_v[c, tt, b, ds] - b3dt_v[c, tt, b, ds])
                   for c in range(11)]
            while len(sl) > 1:
                sl = [sl[k] + sl[k + 1] for k in range(0, len(sl) - 1, 2)] \
                    + ([sl[-1]] if len(sl) & 1 else [])
            return (sba + sl[0] * weff, cea, fga + fg1)

        return plsc.parallel_loop(0, s_chunks * 16, unroll=1, carry=accs)(body)

    accs = (zero, zero, zero)
    fire(0, t0, _S)

    def gbody(g, accs):
        sa = 2 * g
        fire(1, t0 + (sa + 1) * _S, _S)
        drain(0, t0, _S)
        accs = compute(0, _S, accs)

        @pl.when(g < (_NSTEP // 2) - 1)
        def _():
            fire(0, t0 + (sa + 2) * _S, _S)

        @pl.when(g == (_NSTEP // 2) - 1)
        def _():
            fire(0, tail_t, 1)

        drain(1, t0, _S)
        return compute(1, _S, accs)

    accs = lax.fori_loop(0, _NSTEP // 2, gbody, accs)

    drain(0, tail_t, 1)
    tp = compute(0, 1, (zero, zero, zero))
    m = jnp.where(wid < 30, 1.0, 0.0)
    sba = accs[0] + m * tp[0]
    cea = accs[1] + m * tp[1]
    fga = accs[2] + m * tp[2]

    obuf[pl.ds(0, 16)] = sba
    obuf[pl.ds(16, 16)] = zero
    obuf[pl.ds(32, 16)] = cea
    obuf[pl.ds(48, 16)] = fga
    obuf[pl.ds(64, 16)] = zero
    obuf[pl.ds(80, 16)] = zero
    obuf[pl.ds(96, 16)] = zero
    obuf[pl.ds(112, 16)] = zero
    pltpu.sync_copy(obuf, out_h.at[wid])


@functools.lru_cache(maxsize=1)
def _sc_loss():
    return functools.partial(
        pl.kernel,
        mesh=plsc.VectorSubcoreMesh(core_axis_name="c", subcore_axis_name="s"),
        out_type=jax.ShapeDtypeStruct((_NW, 128), jnp.float32),
        compiler_params=pltpu.CompilerParams(needs_layout_passes=False),
        scratch_types=[
            pltpu.VMEM((2, _S, 4, 128), jnp.float32),
            pltpu.VMEM((2, _S, 4, 128), jnp.float32),
            pltpu.VMEM((2, _S, 4, 128), jnp.float32),
            pltpu.VMEM((11, _S, 2, 128), jnp.float32),
            pltpu.VMEM((11, _S, 2, 128), jnp.float32),
            pltpu.VMEM((_S, 2, 128), jnp.float32),
            pltpu.VMEM((_S, 2, 128), jnp.int32),
            pltpu.VMEM((2, _S, 4, 128), jnp.float32),
            pltpu.VMEM((2, _S, 4, 128), jnp.float32),
            pltpu.VMEM((2, _S, 4, 128), jnp.float32),
            pltpu.VMEM((11, _S, 2, 128), jnp.float32),
            pltpu.VMEM((11, _S, 2, 128), jnp.float32),
            pltpu.VMEM((_S, 2, 128), jnp.float32),
            pltpu.VMEM((_S, 2, 128), jnp.int32),
            pltpu.VMEM((128,), jnp.float32),
            pltpu.SemaphoreType.DMA,
            pltpu.SemaphoreType.DMA,
        ],
    )(_sc_body)


_LSE_BLK = 1584


def _lse_body(x_ref, o_ref, acc_ref):
    pid = pl.program_id(0)

    @pl.when(pid == 0)
    def _init():
        acc_ref[0] = 0.0

    e = jnp.exp(x_ref[...])
    se = jnp.sum(e.reshape(_LSE_BLK // 4, 4, 128), axis=1)
    acc_ref[0] += jnp.sum(jnp.log(se))

    @pl.when(pid == pl.num_programs(0) - 1)
    def _fini():
        o_ref[0, 0] = acc_ref[0]


def _lse_sum(cls2d):
    return pl.pallas_call(
        _lse_body,
        grid=(7920 // _LSE_BLK,),
        in_specs=[pl.BlockSpec((_LSE_BLK, 128), lambda i: (i, 0))],
        out_specs=pl.BlockSpec(memory_space=pltpu.SMEM),
        out_shape=jax.ShapeDtypeStruct((1, 1), jnp.float32),
        scratch_shapes=[pltpu.SMEM((1,), jnp.float32)],
        compiler_params=pltpu.CompilerParams(
            dimension_semantics=("arbitrary",)),
    )(cls2d)[0, 0]


def _coord_major(x, c):
    return (x.transpose(2, 0, 1).reshape(c, 2, _T, 128)
            .transpose(0, 2, 1, 3))


def _batch_major(x, c):
    return (x.transpose(0, 2, 1).reshape(2, c, _T, 128)
            .transpose(0, 2, 1, 3))


def _chunk_major(x):
    return x.reshape(2, _T, 128).transpose(1, 0, 2)


@jax.jit
def kernel(cls, bbox_2d, bbox_3d, bbox_2d_tar, bbox_3d_tar, bbox_weights,
           labels):
    cls_p = _batch_major(cls, 4)
    lse = _lse_sum(cls_p.reshape(7920, 128))
    part = _sc_loss()(
        cls_p,
        _batch_major(bbox_2d, 4),
        _coord_major(bbox_3d, 11),
        _batch_major(bbox_2d_tar, 4),
        _coord_major(bbox_3d_tar, 11),
        _chunk_major(bbox_weights),
        _chunk_major(labels).astype(jnp.int32),
    )
    sb = jnp.sum(part[:, 0:16])
    sel = jnp.sum(part[:, 32:48])
    fg = jnp.sum(part[:, 48:64])
    cls_loss = (lse - sel) / float(_B * _N)
    return cls_loss + sb / jnp.maximum(fg, 1.0)

# --- scband reference (transcript-rebuilt; emitter-appended) ---
"""Pipeline reference for scband-rpn-3-d-loss-20787641712668 (READ-ONLY COPY).

The authoritative reference and input builder live on the scoring server;
editing this copy changes nothing except your own understanding.
"""

import jax, jax.numpy as jnp
import numpy as np

CLS_2D_LAMBDA = 1.0
BBOX_2D_LAMBDA = 1.0
BBOX_3D_LAMBDA = 1.0

B, N, C = 2, 126720, 4  # batch, anchors*H*W (36 anchors x 32 x 110 feat map for KITTI 512x1760 /16), num_classes (3 lbls + bg)


def smooth_l1(diff, beta=1.0 / 9.0):
    ad = jnp.abs(diff)
    return jnp.where(ad < beta, 0.5 * ad * ad / beta, ad - 0.5 * beta)


def setup_inputs(seed: int = 0) -> dict:
    key = jax.random.key(seed)
    ks = jax.random.split(key, 7)
    cls = jax.random.normal(ks[0], (B, N, C), dtype=jnp.float32)
    bbox_2d = jax.random.normal(ks[1], (B, N, 4), dtype=jnp.float32)
    bbox_3d = jax.random.normal(ks[2], (B, N, 11), dtype=jnp.float32)
    bbox_2d_tar = jax.random.normal(ks[3], (B, N, 4), dtype=jnp.float32)
    bbox_3d_tar = jax.random.normal(ks[4], (B, N, 11), dtype=jnp.float32)
    bbox_weights = jax.random.uniform(ks[5], (B, N), dtype=jnp.float32)
    labels = jax.random.randint(ks[6], (B, N), 0, C)
    return {
        'cls': cls,
        'bbox_2d': bbox_2d,
        'bbox_3d': bbox_3d,
        'bbox_2d_tar': bbox_2d_tar,
        'bbox_3d_tar': bbox_3d_tar,
        'bbox_weights': bbox_weights,
        'labels': labels,
    }


def reference(cls, bbox_2d, bbox_3d, bbox_2d_tar, bbox_3d_tar, bbox_weights, labels):
    # classification loss (cross-entropy over all active anchors, label 0 = background)
    logp = jax.nn.log_softmax(cls, axis=-1)
    ce = -jnp.take_along_axis(logp, labels[..., None], axis=-1)[..., 0]
    active = (labels >= 0).astype(jnp.float32)
    cls_loss = jnp.sum(ce * active) / jnp.maximum(jnp.sum(active), 1.0)

    # foreground mask weighted by per-anchor bbox weights
    fg = (labels > 0).astype(jnp.float32)
    w = fg * bbox_weights
    nfg = jnp.maximum(jnp.sum(fg), 1.0)

    # 2D bbox regression (smooth L1 on normalized transforms)
    l2d = jnp.sum(smooth_l1(bbox_2d - bbox_2d_tar), axis=-1)
    bbox_2d_loss = jnp.sum(l2d * w) / nfg

    # 3D bbox regression (x, y, z, w, h, l, rotY, + extra heads)
    l3d = jnp.sum(smooth_l1(bbox_3d - bbox_3d_tar), axis=-1)
    bbox_3d_loss = jnp.sum(l3d * w) / nfg

    total = CLS_2D_LAMBDA * cls_loss + BBOX_2D_LAMBDA * bbox_2d_loss + BBOX_3D_LAMBDA * bbox_3d_loss
    return total

if __name__ == "__main__":
    import jax
    _d = setup_inputs()
    print(jax.jit(kernel)(*tuple(_d.values())))

</pallas_src>

<mosaic_0001>
#map = affine_map<(d0, d1) -> (0, 0, 0, 0)>
#map1 = affine_map<(d0, d1) -> (0, 0, 0)>
#map2 = affine_map<(d0, d1) -> (0, 0)>
module attributes {stable_mosaic.version = 14 : i64} {
  func.func @_sc_body(%arg0: i32, %arg1: i32, %arg2: memref<2x990x4x128xf32, #tpu.memory_space<hbm>>, %arg3: memref<2x990x4x128xf32, #tpu.memory_space<hbm>>, %arg4: memref<11x990x2x128xf32, #tpu.memory_space<hbm>>, %arg5: memref<2x990x4x128xf32, #tpu.memory_space<hbm>>, %arg6: memref<11x990x2x128xf32, #tpu.memory_space<hbm>>, %arg7: memref<990x2x128xf32, #tpu.memory_space<hbm>>, %arg8: memref<990x2x128xi32, #tpu.memory_space<hbm>>, %arg9: memref<32x128xf32, #tpu.memory_space<hbm>>, %arg10: memref<2x5x4x128xf32, #tpu.memory_space<vmem>>, %arg11: memref<2x5x4x128xf32, #tpu.memory_space<vmem>>, %arg12: memref<2x5x4x128xf32, #tpu.memory_space<vmem>>, %arg13: memref<11x5x2x128xf32, #tpu.memory_space<vmem>>, %arg14: memref<11x5x2x128xf32, #tpu.memory_space<vmem>>, %arg15: memref<5x2x128xf32, #tpu.memory_space<vmem>>, %arg16: memref<5x2x128xi32, #tpu.memory_space<vmem>>, %arg17: memref<2x5x4x128xf32, #tpu.memory_space<vmem>>, %arg18: memref<2x5x4x128xf32, #tpu.memory_space<vmem>>, %arg19: memref<2x5x4x128xf32, #tpu.memory_space<vmem>>, %arg20: memref<11x5x2x128xf32, #tpu.memory_space<vmem>>, %arg21: memref<11x5x2x128xf32, #tpu.memory_space<vmem>>, %arg22: memref<5x2x128xf32, #tpu.memory_space<vmem>>, %arg23: memref<5x2x128xi32, #tpu.memory_space<vmem>>, %arg24: memref<128xf32, #tpu.memory_space<vmem>>, %arg25: memref<!tpu.dma_semaphore, #tpu.memory_space<semaphore_mem>>, %arg26: memref<!tpu.dma_semaphore, #tpu.memory_space<semaphore_mem>>) attributes {dimension_semantics = [#tpu.dimension_semantics<core_parallel>, #tpu.dimension_semantics<subcore_parallel>], iteration_bounds = array<i64: 2, 16>, scalar_prefetch = 0 : i64, scratch_operands = 17 : i64, tpu.core_type = #tpu.core_type<sc_vector_subcore>, window_params = [{transform_indices = #map}, {transform_indices = #map}, {transform_indices = #map}, {transform_indices = #map}, {transform_indices = #map}, {transform_indices = #map1}, {transform_indices = #map1}, {transform_indices = #map2}]} {
    %mul3A = arith.constant 2 : i32
    %mul3A_0 = arith.muli %arg1, %mul3A : i32
    %add3A = arith.addi %mul3A_0, %arg0 : i32
    %lt3A = arith.constant 30 : i32
    %lt3A_1 = arith.cmpi slt, %add3A, %lt3A : i32
    %mul3A_2 = arith.constant 31 : i32
    %mul3A_3 = arith.muli %add3A, %mul3A_2 : i32
    %sub3A = arith.constant 30 : i32
    %sub3A_4 = arith.subi %add3A, %sub3A : i32
    %mul3A_5 = arith.constant 30 : i32
    %mul3A_6 = arith.muli %sub3A_4, %mul3A_5 : i32
    %add3A_7 = arith.constant 930 : i32
    %add3A_8 = arith.addi %add3A_7, %mul3A_6 : i32
    %select_n3A = arith.select %lt3A_1, %mul3A_3, %add3A_8 : i32
    %add3A_9 = arith.constant 30 : i32
    %add3A_10 = arith.addi %select_n3A, %add3A_9 : i32
    %min3A = arith.constant 989 : i32
    %min3A_11 = arith.minsi %add3A_10, %min3A : i32
    %broadcast_in_dim3A = arith.constant 0.000000e+00 : f32
    %broadcast_in_dim3A_12 = vector.broadcast %broadcast_in_dim3A : f32 to vector<16xf32>
    %dma_start3A = arith.constant 0 : i32
    %dma_start3A_13 = arith.constant 0 : i32
    %dma_start3A_14 = arith.constant 0 : i32
    %dma_start3A_15 = arith.constant 0 : i32
    %dma_start3A_16 = tpu.memref_slice %arg13[%dma_start3A, %dma_start3A_13, %dma_start3A_14, %dma_start3A_15] : memref<11x5x2x128xf32, #tpu.memory_space<vmem>> -> memref<11x5x2x128xf32, #tpu.memory_space<vmem>>
    %dma_start3A_17 = arith.constant 0 : i32
    %dma_start3A_18 = arith.constant 0 : i32
    %dma_start3A_19 = arith.constant 0 : i32
    %dma_start3A_20 = tpu.memref_slice %arg4[%dma_start3A_17, %select_n3A, %dma_start3A_18, %dma_start3A_19] : memref<11x990x2x128xf32, #tpu.memory_space<hbm>> -> memref<11x5x2x128xf32, #tpu.memory_space<hbm>>
    %dma_start3A_21 = arith.constant 0 : i32
    %dma_start3A_22 = arith.constant 0 : i32
    %dma_start3A_23 = arith.constant 0 : i32
    %dma_start3A_24 = arith.constant 0 : i32
    %dma_start3A_25 = tpu.memref_slice %arg13[%dma_start3A_21, %dma_start3A_22, %dma_start3A_23, %dma_start3A_24] : memref<11x5x2x128xf32, #tpu.memory_space<vmem>> -> memref<11x5x2x128xf32, #tpu.memory_space<vmem>>
    %dma_start3A_26 = arith.constant 0 : i32
    %dma_start3A_27 = arith.constant 0 : i32
    %dma_start3A_28 = arith.constant 0 : i32
    %dma_start3A_29 = tpu.memref_slice %arg4[%dma_start3A_26, %select_n3A, %dma_start3A_27, %dma_start3A_28] : memref<11x990x2x128xf32, #tpu.memory_space<hbm>> -> memref<11x5x2x128xf32, #tpu.memory_space<hbm>>
    tpu.enqueue_dma source(%dma_start3A_29 : memref<11x5x2x128xf32, #tpu.memory_space<hbm>>) target(%dma_start3A_25 : memref<11x5x2x128xf32, #tpu.memory_space<vmem>>) target_semaphore(%arg25 : memref<!tpu.dma_semaphore, #tpu.memory_space<semaphore_mem>>)
    %dma_start3A_30 = arith.constant 0 : i32
    %dma_start3A_31 = arith.constant 0 : i32
    %dma_start3A_32 = arith.constant 0 : i32
    %dma_start3A_33 = arith.constant 0 : i32
    %dma_start3A_34 = tpu.memref_slice %arg14[%dma_start3A_30, %dma_start3A_31, %dma_start3A_32, %dma_start3A_33] : memref<11x5x2x128xf32, #tpu.memory_space<vmem>> -> memref<11x5x2x128xf32, #tpu.memory_space<vmem>>
    %dma_start3A_35 = arith.constant 0 : i32
    %dma_start3A_36 = arith.constant 0 : i32
    %dma_start3A_37 = arith.constant 0 : i32
    %dma_start3A_38 = tpu.memref_slice %arg6[%dma_start3A_35, %select_n3A, %dma_start3A_36, %dma_start3A_37] : memref<11x990x2x128xf32, #tpu.memory_space<hbm>> -> memref<11x5x2x128xf32, #tpu.memory_space<hbm>>
    %dma_start3A_39 = arith.constant 0 : i32
    %dma_start3A_40 = arith.constant 0 : i32
    %dma_start3A_41 = arith.constant 0 : i32
    %dma_start3A_42 = arith.constant 0 : i32
    %dma_start3A_43 = tpu.memref_slice %arg14[%dma_start3A_39, %dma_start3A_40, %dma_start3A_41, %dma_start3A_42] : memref<11x5x2x128xf32, #tpu.memory_space<vmem>> -> memref<11x5x2x128xf32, #tpu.memory_space<vmem>>
    %dma_start3A_44 = arith.constant 0 : i32
    %dma_start3A_45 = arith.constant 0 : i32
    %dma_start3A_46 = arith.constant 0 : i32
    %dma_start3A_47 = tpu.memref_slice %arg6[%dma_start3A_44, %select_n3A, %dma_start3A_45, %dma_start3A_46] : memref<11x990x2x128xf32, #tpu.memory_space<hbm>> -> memref<11x5x2x128xf32, #tpu.memory_space<hbm>>
    tpu.enqueue_dma source(%dma_start3A_47 : memref<11x5x2x128xf32, #tpu.memory_space<hbm>>) target(%dma_start3A_43 : memref<11x5x2x128xf32, #tpu.memory_space<vmem>>) target_semaphore(%arg25 : memref<!tpu.dma_semaphore, #tpu.memory_space<semaphore_mem>>)
    %dma_start3A_48 = arith.constant 0 : i32
    %dma_start3A_49 = arith.constant 0 : i32
    %dma_start3A_50 = arith.constant 0 : i32
    %dma_start3A_51 = arith.constant 0 : i32
    %dma_start3A_52 = tpu.memref_slice %arg10[%dma_start3A_48, %dma_start3A_49, %dma_start3A_50, %dma_start3A_51] : memref<2x5x4x128xf32, #tpu.memory_space<vmem>> -> memref<2x5x4x128xf32, #tpu.memory_space<vmem>>
    %dma_start3A_53 = arith.constant 0 : i32
    %dma_start3A_54 = arith.constant 0 : i32
    %dma_start3A_55 = arith.constant 0 : i32
    %dma_start3A_56 = tpu.memref_slice %arg2[%dma_start3A_53, %select_n3A, %dma_start3A_54, %dma_start3A_55] : memref<2x990x4x128xf32, #tpu.memory_space<hbm>> -> memref<2x5x4x128xf32, #tpu.memory_space<hbm>>
    %dma_start3A_57 = arith.constant 0 : i32
    %dma_start3A_58 = arith.constant 0 : i32
    %dma_start3A_59 = arith.constant 0 : i32
    %dma_start3A_60 = arith.constant 0 : i32
    %dma_start3A_61 = tpu.memref_slice %arg10[%dma_start3A_57, %dma_start3A_58, %dma_start3A_59, %dma_start3A_60] : memref<2x5x4x128xf32, #tpu.memory_space<vmem>> -> memref<2x5x4x128xf32, #tpu.memory_space<vmem>>
    %dma_start3A_62 = arith.constant 0 : i32
    %dma_start3A_63 = arith.constant 0 : i32
    %dma_start3A_64 = arith.constant 0 : i32
    %dma_start3A_65 = tpu.memref_slice %arg2[%dma_start3A_62, %select_n3A, %dma_start3A_63, %dma_start3A_64] : memref<2x990x4x128xf32, #tpu.memory_space<hbm>> -> memref<2x5x4x128xf32, #tpu.memory_space<hbm>>
    tpu.enqueue_dma source(%dma_start3A_65 : memref<2x5x4x128xf32, #tpu.memory_space<hbm>>) target(%dma_start3A_61 : memref<2x5x4x128xf32, #tpu.memory_space<vmem>>) target_semaphore(%arg25 : memref<!tpu.dma_semaphore, #tpu.memory_space<semaphore_mem>>)
    %dma_start3A_66 = arith.constant 0 : i32
    %dma_start3A_67 = arith.constant 0 : i32
    %dma_start3A_68 = arith.constant 0 : i32
    %dma_start3A_69 = arith.constant 0 : i32
    %dma_start3A_70 = tpu.memref_slice %arg11[%dma_start3A_66, %dma_start3A_67, %dma_start3A_68, %dma_start3A_69] : memref<2x5x4x128xf32, #tpu.memory_space<vmem>> -> memref<2x5x4x128xf32, #tpu.memory_space<vmem>>
    %dma_start3A_71 = arith.constant 0 : i32
    %dma_start3A_72 = arith.constant 0 : i32
    %dma_start3A_73 = arith.constant 0 : i32
    %dma_start3A_74 = tpu.memref_slice %arg3[%dma_start3A_71, %select_n3A, %dma_start3A_72, %dma_start3A_73] : memref<2x990x4x128xf32, #tpu.memory_space<hbm>> -> memref<2x5x4x128xf32, #tpu.memory_space<hbm>>
    %dma_start3A_75 = arith.constant 0 : i32
    %dma_start3A_76 = arith.constant 0 : i32
    %dma_start3A_77 = arith.constant 0 : i32
    %dma_start3A_78 = arith.constant 0 : i32
    %dma_start3A_79 = tpu.memref_slice %arg11[%dma_start3A_75, %dma_start3A_76, %dma_start3A_77, %dma_start3A_78] : memref<2x5x4x128xf32, #tpu.memory_space<vmem>> -> memref<2x5x4x128xf32, #tpu.memory_space<vmem>>
    %dma_start3A_80 = arith.constant 0 : i32
    %dma_start3A_81 = arith.constant 0 : i32
    %dma_start3A_82 = arith.constant 0 : i32
    %dma_start3A_83 = tpu.memref_slice %arg3[%dma_start3A_80, %select_n3A, %dma_start3A_81, %dma_start3A_82] : memref<2x990x4x128xf32, #tpu.memory_space<hbm>> -> memref<2x5x4x128xf32, #tpu.memory_space<hbm>>
    tpu.enqueue_dma source(%dma_start3A_83 : memref<2x5x4x128xf32, #tpu.memory_space<hbm>>) target(%dma_start3A_79 : memref<2x5x4x128xf32, #tpu.memory_space<vmem>>) target_semaphore(%arg25 : memref<!tpu.dma_semaphore, #tpu.memory_space<semaphore_mem>>)
    %dma_start3A_84 = arith.constant 0 : i32
    %dma_start3A_85 = arith.constant 0 : i32
    %dma_start3A_86 = arith.constant 0 : i32
    %dma_start3A_87 = arith.constant 0 : i32
    %dma_start3A_88 = tpu.memref_slice %arg12[%dma_start3A_84, %dma_start3A_85, %dma_start3A_86, %dma_start3A_87] : memref<2x5x4x128xf32, #tpu.memory_space<vmem>> -> memref<2x5x4x128xf32, #tpu.memory_space<vmem>>
    %dma_start3A_89 = arith.constant 0 : i32
    %dma_start3A_90 = arith.constant 0 : i32
    %dma_start3A_91 = arith.constant 0 : i32
    %dma_start3A_92 = tpu.memref_slice %arg5[%dma_start3A_89, %select_n3A, %dma_start3A_90, %dma_start3A_91] : memref<2x990x4x128xf32, #tpu.memory_space<hbm>> -> memref<2x5x4x128xf32, #tpu.memory_space<hbm>>
    %dma_start3A_93 = arith.constant 0 : i32
    %dma_start3A_94 = arith.constant 0 : i32
    %dma_start3A_95 = arith.constant 0 : i32
    %dma_start3A_96 = arith.constant 0 : i32
    %dma_start3A_97 = tpu.memref_slice %arg12[%dma_start3A_93, %dma_start3A_94, %dma_start3A_95, %dma_start3A_96] : memref<2x5x4x128xf32, #tpu.memory_space<vmem>> -> memref<2x5x4x128xf32, #tpu.memory_space<vmem>>
    %dma_start3A_98 = arith.constant 0 : i32
    %dma_start3A_99 = arith.constant 0 : i32
    %dma_start3A_100 = arith.constant 0 : i32
    %dma_start3A_101 = tpu.memref_slice %arg5[%dma_start3A_98, %select_n3A, %dma_start3A_99, %dma_start3A_100] : memref<2x990x4x128xf32, #tpu.memory_space<hbm>> -> memref<2x5x4x128xf32, #tpu.memory_space<hbm>>
    tpu.enqueue_dma source(%dma_start3A_101 : memref<2x5x4x128xf32, #tpu.memory_space<hbm>>) target(%dma_start3A_97 : memref<2x5x4x128xf32, #tpu.memory_space<vmem>>) target_semaphore(%arg25 : memref<!tpu.dma_semaphore, #tpu.memory_space<semaphore_mem>>)
    %dma_start3A_102 = arith.constant 0 : i32
    %dma_start3A_103 = arith.constant 0 : i32
    %dma_start3A_104 = arith.constant 0 : i32
    %dma_start3A_105 = tpu.memref_slice %arg15[%dma_start3A_102, %dma_start3A_103, %dma_start3A_104] : memref<5x2x128xf32, #tpu.memory_space<vmem>> -> memref<5x2x128xf32, #tpu.memory_space<vmem>>
    %dma_start3A_106 = arith.constant 0 : i32
    %dma_start3A_107 = arith.constant 0 : i32
    %dma_start3A_108 = tpu.memref_slice %arg7[%select_n3A, %dma_start3A_106, %dma_start3A_107] : memref<990x2x128xf32, #tpu.memory_space<hbm>> -> memref<5x2x128xf32, #tpu.memory_space<hbm>>
    %dma_start3A_109 = arith.constant 0 : i32
    %dma_start3A_110 = arith.constant 0 : i32
    %dma_start3A_111 = arith.constant 0 : i32
    %dma_start3A_112 = tpu.memref_slice %arg15[%dma_start3A_109, %dma_start3A_110, %dma_start3A_111] : memref<5x2x128xf32, #tpu.memory_space<vmem>> -> memref<5x2x128xf32, #tpu.memory_space<vmem>>
    %dma_start3A_113 = arith.constant 0 : i32
    %dma_start3A_114 = arith.constant 0 : i32
    %dma_start3A_115 = tpu.memref_slice %arg7[%select_n3A, %dma_start3A_113, %dma_start3A_114] : memref<990x2x128xf32, #tpu.memory_space<hbm>> -> memref<5x2x128xf32, #tpu.memory_space<hbm>>
    tpu.enqueue_dma source(%dma_start3A_115 : memref<5x2x128xf32, #tpu.memory_space<hbm>>) target(%dma_start3A_112 : memref<5x2x128xf32, #tpu.memory_space<vmem>>) target_semaphore(%arg25 : memref<!tpu.dma_semaphore, #tpu.memory_space<semaphore_mem>>)
    %dma_start3A_116 = arith.constant 0 : i32
    %dma_start3A_117 = arith.constant 0 : i32
    %dma_start3A_118 = arith.constant 0 : i32
    %dma_start3A_119 = tpu.memref_slice %arg16[%dma_start3A_116, %dma_start3A_117, %dma_start3A_118] : memref<5x2x128xi32, #tpu.memory_space<vmem>> -> memref<5x2x128xi32, #tpu.memory_space<vmem>>
    %dma_start3A_120 = arith.constant 0 : i32
    %dma_start3A_121 = arith.constant 0 : i32
    %dma_start3A_122 = tpu.memref_slice %arg8[%select_n3A, %dma_start3A_120, %dma_start3A_121] : memref<990x2x128xi32, #tpu.memory_space<hbm>> -> memref<5x2x128xi32, #tpu.memory_space<hbm>>
    %dma_start3A_123 = arith.constant 0 : i32
    %dma_start3A_124 = arith.constant 0 : i32
    %dma_start3A_125 = arith.constant 0 : i32
    %dma_start3A_126 = tpu.memref_slice %arg16[%dma_start3A_123, %dma_start3A_124, %dma_start3A_125] : memref<5x2x128xi32, #tpu.memory_space<vmem>> -> memref<5x2x128xi32, #tpu.memory_space<vmem>>
    %dma_start3A_127 = arith.constant 0 : i32
    %dma_start3A_128 = arith.constant 0 : i32
    %dma_start3A_129 = tpu.memref_slice %arg8[%select_n3A, %dma_start3A_127, %dma_start3A_128] : memref<990x2x128xi32, #tpu.memory_space<hbm>> -> memref<5x2x128xi32, #tpu.memory_space<hbm>>
    tpu.enqueue_dma source(%dma_start3A_129 : memref<5x2x128xi32, #tpu.memory_space<hbm>>) target(%dma_start3A_126 : memref<5x2x128xi32, #tpu.memory_space<vmem>>) target_semaphore(%arg25 : memref<!tpu.dma_semaphore, #tpu.memory_space<semaphore_mem>>)
    %scan3A = arith.constant 0 : i32
    %scan3A_130 = arith.constant 3 : i32
    %scan3A_131 = arith.addi %scan3A, %scan3A_130 : i32
    %scan3A_132 = arith.constant 1 : i32
    %scan3A_133:3 = scf.for %scan3A_283 = %scan3A to %scan3A_131 step %scan3A_132 iter_args(%scan3A_284 = %broadcast_in_dim3A_12, %scan3A_285 = %broadcast_in_dim3A_12, %scan3A_286 = %broadcast_in_dim3A_12) -> (vector<16xf32>, vector<16xf32>, vector<16xf32>)  : i32 {
      %mul3A_287 = arith.constant 2 : i32
      %mul3A_288 = arith.muli %mul3A_287, %scan3A_283 : i32
      %add3A_289 = arith.constant 1 : i32
      %add3A_290 = arith.addi %mul3A_288, %add3A_289 : i32
      %mul3A_291 = arith.constant 5 : i32
      %mul3A_292 = arith.muli %add3A_290, %mul3A_291 : i32
      %add3A_293 = arith.addi %select_n3A, %mul3A_292 : i32
      %dma_start3A_294 = arith.constant 0 : i32
      %dma_start3A_295 = arith.constant 0 : i32
      %dma_start3A_296 = arith.constant 0 : i32
      %dma_start3A_297 = arith.constant 0 : i32
      %dma_start3A_298 = tpu.memref_slice %arg20[%dma_start3A_294, %dma_start3A_295, %dma_start3A_296, %dma_start3A_297] : memref<11x5x2x128xf32, #tpu.memory_space<vmem>> -> memref<11x5x2x128xf32, #tpu.memory_space<vmem>>
      %dma_start3A_299 = arith.constant 0 : i32
      %dma_start3A_300 = arith.constant 0 : i32
      %dma_start3A_301 = arith.constant 0 : i32
      %dma_start3A_302 = tpu.memref_slice %arg4[%dma_start3A_299, %add3A_293, %dma_start3A_300, %dma_start3A_301] : memref<11x990x2x128xf32, #tpu.memory_space<hbm>> -> memref<11x5x2x128xf32, #tpu.memory_space<hbm>>
      %dma_start3A_303 = arith.constant 0 : i32
      %dma_start3A_304 = arith.constant 0 : i32
      %dma_start3A_305 = arith.constant 0 : i32
      %dma_start3A_306 = arith.constant 0 : i32
      %dma_start3A_307 = tpu.memref_slice %arg20[%dma_start3A_303, %dma_start3A_304, %dma_start3A_305, %dma_start3A_306] : memref<11x5x2x128xf32, #tpu.memory_space<vmem>> -> memref<11x5x2x128xf32, #tpu.memory_space<vmem>>
      %dma_start3A_308 = arith.constant 0 : i32
      %dma_start3A_309 = arith.constant 0 : i32
      %dma_start3A_310 = arith.constant 0 : i32
      %dma_start3A_311 = tpu.memref_slice %arg4[%dma_start3A_308, %add3A_293, %dma_start3A_309, %dma_start3A_310] : memref<11x990x2x128xf32, #tpu.memory_space<hbm>> -> memref<11x5x2x128xf32, #tpu.memory_space<hbm>>
      tpu.enqueue_dma source(%dma_start3A_311 : memref<11x5x2x128xf32, #tpu.memory_space<hbm>>) target(%dma_start3A_307 : memref<11x5x2x128xf32, #tpu.memory_space<vmem>>) target_semaphore(%arg26 : memref<!tpu.dma_semaphore, #tpu.memory_space<semaphore_mem>>)
      %dma_start3A_312 = arith.constant 0 : i32
      %dma_start3A_313 = arith.constant 0 : i32
      %dma_start3A_314 = arith.constant 0 : i32
      %dma_start3A_315 = arith.constant 0 : i32
      %dma_start3A_316 = tpu.memref_slice %arg21[%dma_start3A_312, %dma_start3A_313, %dma_start3A_314, %dma_start3A_315] : memref<11x5x2x128xf32, #tpu.memory_space<vmem>> -> memref<11x5x2x128xf32, #tpu.memory_space<vmem>>
      %dma_start3A_317 = arith.constant 0 : i32
      %dma_start3A_318 = arith.constant 0 : i32
      %dma_start3A_319 = arith.constant 0 : i32
      %dma_start3A_320 = tpu.memref_slice %arg6[%dma_start3A_317, %add3A_293, %dma_start3A_318, %dma_start3A_319] : memref<11x990x2x128xf32, #tpu.memory_space<hbm>> -> memref<11x5x2x128xf32, #tpu.memory_space<hbm>>
      %dma_start3A_321 = arith.constant 0 : i32
      %dma_start3A_322 = arith.constant 0 : i32
      %dma_start3A_323 = arith.constant 0 : i32
      %dma_start3A_324 = arith.constant 0 : i32
      %dma_start3A_325 = tpu.memref_slice %arg21[%dma_start3A_321, %dma_start3A_322, %dma_start3A_323, %dma_start3A_324] : memref<11x5x2x128xf32, #tpu.memory_space<vmem>> -> memref<11x5x2x128xf32, #tpu.memory_space<vmem>>
      %dma_start3A_326 = arith.constant 0 : i32
      %dma_start3A_327 = arith.constant 0 : i32
      %dma_start3A_328 = arith.constant 0 : i32
      %dma_start3A_329 = tpu.memref_slice %arg6[%dma_start3A_326, %add3A_293, %dma_start3A_327, %dma_start3A_328] : memref<11x990x2x128xf32, #tpu.memory_space<hbm>> -> memref<11x5x2x128xf32, #tpu.memory_space<hbm>>
      tpu.enqueue_dma source(%dma_start3A_329 : memref<11x5x2x128xf32, #tpu.memory_space<hbm>>) target(%dma_start3A_325 : memref<11x5x2x128xf32, #tpu.memory_space<vmem>>) target_semaphore(%arg26 : memref<!tpu.dma_semaphore, #tpu.memory_space<semaphore_mem>>)
      %dma_start3A_330 = arith.constant 0 : i32
      %dma_start3A_331 = arith.constant 0 : i32
      %dma_start3A_332 = arith.constant 0 : i32
      %dma_start3A_333 = arith.constant 0 : i32
      %dma_start3A_334 = tpu.memref_slice %arg17[%dma_start3A_330, %dma_start3A_331, %dma_start3A_332, %dma_start3A_333] : memref<2x5x4x128xf32, #tpu.memory_space<vmem>> -> memref<2x5x4x128xf32, #tpu.memory_space<vmem>>
      %dma_start3A_335 = arith.constant 0 : i32
      %dma_start3A_336 = arith.constant 0 : i32
      %dma_start3A_337 = arith.constant 0 : i32
      %dma_start3A_338 = tpu.memref_slice %arg2[%dma_start3A_335, %add3A_293, %dma_start3A_336, %dma_start3A_337] : memref<2x990x4x128xf32, #tpu.memory_space<hbm>> -> memref<2x5x4x128xf32, #tpu.memory_space<hbm>>
      %dma_start3A_339 = arith.constant 0 : i32
      %dma_start3A_340 = arith.constant 0 : i32
      %dma_start3A_341 = arith.constant 0 : i32
      %dma_start3A_342 = arith.constant 0 : i32
      %dma_start3A_343 = tpu.memref_slice %arg17[%dma_start3A_339, %dma_start3A_340, %dma_start3A_341, %dma_start3A_342] : memref<2x5x4x128xf32, #tpu.memory_space<vmem>> -> memref<2x5x4x128xf32, #tpu.memory_space<vmem>>
      %dma_start3A_344 = arith.constant 0 : i32
      %dma_start3A_345 = arith.constant 0 : i32
      %dma_start3A_346 = arith.constant 0 : i32
      %dma_start3A_347 = tpu.memref_slice %arg2[%dma_start3A_344, %add3A_293, %dma_start3A_345, %dma_start3A_346] : memref<2x990x4x128xf32, #tpu.memory_space<hbm>> -> memref<2x5x4x128xf32, #tpu.memory_space<hbm>>
      tpu.enqueue_dma source(%dma_start3A_347 : memref<2x5x4x128xf32, #tpu.memory_space<hbm>>) target(%dma_start3A_343 : memref<2x5x4x128xf32, #tpu.memory_space<vmem>>) target_semaphore(%arg26 : memref<!tpu.dma_semaphore, #tpu.memory_space<semaphore_mem>>)
      %dma_start3A_348 = arith.constant 0 : i32
      %dma_start3A_349 = arith.constant 0 : i32
      %dma_start3A_350 = arith.constant 0 : i32
      %dma_start3A_351 = arith.constant 0 : i32
      %dma_start3A_352 = tpu.memref_slice %arg18[%dma_start3A_348, %dma_start3A_349, %dma_start3A_350, %dma_start3A_351] : memref<2x5x4x128xf32, #tpu.memory_space<vmem>> -> memref<2x5x4x128xf32, #tpu.memory_space<vmem>>
      %dma_start3A_353 = arith.constant 0 : i32
      %dma_start3A_354 = arith.constant 0 : i32
      %dma_start3A_355 = arith.constant 0 : i32
      %dma_start3A_356 = tpu.memref_slice %arg3[%dma_start3A_353, %add3A_293, %dma_start3A_354, %dma_start3A_355] : memref<2x990x4x128xf32, #tpu.memory_space<hbm>> -> memref<2x5x4x128xf32, #tpu.memory_space<hbm>>
      %dma_start3A_357 = arith.constant 0 : i32
      %dma_start3A_358 = arith.constant 0 : i32
      %dma_start3A_359 = arith.constant 0 : i32
      %dma_start3A_360 = arith.constant 0 : i32
      %dma_start3A_361 = tpu.memref_slice %arg18[%dma_start3A_357, %dma_start3A_358, %dma_start3A_359, %dma_start3A_360] : memref<2x5x4x128xf32, #tpu.memory_space<vmem>> -> memref<2x5x4x128xf32, #tpu.memory_space<vmem>>
      %dma_start3A_362 = arith.constant 0 : i32
      %dma_start3A_363 = arith.constant 0 : i32
      %dma_start3A_364 = arith.constant 0 : i32
      %dma_start3A_365 = tpu.memref_slice %arg3[%dma_start3A_362, %add3A_293, %dma_start3A_363, %dma_start3A_364] : memref<2x990x4x128xf32, #tpu.memory_space<hbm>> -> memref<2x5x4x128xf32, #tpu.memory_space<hbm>>
      tpu.enqueue_dma source(%dma_start3A_365 : memref<2x5x4x128xf32, #tpu.memory_space<hbm>>) target(%dma_start3A_361 : memref<2x5x4x128xf32, #tpu.memory_space<vmem>>) target_semaphore(%arg26 : memref<!tpu.dma_semaphore, #tpu.memory_space<semaphore_mem>>)
      %dma_start3A_366 = arith.constant 0 : i32
      %dma_start3A_367 = arith.constant 0 : i32
      %dma_start3A_368 = arith.constant 0 : i32
      %dma_start3A_369 = arith.constant 0 : i32
      %dma_start3A_370 = tpu.memref_slice %arg19[%dma_start3A_366, %dma_start3A_367, %dma_start3A_368, %dma_start3A_369] : memref<2x5x4x128xf32, #tpu.memory_space<vmem>> -> memref<2x5x4x128xf32, #tpu.memory_space<vmem>>
      %dma_start3A_371 = arith.constant 0 : i32
      %dma_start3A_372 = arith.constant 0 : i32
      %dma_start3A_373 = arith.constant 0 : i32
      %dma_start3A_374 = tpu.memref_slice %arg5[%dma_start3A_371, %add3A_293, %dma_start3A_372, %dma_start3A_373] : memref<2x990x4x128xf32, #tpu.memory_space<hbm>> -> memref<2x5x4x128xf32, #tpu.memory_space<hbm>>
      %dma_start3A_375 = arith.constant 0 : i32
      %dma_start3A_376 = arith.constant 0 : i32
      %dma_start3A_377 = arith.constant 0 : i32
      %dma_start3A_378 = arith.constant 0 : i32
      %dma_start3A_379 = tpu.memref_slice %arg19[%dma_start3A_375, %dma_start3A_376, %dma_start3A_377, %dma_start3A_378] : memref<2x5x4x128xf32, #tpu.memory_space<vmem>> -> memref<2x5x4x128xf32, #tpu.memory_space<vmem>>
      %dma_start3A_380 = arith.constant 0 : i32
      %dma_start3A_381 = arith.constant 0 : i32
      %dma_start3A_382 = arith.constant 0 : i32
      %dma_start3A_383 = tpu.memref_slice %arg5[%dma_start3A_380, %add3A_293, %dma_start3A_381, %dma_start3A_382] : memref<2x990x4x128xf32, #tpu.memory_space<hbm>> -> memref<2x5x4x128xf32, #tpu.memory_space<hbm>>
      tpu.enqueue_dma source(%dma_start3A_383 : memref<2x5x4x128xf32, #tpu.memory_space<hbm>>) target(%dma_start3A_379 : memref<2x5x4x128xf32, #tpu.memory_space<vmem>>) target_semaphore(%arg26 : memref<!tpu.dma_semaphore, #tpu.memory_space<semaphore_mem>>)
      %dma_start3A_384 = arith.constant 0 : i32
      %dma_start3A_385 = arith.constant 0 : i32
      %dma_start3A_386 = arith.constant 0 : i32
      %dma_start3A_387 = tpu.memref_slice %arg22[%dma_start3A_384, %dma_start3A_385, %dma_start3A_386] : memref<5x2x128xf32, #tpu.memory_space<vmem>> -> memref<5x2x128xf32, #tpu.memory_space<vmem>>
      %dma_start3A_388 = arith.constant 0 : i32
      %dma_start3A_389 = arith.constant 0 : i32
      %dma_start3A_390 = tpu.memref_slice %arg7[%add3A_293, %dma_start3A_388, %dma_start3A_389] : memref<990x2x128xf32, #tpu.memory_space<hbm>> -> memref<5x2x128xf32, #tpu.memory_space<hbm>>
      %dma_start3A_391 = arith.constant 0 : i32
      %dma_start3A_392 = arith.constant 0 : i32
      %dma_start3A_393 = arith.constant 0 : i32
      %dma_start3A_394 = tpu.memref_slice %arg22[%dma_start3A_391, %dma_start3A_392, %dma_start3A_393] : memref<5x2x128xf32, #tpu.memory_space<vmem>> -> memref<5x2x128xf32, #tpu.memory_space<vmem>>
      %dma_start3A_395 = arith.constant 0 : i32
      %dma_start3A_396 = arith.constant 0 : i32
      %dma_start3A_397 = tpu.memref_slice %arg7[%add3A_293, %dma_start3A_395, %dma_start3A_396] : memref<990x2x128xf32, #tpu.memory_space<hbm>> -> memref<5x2x128xf32, #tpu.memory_space<hbm>>
      tpu.enqueue_dma source(%dma_start3A_397 : memref<5x2x128xf32, #tpu.memory_space<hbm>>) target(%dma_start3A_394 : memref<5x2x128xf32, #tpu.memory_space<vmem>>) target_semaphore(%arg26 : memref<!tpu.dma_semaphore, #tpu.memory_space<semaphore_mem>>)
      %dma_start3A_398 = arith.constant 0 : i32
      %dma_start3A_399 = arith.constant 0 : i32
      %dma_start3A_400 = arith.constant 0 : i32
      %dma_start3A_401 = tpu.memref_slice %arg23[%dma_start3A_398, %dma_start3A_399, %dma_start3A_400] : memref<5x2x128xi32, #tpu.memory_space<vmem>> -> memref<5x2x128xi32, #tpu.memory_space<vmem>>
      %dma_start3A_402 = arith.constant 0 : i32
      %dma_start3A_403 = arith.constant 0 : i32
      %dma_start3A_404 = tpu.memref_slice %arg8[%add3A_293, %dma_start3A_402, %dma_start3A_403] : memref<990x2x128xi32, #tpu.memory_space<hbm>> -> memref<5x2x128xi32, #tpu.memory_space<hbm>>
      %dma_start3A_405 = arith.constant 0 : i32
      %dma_start3A_406 = arith.constant 0 : i32
      %dma_start3A_407 = arith.constant 0 : i32
      %dma_start3A_408 = tpu.memref_slice %arg23[%dma_start3A_405, %dma_start3A_406, %dma_start3A_407] : memref<5x2x128xi32, #tpu.memory_space<vmem>> -> memref<5x2x128xi32, #tpu.memory_space<vmem>>
      %dma_start3A_409 = arith.constant 0 : i32
      %dma_start3A_410 = arith.constant 0 : i32
      %dma_start3A_411 = tpu.memref_slice %arg8[%add3A_293, %dma_start3A_409, %dma_start3A_410] : memref<990x2x128xi32, #tpu.memory_space<hbm>> -> memref<5x2x128xi32, #tpu.memory_space<hbm>>
      tpu.enqueue_dma source(%dma_start3A_411 : memref<5x2x128xi32, #tpu.memory_space<hbm>>) target(%dma_start3A_408 : memref<5x2x128xi32, #tpu.memory_space<vmem>>) target_semaphore(%arg26 : memref<!tpu.dma_semaphore, #tpu.memory_space<semaphore_mem>>)
      %dma_wait3A_412 = arith.constant 0 : i32
      %dma_wait3A_413 = arith.constant 0 : i32
      %dma_wait3A_414 = arith.constant 0 : i32
      %dma_wait3A_415 = arith.constant 0 : i32
      %dma_wait3A_416 = tpu.memref_slice %arg13[%dma_wait3A_412, %dma_wait3A_413, %dma_wait3A_414, %dma_wait3A_415] : memref<11x5x2x128xf32, #tpu.memory_space<vmem>> -> memref<11x5x2x128xf32, #tpu.memory_space<vmem>>
      %dma_wait3A_417 = arith.constant 0 : i32
      %dma_wait3A_418 = arith.constant 0 : i32
      %dma_wait3A_419 = arith.constant 0 : i32
      %dma_wait3A_420 = tpu.memref_slice %arg4[%dma_wait3A_417, %select_n3A, %dma_wait3A_418, %dma_wait3A_419] : memref<11x990x2x128xf32, #tpu.memory_space<hbm>> -> memref<11x5x2x128xf32, #tpu.memory_space<hbm>>
      %dma_wait3A_421 = arith.constant 0 : i32
      %dma_wait3A_422 = arith.constant 0 : i32
      %dma_wait3A_423 = arith.constant 0 : i32
      %dma_wait3A_424 = arith.constant 0 : i32
      %dma_wait3A_425 = tpu.memref_slice %arg13[%dma_wait3A_421, %dma_wait3A_422, %dma_wait3A_423, %dma_wait3A_424] : memref<11x5x2x128xf32, #tpu.memory_space<vmem>> -> memref<11x5x2x128xf32, #tpu.memory_space<vmem>>
      %dma_wait3A_426 = arith.constant 0 : i32
      %dma_wait3A_427 = arith.constant 0 : i32
      %dma_wait3A_428 = arith.constant 0 : i32
      %dma_wait3A_429 = tpu.memref_slice %arg4[%dma_wait3A_426, %select_n3A, %dma_wait3A_427, %dma_wait3A_428] : memref<11x990x2x128xf32, #tpu.memory_space<hbm>> -> memref<11x5x2x128xf32, #tpu.memory_space<hbm>>
      tpu.wait_dma2 semaphore(%arg25 : memref<!tpu.dma_semaphore, #tpu.memory_space<semaphore_mem>>) src(%dma_wait3A_429 : memref<11x5x2x128xf32, #tpu.memory_space<hbm>>) dst(%dma_wait3A_425 : memref<11x5x2x128xf32, #tpu.memory_space<vmem>>)
      %dma_wait3A_430 = arith.constant 0 : i32
      %dma_wait3A_431 = arith.constant 0 : i32
      %dma_wait3A_432 = arith.constant 0 : i32
      %dma_wait3A_433 = arith.constant 0 : i32
      %dma_wait3A_434 = tpu.memref_slice %arg14[%dma_wait3A_430, %dma_wait3A_431, %dma_wait3A_432, %dma_wait3A_433] : memref<11x5x2x128xf32, #tpu.memory_space<vmem>> -> memref<11x5x2x128xf32, #tpu.memory_space<vmem>>
      %dma_wait3A_435 = arith.constant 0 : i32
      %dma_wait3A_436 = arith.constant 0 : i32
      %dma_wait3A_437 = arith.constant 0 : i32
      %dma_wait3A_438 = tpu.memref_slice %arg6[%dma_wait3A_435, %select_n3A, %dma_wait3A_436, %dma_wait3A_437] : memref<11x990x2x128xf32, #tpu.memory_space<hbm>> -> memref<11x5x2x128xf32, #tpu.memory_space<hbm>>
      %dma_wait3A_439 = arith.constant 0 : i32
      %dma_wait3A_440 = arith.constant 0 : i32
      %dma_wait3A_441 = arith.constant 0 : i32
      %dma_wait3A_442 = arith.constant 0 : i32
      %dma_wait3A_443 = tpu.memref_slice %arg14[%dma_wait3A_439, %dma_wait3A_440, %dma_wait3A_441, %dma_wait3A_442] : memref<11x5x2x128xf32, #tpu.memory_space<vmem>> -> memref<11x5x2x128xf32, #tpu.memory_space<vmem>>
      %dma_wait3A_444 = arith.constant 0 : i32
      %dma_wait3A_445 = arith.constant 0 : i32
      %dma_wait3A_446 = arith.constant 0 : i32
      %dma_wait3A_447 = tpu.memref_slice %arg6[%dma_wait3A_444, %select_n3A, %dma_wait3A_445, %dma_wait3A_446] : memref<11x990x2x128xf32, #tpu.memory_space<hbm>> -> memref<11x5x2x128xf32, #tpu.memory_space<hbm>>
      tpu.wait_dma2 semaphore(%arg25 : memref<!tpu.dma_semaphore, #tpu.memory_space<semaphore_mem>>) src(%dma_wait3A_447 : memref<11x5x2x128xf32, #tpu.memory_space<hbm>>) dst(%dma_wait3A_443 : memref<11x5x2x128xf32, #tpu.memory_space<vmem>>)
      %dma_wait3A_448 = arith.constant 0 : i32
      %dma_wait3A_449 = arith.constant 0 : i32
      %dma_wait3A_450 = arith.constant 0 : i32
      %dma_wait3A_451 = arith.constant 0 : i32
      %dma_wait3A_452 = tpu.memref_slice %arg10[%dma_wait3A_448, %dma_wait3A_449, %dma_wait3A_450, %dma_wait3A_451] : memref<2x5x4x128xf32, #tpu.memory_space<vmem>> -> memref<2x5x4x128xf32, #tpu.memory_space<vmem>>
      %dma_wait3A_453 = arith.constant 0 : i32
      %dma_wait3A_454 = arith.constant 0 : i32
      %dma_wait3A_455 = arith.constant 0 : i32
      %dma_wait3A_456 = tpu.memref_slice %arg2[%dma_wait3A_453, %select_n3A, %dma_wait3A_454, %dma_wait3A_455] : memref<2x990x4x128xf32, #tpu.memory_space<hbm>> -> memref<2x5x4x128xf32, #tpu.memory_space<hbm>>
      %dma_wait3A_457 = arith.constant 0 : i32
      %dma_wait3A_458 = arith.constant 0 : i32
      %dma_wait3A_459 = arith.constant 0 : i32
      %dma_wait3A_460 = arith.constant 0 : i32
      %dma_wait3A_461 = tpu.memref_slice %arg10[%dma_wait3A_457, %dma_wait3A_458, %dma_wait3A_459, %dma_wait3A_460] : memref<2x5x4x128xf32, #tpu.memory_space<vmem>> -> memref<2x5x4x128xf32, #tpu.memory_space<vmem>>
      %dma_wait3A_462 = arith.constant 0 : i32
      %dma_wait3A_463 = arith.constant 0 : i32
      %dma_wait3A_464 = arith.constant 0 : i32
      %dma_wait3A_465 = tpu.memref_slice %arg2[%dma_wait3A_462, %select_n3A, %dma_wait3A_463, %dma_wait3A_464] : memref<2x990x4x128xf32, #tpu.memory_space<hbm>> -> memref<2x5x4x128xf32, #tpu.memory_space<hbm>>
      tpu.wait_dma2 semaphore(%arg25 : memref<!tpu.dma_semaphore, #tpu.memory_space<semaphore_mem>>) src(%dma_wait3A_465 : memref<2x5x4x128xf32, #tpu.memory_space<hbm>>) dst(%dma_wait3A_461 : memref<2x5x4x128xf32, #tpu.memory_space<vmem>>)
      %dma_wait3A_466 = arith.constant 0 : i32
      %dma_wait3A_467 = arith.constant 0 : i32
      %dma_wait3A_468 = arith.constant 0 : i32
      %dma_wait3A_469 = arith.constant 0 : i32
      %dma_wait3A_470 = tpu.memref_slice %arg11[%dma_wait3A_466, %dma_wait3A_467, %dma_wait3A_468, %dma_wait3A_469] : memref<2x5x4x128xf32, #tpu.memory_space<vmem>> -> memref<2x5x4x128xf32, #tpu.memory_space<vmem>>
      %dma_wait3A_471 = arith.constant 0 : i32
      %dma_wait3A_472 = arith.constant 0 : i32
      %dma_wait3A_473 = arith.constant 0 : i32
      %dma_wait3A_474 = tpu.memref_slice %arg3[%dma_wait3A_471, %select_n3A, %dma_wait3A_472, %dma_wait3A_473] : memref<2x990x4x128xf32, #tpu.memory_space<hbm>> -> memref<2x5x4x128xf32, #tpu.memory_space<hbm>>
      %dma_wait3A_475 = arith.constant 0 : i32
      %dma_wait3A_476 = arith.constant 0 : i32
      %dma_wait3A_477 = arith.constant 0 : i32
      %dma_wait3A_478 = arith.constant 0 : i32
      %dma_wait3A_479 = tpu.memref_slice %arg11[%dma_wait3A_475, %dma_wait3A_476, %dma_wait3A_477, %dma_wait3A_478] : memref<2x5x4x128xf32, #tpu.memory_space<vmem>> -> memref<2x5x4x128xf32, #tpu.memory_space<vmem>>
      %dma_wait3A_480 = arith.constant 0 : i32
      %dma_wait3A_481 = arith.constant 0 : i32
      %dma_wait3A_482 = arith.constant 0 : i32
      %dma_wait3A_483 = tpu.memref_slice %arg3[%dma_wait3A_480, %select_n3A, %dma_wait3A_481, %dma_wait3A_482] : memref<2x990x4x128xf32, #tpu.memory_space<hbm>> -> memref<2x5x4x128xf32, #tpu.memory_space<hbm>>
      tpu.wait_dma2 semaphore(%arg25 : memref<!tpu.dma_semaphore, #tpu.memory_space<semaphore_mem>>) src(%dma_wait3A_483 : memref<2x5x4x128xf32, #tpu.memory_space<hbm>>) dst(%dma_wait3A_479 : memref<2x5x4x128xf32, #tpu.memory_space<vmem>>)
      %dma_wait3A_484 = arith.constant 0 : i32
      %dma_wait3A_485 = arith.constant 0 : i32
      %dma_wait3A_486 = arith.constant 0 : i32
      %dma_wait3A_487 = arith.constant 0 : i32
      %dma_wait3A_488 = tpu.memref_slice %arg12[%dma_wait3A_484, %dma_wait3A_485, %dma_wait3A_486, %dma_wait3A_487] : memref<2x5x4x128xf32, #tpu.memory_space<vmem>> -> memref<2x5x4x128xf32, #tpu.memory_space<vmem>>
      %dma_wait3A_489 = arith.constant 0 : i32
      %dma_wait3A_490 = arith.constant 0 : i32
      %dma_wait3A_491 = arith.constant 0 : i32
      %dma_wait3A_492 = tpu.memref_slice %arg5[%dma_wait3A_489, %select_n3A, %dma_wait3A_490, %dma_wait3A_491] : memref<2x990x4x128xf32, #tpu.memory_space<hbm>> -> memref<2x5x4x128xf32, #tpu.memory_space<hbm>>
      %dma_wait3A_493 = arith.constant 0 : i32
      %dma_wait3A_494 = arith.constant 0 : i32
      %dma_wait3A_495 = arith.constant 0 : i32
      %dma_wait3A_496 = arith.constant 0 : i32
      %dma_wait3A_497 = tpu.memref_slice %arg12[%dma_wait3A_493, %dma_wait3A_494, %dma_wait3A_495, %dma_wait3A_496] : memref<2x5x4x128xf32, #tpu.memory_space<vmem>> -> memref<2x5x4x128xf32, #tpu.memory_space<vmem>>
      %dma_wait3A_498 = arith.constant 0 : i32
      %dma_wait3A_499 = arith.constant 0 : i32
      %dma_wait3A_500 = arith.constant 0 : i32
      %dma_wait3A_501 = tpu.memref_slice %arg5[%dma_wait3A_498, %select_n3A, %dma_wait3A_499, %dma_wait3A_500] : memref<2x990x4x128xf32, #tpu.memory_space<hbm>> -> memref<2x5x4x128xf32, #tpu.memory_space<hbm>>
      tpu.wait_dma2 semaphore(%arg25 : memref<!tpu.dma_semaphore, #tpu.memory_space<semaphore_mem>>) src(%dma_wait3A_501 : memref<2x5x4x128xf32, #tpu.memory_space<hbm>>) dst(%dma_wait3A_497 : memref<2x5x4x128xf32, #tpu.memory_space<vmem>>)
      %dma_wait3A_502 = arith.constant 0 : i32
      %dma_wait3A_503 = arith.constant 0 : i32
      %dma_wait3A_504 = arith.constant 0 : i32
      %dma_wait3A_505 = tpu.memref_slice %arg15[%dma_wait3A_502, %dma_wait3A_503, %dma_wait3A_504] : memref<5x2x128xf32, #tpu.memory_space<vmem>> -> memref<5x2x128xf32, #tpu.memory_space<vmem>>
      %dma_wait3A_506 = arith.constant 0 : i32
      %dma_wait3A_507 = arith.constant 0 : i32
      %dma_wait3A_508 = tpu.memref_slice %arg7[%select_n3A, %dma_wait3A_506, %dma_wait3A_507] : memref<990x2x128xf32, #tpu.memory_space<hbm>> -> memref<5x2x128xf32, #tpu.memory_space<hbm>>
      %dma_wait3A_509 = arith.constant 0 : i32
      %dma_wait3A_510 = arith.constant 0 : i32
      %dma_wait3A_511 = arith.constant 0 : i32
      %dma_wait3A_512 = tpu.memref_slice %arg15[%dma_wait3A_509, %dma_wait3A_510, %dma_wait3A_511] : memref<5x2x128xf32, #tpu.memory_space<vmem>> -> memref<5x2x128xf32, #tpu.memory_space<vmem>>
      %dma_wait3A_513 = arith.constant 0 : i32
      %dma_wait3A_514 = arith.constant 0 : i32
      %dma_wait3A_515 = tpu.memref_slice %arg7[%select_n3A, %dma_wait3A_513, %dma_wait3A_514] : memref<990x2x128xf32, #tpu.memory_space<hbm>> -> memref<5x2x128xf32, #tpu.memory_space<hbm>>
      tpu.wait_dma2 semaphore(%arg25 : memref<!tpu.dma_semaphore, #tpu.memory_space<semaphore_mem>>) src(%dma_wait3A_515 : memref<5x2x128xf32, #tpu.memory_space<hbm>>) dst(%dma_wait3A_512 : memref<5x2x128xf32, #tpu.memory_space<vmem>>)
      %dma_wait3A_516 = arith.constant 0 : i32
      %dma_wait3A_517 = arith.constant 0 : i32
      %dma_wait3A_518 = arith.constant 0 : i32
      %dma_wait3A_519 = tpu.memref_slice %arg16[%dma_wait3A_516, %dma_wait3A_517, %dma_wait3A_518] : memref<5x2x128xi32, #tpu.memory_space<vmem>> -> memref<5x2x128xi32, #tpu.memory_space<vmem>>
      %dma_wait3A_520 = arith.constant 0 : i32
      %dma_wait3A_521 = arith.constant 0 : i32
      %dma_wait3A_522 = tpu.memref_slice %arg8[%select_n3A, %dma_wait3A_520, %dma_wait3A_521] : memref<990x2x128xi32, #tpu.memory_space<hbm>> -> memref<5x2x128xi32, #tpu.memory_space<hbm>>
      %dma_wait3A_523 = arith.constant 0 : i32
      %dma_wait3A_524 = arith.constant 0 : i32
      %dma_wait3A_525 = arith.constant 0 : i32
      %dma_wait3A_526 = tpu.memref_slice %arg16[%dma_wait3A_523, %dma_wait3A_524, %dma_wait3A_525] : memref<5x2x128xi32, #tpu.memory_space<vmem>> -> memref<5x2x128xi32, #tpu.memory_space<vmem>>
      %dma_wait3A_527 = arith.constant 0 : i32
      %dma_wait3A_528 = arith.constant 0 : i32
      %dma_wait3A_529 = tpu.memref_slice %arg8[%select_n3A, %dma_wait3A_527, %dma_wait3A_528] : memref<990x2x128xi32, #tpu.memory_space<hbm>> -> memref<5x2x128xi32, #tpu.memory_space<hbm>>
      tpu.wait_dma2 semaphore(%arg25 : memref<!tpu.dma_semaphore, #tpu.memory_space<semaphore_mem>>) src(%dma_wait3A_529 : memref<5x2x128xi32, #tpu.memory_space<hbm>>) dst(%dma_wait3A_526 : memref<5x2x128xi32, #tpu.memory_space<vmem>>)
      %parallel_loop3A_530 = arith.constant 0 : i32
      %parallel_loop3A_531 = arith.constant 80 : i32
      %parallel_loop3A_532 = arith.constant 1 : i32
      %parallel_loop3A_533:3 = scf.for %parallel_loop3A_663 = %parallel_loop3A_530 to %parallel_loop3A_531 step %parallel_loop3A_532 iter_args(%parallel_loop3A_664 = %scan3A_284, %parallel_loop3A_665 = %scan3A_285, %parallel_loop3A_666 = %scan3A_286) -> (vector<16xf32>, vector<16xf32>, vector<16xf32>)  : i32 {
        %parallel_loop3A_667 = arith.constant 4 : i32
        %parallel_loop3A_668 = arith.shrsi %parallel_loop3A_663, %parallel_loop3A_667 : i32
        %parallel_loop3A_669 = arith.constant 3 : i32
        %parallel_loop3A_670 = arith.shrsi %parallel_loop3A_663, %parallel_loop3A_669 : i32
        %parallel_loop3A_671 = arith.constant 1 : i32
        %parallel_loop3A_672 = arith.andi %parallel_loop3A_670, %parallel_loop3A_671 : i32
        %parallel_loop3A_673 = arith.constant 7 : i32
        %parallel_loop3A_674 = arith.andi %parallel_loop3A_663, %parallel_loop3A_673 : i32
        %parallel_loop3A_675 = arith.constant 16 : i32
        %parallel_loop3A_676 = arith.muli %parallel_loop3A_674, %parallel_loop3A_675 : i32
        %parallel_loop3A_677 = arith.index_cast %parallel_loop3A_668 : i32 to index
        %parallel_loop3A_678 = arith.index_cast %parallel_loop3A_672 : i32 to index
        %parallel_loop3A_679 = arith.index_cast %parallel_loop3A_676 : i32 to index
        %parallel_loop3A_680 = tpu.vector_load %arg16[%parallel_loop3A_677, %parallel_loop3A_678, %parallel_loop3A_679] {strides = array<i32>} : memref<5x2x128xi32, #tpu.memory_space<vmem>>, vector<16xi32>,
        %parallel_loop3A_681 = arith.constant 0 : i32
        %parallel_loop3A_682 = vector.broadcast %parallel_loop3A_681 : i32 to vector<16xi32>
        %parallel_loop3A_683 = arith.cmpi sgt, %parallel_loop3A_680, %parallel_loop3A_682 : vector<16xi32>
        %parallel_loop3A_684 = arith.constant 1.000000e+00 : f32
        %parallel_loop3A_685 = arith.constant 0.000000e+00 : f32
        %parallel_loop3A_686 = vector.broadcast %parallel_loop3A_684 : f32 to vector<16xf32>
        %parallel_loop3A_687 = vector.broadcast %parallel_loop3A_685 : f32 to vector<16xf32>
        %parallel_loop3A_688 = arith.select %parallel_loop3A_683, %parallel_loop3A_686, %parallel_loop3A_687 : vector<16xi1>, vector<16xf32>
        %parallel_loop3A_689 = arith.index_cast %parallel_loop3A_668 : i32 to index
        %parallel_loop3A_690 = arith.index_cast %parallel_loop3A_672 : i32 to index
        %parallel_loop3A_691 = arith.index_cast %parallel_loop3A_676 : i32 to index
        %parallel_loop3A_692 = tpu.vector_load %arg15[%parallel_loop3A_689, %parallel_loop3A_690, %parallel_loop3A_691] {strides = array<i32>} : memref<5x2x128xf32, #tpu.memory_space<vmem>>, vector<16xf32>,
        %parallel_loop3A_693 = arith.mulf %parallel_loop3A_688, %parallel_loop3A_692 : vector<16xf32>
        %parallel_loop3A_694 = arith.constant 0 : i32
        %parallel_loop3A_695 = arith.index_cast %parallel_loop3A_672 : i32 to index
        %parallel_loop3A_696 = arith.index_cast %parallel_loop3A_668 : i32 to index
        %parallel_loop3A_697 = arith.index_cast %parallel_loop3A_694 : i32 to index
        %parallel_loop3A_698 = arith.index_cast %parallel_loop3A_676 : i32 to index
        %parallel_loop3A_699 = tpu.vector_load %arg10[%parallel_loop3A_695, %parallel_loop3A_696, %parallel_loop3A_697, %parallel_loop3A_698] {strides = array<i32>} : memref<2x5x4x128xf32, #tpu.memory_space<vmem>>, vector<16xf32>,
        %parallel_loop3A_700 = arith.constant 1 : i32
        %parallel_loop3A_701 = arith.index_cast %parallel_loop3A_672 : i32 to index
        %parallel_loop3A_702 = arith.index_cast %parallel_loop3A_668 : i32 to index
        %parallel_loop3A_703 = arith.index_cast %parallel_loop3A_700 : i32 to index
        %parallel_loop3A_704 = arith.index_cast %parallel_loop3A_676 : i32 to index
        %parallel_loop3A_705 = tpu.vector_load %arg10[%parallel_loop3A_701, %parallel_loop3A_702, %parallel_loop3A_703, %parallel_loop3A_704] {strides = array<i32>} : memref<2x5x4x128xf32, #tpu.memory_space<vmem>>, vector<16xf32>,
        %parallel_loop3A_706 = arith.constant 2 : i32
        %parallel_loop3A_707 = arith.index_cast %parallel_loop3A_672 : i32 to index
        %parallel_loop3A_708 = arith.index_cast %parallel_loop3A_668 : i32 to index
        %parallel_loop3A_709 = arith.index_cast %parallel_loop3A_706 : i32 to index
        %parallel_loop3A_710 = arith.index_cast %parallel_loop3A_676 : i32 to index
        %parallel_loop3A_711 = tpu.vector_load %arg10[%parallel_loop3A_707, %parallel_loop3A_708, %parallel_loop3A_709, %parallel_loop3A_710] {strides = array<i32>} : memref<2x5x4x128xf32, #tpu.memory_space<vmem>>, vector<16xf32>,
        %parallel_loop3A_712 = arith.constant 3 : i32
        %parallel_loop3A_713 = arith.index_cast %parallel_loop3A_672 : i32 to index
        %parallel_loop3A_714 = arith.index_cast %parallel_loop3A_668 : i32 to index
        %parallel_loop3A_715 = arith.index_cast %parallel_loop3A_712 : i32 to index
        %parallel_loop3A_716 = arith.index_cast %parallel_loop3A_676 : i32 to index
        %parallel_loop3A_717 = tpu.vector_load %arg10[%parallel_loop3A_713, %parallel_loop3A_714, %parallel_loop3A_715, %parallel_loop3A_716] {strides = array<i32>} : memref<2x5x4x128xf32, #tpu.memory_space<vmem>>, vector<16xf32>,
        %parallel_loop3A_718 = arith.constant 0 : i32
        %parallel_loop3A_719 = vector.broadcast %parallel_loop3A_718 : i32 to vector<16xi32>
        %parallel_loop3A_720 = arith.cmpi eq, %parallel_loop3A_680, %parallel_loop3A_719 : vector<16xi32>
        %parallel_loop3A_721 = arith.constant 1 : i32
        %parallel_loop3A_722 = vector.broadcast %parallel_loop3A_721 : i32 to vector<16xi32>
        %parallel_loop3A_723 = arith.cmpi eq, %parallel_loop3A_680, %parallel_loop3A_722 : vector<16xi32>
        %parallel_loop3A_724 = arith.constant 2 : i32
        %parallel_loop3A_725 = vector.broadcast %parallel_loop3A_724 : i32 to vector<16xi32>
        %parallel_loop3A_726 = arith.cmpi eq, %parallel_loop3A_680, %parallel_loop3A_725 : vector<16xi32>
        %parallel_loop3A_727 = arith.select %parallel_loop3A_726, %parallel_loop3A_711, %parallel_loop3A_717 : vector<16xi1>, vector<16xf32>
        %parallel_loop3A_728 = arith.select %parallel_loop3A_723, %parallel_loop3A_705, %parallel_loop3A_727 : vector<16xi1>, vector<16xf32>
        %parallel_loop3A_729 = arith.select %parallel_loop3A_720, %parallel_loop3A_699, %parallel_loop3A_728 : vector<16xi1>, vector<16xf32>
        %parallel_loop3A_730 = arith.addf %parallel_loop3A_665, %parallel_loop3A_729 : vector<16xf32>
        %parallel_loop3A_731 = arith.constant 0 : i32
        %parallel_loop3A_732 = arith.index_cast %parallel_loop3A_672 : i32 to index
        %parallel_loop3A_733 = arith.index_cast %parallel_loop3A_668 : i32 to index
        %parallel_loop3A_734 = arith.index_cast %parallel_loop3A_731 : i32 to index
        %parallel_loop3A_735 = arith.index_cast %parallel_loop3A_676 : i32 to index
        %parallel_loop3A_736 = tpu.vector_load %arg11[%parallel_loop3A_732, %parallel_loop3A_733, %parallel_loop3A_734, %parallel_loop3A_735] {strides = array<i32>} : memref<2x5x4x128xf32, #tpu.memory_space<vmem>>, vector<16xf32>,
        %parallel_loop3A_737 = arith.constant 0 : i32
        %parallel_loop3A_738 = arith.index_cast %parallel_loop3A_672 : i32 to index
        %parallel_loop3A_739 = arith.index_cast %parallel_loop3A_668 : i32 to index
        %parallel_loop3A_740 = arith.index_cast %parallel_loop3A_737 : i32 to index
        %parallel_loop3A_741 = arith.index_cast %parallel_loop3A_676 : i32 to index
        %parallel_loop3A_742 = tpu.vector_load %arg12[%parallel_loop3A_738, %parallel_loop3A_739, %parallel_loop3A_740, %parallel_loop3A_741] {strides = array<i32>} : memref<2x5x4x128xf32, #tpu.memory_space<vmem>>, vector<16xf32>,
        %parallel_loop3A_743 = arith.subf %parallel_loop3A_736, %parallel_loop3A_742 : vector<16xf32>
        %parallel_loop3A_744 = math.absf %parallel_loop3A_743 : vector<16xf32>
        %parallel_loop3A_745 = arith.constant 0.111111112 : f32
        %parallel_loop3A_746 = vector.broadcast %parallel_loop3A_745 : f32 to vector<16xf32>
        %parallel_loop3A_747 = arith.minimumf %parallel_loop3A_744, %parallel_loop3A_746 : vector<16xf32>
        %parallel_loop3A_748 = arith.subf %parallel_loop3A_744, %parallel_loop3A_747 : vector<16xf32>
        %parallel_loop3A_749 = arith.mulf %parallel_loop3A_747, %parallel_loop3A_747 : vector<16xf32>
        %parallel_loop3A_750 = arith.constant 4.500000e+00 : f32
        %parallel_loop3A_751 = vector.broadcast %parallel_loop3A_750 : f32 to vector<16xf32>
        %parallel_loop3A_752 = arith.mulf %parallel_loop3A_749, %parallel_loop3A_751 : vector<16xf32>
        %parallel_loop3A_753 = arith.addf %parallel_loop3A_748, %parallel_loop3A_752 : vector<16xf32>
        %parallel_loop3A_754 = arith.constant 1 : i32
        %parallel_loop3A_755 = arith.index_cast %parallel_loop3A_672 : i32 to index
        %parallel_loop3A_756 = arith.index_cast %parallel_loop3A_668 : i32 to index
        %parallel_loop3A_757 = arith.index_cast %parallel_loop3A_754 : i32 to index
        %parallel_loop3A_758 = arith.index_cast %parallel_loop3A_676 : i32 to index
        %parallel_loop3A_759 = tpu.vector_load %arg11[%parallel_loop3A_755, %parallel_loop3A_756, %parallel_loop3A_757, %parallel_loop3A_758] {strides = array<i32>} : memref<2x5x4x128xf32, #tpu.memory_space<vmem>>, vector<16xf32>,
        %parallel_loop3A_760 = arith.constant 1 : i32
        %parallel_loop3A_761 = arith.index_cast %parallel_loop3A_672 : i32 to index
        %parallel_loop3A_762 = arith.index_cast %parallel_loop3A_668 : i32 to index
        %parallel_loop3A_763 = arith.index_cast %parallel_loop3A_760 : i32 to index
        %parallel_loop3A_764 = arith.index_cast %parallel_loop3A_676 : i32 to index
        %parallel_loop3A_765 = tpu.vector_load %arg12[%parallel_loop3A_761, %parallel_loop3A_762, %parallel_loop3A_763, %parallel_loop3A_764] {strides = array<i32>} : memref<2x5x4x128xf32, #tpu.memory_space<vmem>>, vector<16xf32>,
        %parallel_loop3A_766 = arith.subf %parallel_loop3A_759, %parallel_loop3A_765 : vector<16xf32>
        %parallel_loop3A_767 = math.absf %parallel_loop3A_766 : vector<16xf32>
        %parallel_loop3A_768 = arith.constant 0.111111112 : f32
        %parallel_loop3A_769 = vector.broadcast %parallel_loop3A_768 : f32 to vector<16xf32>
        %parallel_loop3A_770 = arith.minimumf %parallel_loop3A_767, %parallel_loop3A_769 : vector<16xf32>
        %parallel_loop3A_771 = arith.subf %parallel_loop3A_767, %parallel_loop3A_770 : vector<16xf32>
        %parallel_loop3A_772 = arith.mulf %parallel_loop3A_770, %parallel_loop3A_770 : vector<16xf32>
        %parallel_loop3A_773 = arith.constant 4.500000e+00 : f32
        %parallel_loop3A_774 = vector.broadcast %parallel_loop3A_773 : f32 to vector<16xf32>
        %parallel_loop3A_775 = arith.mulf %parallel_loop3A_772, %parallel_loop3A_774 : vector<16xf32>
        %parallel_loop3A_776 = arith.addf %parallel_loop3A_771, %parallel_loop3A_775 : vector<16xf32>
        %parallel_loop3A_777 = arith.constant 2 : i32
        %parallel_loop3A_778 = arith.index_cast %parallel_loop3A_672 : i32 to index
        %parallel_loop3A_779 = arith.index_cast %parallel_loop3A_668 : i32 to index
        %parallel_loop3A_780 = arith.index_cast %parallel_loop3A_777 : i32 to index
        %parallel_loop3A_781 = arith.index_cast %parallel_loop3A_676 : i32 to index
        %parallel_loop3A_782 = tpu.vector_load %arg11[%parallel_loop3A_778, %parallel_loop3A_779, %parallel_loop3A_780, %parallel_loop3A_781] {strides = array<i32>} : memref<2x5x4x128xf32, #tpu.memory_space<vmem>>, vector<16xf32>,
        %parallel_loop3A_783 = arith.constant 2 : i32
        %parallel_loop3A_784 = arith.index_cast %parallel_loop3A_672 : i32 to index
        %parallel_loop3A_785 = arith.index_cast %parallel_loop3A_668 : i32 to index
        %parallel_loop3A_786 = arith.index_cast %parallel_loop3A_783 : i32 to index
        %parallel_loop3A_787 = arith.index_cast %parallel_loop3A_676 : i32 to index
        %parallel_loop3A_788 = tpu.vector_load %arg12[%parallel_loop3A_784, %parallel_loop3A_785, %parallel_loop3A_786, %parallel_loop3A_787] {strides = array<i32>} : memref<2x5x4x128xf32, #tpu.memory_space<vmem>>, vector<16xf32>,
        %parallel_loop3A_789 = arith.subf %parallel_loop3A_782, %parallel_loop3A_788 : vector<16xf32>
        %parallel_loop3A_790 = math.absf %parallel_loop3A_789 : vector<16xf32>
        %parallel_loop3A_791 = arith.constant 0.111111112 : f32
        %parallel_loop3A_792 = vector.broadcast %parallel_loop3A_791 : f32 to vector<16xf32>
        %parallel_loop3A_793 = arith.minimumf %parallel_loop3A_790, %parallel_loop3A_792 : vector<16xf32>
        %parallel_loop3A_794 = arith.subf %parallel_loop3A_790, %parallel_loop3A_793 : vector<16xf32>
        %parallel_loop3A_795 = arith.mulf %parallel_loop3A_793, %parallel_loop3A_793 : vector<16xf32>
        %parallel_loop3A_796 = arith.constant 4.500000e+00 : f32
        %parallel_loop3A_797 = vector.broadcast %parallel_loop3A_796 : f32 to vector<16xf32>
        %parallel_loop3A_798 = arith.mulf %parallel_loop3A_795, %parallel_loop3A_797 : vector<16xf32>
        %parallel_loop3A_799 = arith.addf %parallel_loop3A_794, %parallel_loop3A_798 : vector<16xf32>
        %parallel_loop3A_800 = arith.constant 3 : i32
        %parallel_loop3A_801 = arith.index_cast %parallel_loop3A_672 : i32 to index
        %parallel_loop3A_802 = arith.index_cast %parallel_loop3A_668 : i32 to index
        %parallel_loop3A_803 = arith.index_cast %parallel_loop3A_800 : i32 to index
        %parallel_loop3A_804 = arith.index_cast %parallel_loop3A_676 : i32 to index
        %parallel_loop3A_805 = tpu.vector_load %arg11[%parallel_loop3A_801, %parallel_loop3A_802, %parallel_loop3A_803, %parallel_loop3A_804] {strides = array<i32>} : memref<2x5x4x128xf32, #tpu.memory_space<vmem>>, vector<16xf32>,
        %parallel_loop3A_806 = arith.constant 3 : i32
        %parallel_loop3A_807 = arith.index_cast %parallel_loop3A_672 : i32 to index
        %parallel_loop3A_808 = arith.index_cast %parallel_loop3A_668 : i32 to index
        %parallel_loop3A_809 = arith.index_cast %parallel_loop3A_806 : i32 to index
        %parallel_loop3A_810 = arith.index_cast %parallel_loop3A_676 : i32 to index
        %parallel_loop3A_811 = tpu.vector_load %arg12[%parallel_loop3A_807, %parallel_loop3A_808, %parallel_loop3A_809, %parallel_loop3A_810] {strides = array<i32>} : memref<2x5x4x128xf32, #tpu.memory_space<vmem>>, vector<16xf32>,
        %parallel_loop3A_812 = arith.subf %parallel_loop3A_805, %parallel_loop3A_811 : vector<16xf32>
        %parallel_loop3A_813 = math.absf %parallel_loop3A_812 : vector<16xf32>
        %parallel_loop3A_814 = arith.constant 0.111111112 : f32
        %parallel_loop3A_815 = vector.broadcast %parallel_loop3A_814 : f32 to vector<16xf32>
        %parallel_loop3A_816 = arith.minimumf %parallel_loop3A_813, %parallel_loop3A_815 : vector<16xf32>
        %parallel_loop3A_817 = arith.subf %parallel_loop3A_813, %parallel_loop3A_816 : vector<16xf32>
        %parallel_loop3A_818 = arith.mulf %parallel_loop3A_816, %parallel_loop3A_816 : vector<16xf32>
        %parallel_loop3A_819 = arith.constant 4.500000e+00 : f32
        %parallel_loop3A_820 = vector.broadcast %parallel_loop3A_819 : f32 to vector<16xf32>
        %parallel_loop3A_821 = arith.mulf %parallel_loop3A_818, %parallel_loop3A_820 : vector<16xf32>
        %parallel_loop3A_822 = arith.addf %parallel_loop3A_817, %parallel_loop3A_821 : vector<16xf32>
        %parallel_loop3A_823 = arith.constant 0 : i32
        %parallel_loop3A_824 = arith.index_cast %parallel_loop3A_823 : i32 to index
        %parallel_loop3A_825 = arith.index_cast %parallel_loop3A_668 : i32 to index
        %parallel_loop3A_826 = arith.index_cast %parallel_loop3A_672 : i32 to index
        %parallel_loop3A_827 = arith.index_cast %parallel_loop3A_676 : i32 to index
        %parallel_loop3A_828 = tpu.vector_load %arg13[%parallel_loop3A_824, %parallel_loop3A_825, %parallel_loop3A_826, %parallel_loop3A_827] {strides = array<i32>} : memref<11x5x2x128xf32, #tpu.memory_space<vmem>>, vector<16xf32>,
        %parallel_loop3A_829 = arith.constant 0 : i32
        %parallel_loop3A_830 = arith.index_cast %parallel_loop3A_829 : i32 to index
        %parallel_loop3A_831 = arith.index_cast %parallel_loop3A_668 : i32 to index
        %parallel_loop3A_832 = arith.index_cast %parallel_loop3A_672 : i32 to index
        %parallel_loop3A_833 = arith.index_cast %parallel_loop3A_676 : i32 to index
        %parallel_loop3A_834 = tpu.vector_load %arg14[%parallel_loop3A_830, %parallel_loop3A_831, %parallel_loop3A_832, %parallel_loop3A_833] {strides = array<i32>} : memref<11x5x2x128xf32, #tpu.memory_space<vmem>>, vector<16xf32>,
        %parallel_loop3A_835 = arith.subf %parallel_loop3A_828, %parallel_loop3A_834 : vector<16xf32>
        %parallel_loop3A_836 = math.absf %parallel_loop3A_835 : vector<16xf32>
        %parallel_loop3A_837 = arith.constant 0.111111112 : f32
        %parallel_loop3A_838 = vector.broadcast %parallel_loop3A_837 : f32 to vector<16xf32>
        %parallel_loop3A_839 = arith.minimumf %parallel_loop3A_836, %parallel_loop3A_838 : vector<16xf32>
        %parallel_loop3A_840 = arith.subf %parallel_loop3A_836, %parallel_loop3A_839 : vector<16xf32>
        %parallel_loop3A_841 = arith.mulf %parallel_loop3A_839, %parallel_loop3A_839 : vector<16xf32>
        %parallel_loop3A_842 = arith.constant 4.500000e+00 : f32
        %parallel_loop3A_843 = vector.broadcast %parallel_loop3A_842 : f32 to vector<16xf32>
        %parallel_loop3A_844 = arith.mulf %parallel_loop3A_841, %parallel_loop3A_843 : vector<16xf32>
        %parallel_loop3A_845 = arith.addf %parallel_loop3A_840, %parallel_loop3A_844 : vector<16xf32>
        %parallel_loop3A_846 = arith.constant 1 : i32
        %parallel_loop3A_847 = arith.index_cast %parallel_loop3A_846 : i32 to index
        %parallel_loop3A_848 = arith.index_cast %parallel_loop3A_668 : i32 to index
        %parallel_loop3A_849 = arith.index_cast %parallel_loop3A_672 : i32 to index
        %parallel_loop3A_850 = arith.index_cast %parallel_loop3A_676 : i32 to index
        %parallel_loop3A_851 = tpu.vector_load %arg13[%parallel_loop3A_847, %parallel_loop3A_848, %parallel_loop3A_849, %parallel_loop3A_850] {strides = array<i32>} : memref<11x5x2x128xf32, #tpu.memory_space<vmem>>, vector<16xf32>,
        %parallel_loop3A_852 = arith.constant 1 : i32
        %parallel_loop3A_853 = arith.index_cast %parallel_loop3A_852 : i32 to index
        %parallel_loop3A_854 = arith.index_cast %parallel_loop3A_668 : i32 to index
        %parallel_loop3A_855 = arith.index_cast %parallel_loop3A_672 : i32 to index
        %parallel_loop3A_856 = arith.index_cast %parallel_loop3A_676 : i32 to index
        %parallel_loop3A_857 = tpu.vector_load %arg14[%parallel_loop3A_853, %parallel_loop3A_854, %parallel_loop3A_855, %parallel_loop3A_856] {strides = array<i32>} : memref<11x5x2x128xf32, #tpu.memory_space<vmem>>, vector<16xf32>,
        %parallel_loop3A_858 = arith.subf %parallel_loop3A_851, %parallel_loop3A_857 : vector<16xf32>
        %parallel_loop3A_859 = math.absf %parallel_loop3A_858 : vector<16xf32>
        %parallel_loop3A_860 = arith.constant 0.111111112 : f32
        %parallel_loop3A_861 = vector.broadcast %parallel_loop3A_860 : f32 to vector<16xf32>
        %parallel_loop3A_862 = arith.minimumf %parallel_loop3A_859, %parallel_loop3A_861 : vector<16xf32>
        %parallel_loop3A_863 = arith.subf %parallel_loop3A_859, %parallel_loop3A_862 : vector<16xf32>
        %parallel_loop3A_864 = arith.mulf %parallel_loop3A_862, %parallel_loop3A_862 : vector<16xf32>
        %parallel_loop3A_865 = arith.constant 4.500000e+00 : f32
        %parallel_loop3A_866 = vector.broadcast %parallel_loop3A_865 : f32 to vector<16xf32>
        %parallel_loop3A_867 = arith.mulf %parallel_loop3A_864, %parallel_loop3A_866 : vector<16xf32>
        %parallel_loop3A_868 = arith.addf %parallel_loop3A_863, %parallel_loop3A_867 : vector<16xf32>
        %parallel_loop3A_869 = arith.constant 2 : i32
        %parallel_loop3A_870 = arith.index_cast %parallel_loop3A_869 : i32 to index
        %parallel_loop3A_871 = arith.index_cast %parallel_loop3A_668 : i32 to index
        %parallel_loop3A_872 = arith.index_cast %parallel_loop3A_672 : i32 to index
        %parallel_loop3A_873 = arith.index_cast %parallel_loop3A_676 : i32 to index
        %parallel_loop3A_874 = tpu.vector_load %arg13[%parallel_loop3A_870, %parallel_loop3A_871, %parallel_loop3A_872, %parallel_loop3A_873] {strides = array<i32>} : memref<11x5x2x128xf32, #tpu.memory_space<vmem>>, vector<16xf32>,
        %parallel_loop3A_875 = arith.constant 2 : i32
        %parallel_loop3A_876 = arith.index_cast %parallel_loop3A_875 : i32 to index
        %parallel_loop3A_877 = arith.index_cast %parallel_loop3A_668 : i32 to index
        %parallel_loop3A_878 = arith.index_cast %parallel_loop3A_672 : i32 to index
        %parallel_loop3A_879 = arith.index_cast %parallel_loop3A_676 : i32 to index
        %parallel_loop3A_880 = tpu.vector_load %arg14[%parallel_loop3A_876, %parallel_loop3A_877, %parallel_loop3A_878, %parallel_loop3A_879] {strides = array<i32>} : memref<11x5x2x128xf32, #tpu.memory_space<vmem>>, vector<16xf32>,
        %parallel_loop3A_881 = arith.subf %parallel_loop3A_874, %parallel_loop3A_880 : vector<16xf32>
        %parallel_loop3A_882 = math.absf %parallel_loop3A_881 : vector<16xf32>
        %parallel_loop3A_883 = arith.constant 0.111111112 : f32
        %parallel_loop3A_884 = vector.broadcast %parallel_loop3A_883 : f32 to vector<16xf32>
        %parallel_loop3A_885 = arith.minimumf %parallel_loop3A_882, %parallel_loop3A_884 : vector<16xf32>
        %parallel_loop3A_886 = arith.subf %parallel_loop3A_882, %parallel_loop3A_885 : vector<16xf32>
        %parallel_loop3A_887 = arith.mulf %parallel_loop3A_885, %parallel_loop3A_885 : vector<16xf32>
        %parallel_loop3A_888 = arith.constant 4.500000e+00 : f32
        %parallel_loop3A_889 = vector.broadcast %parallel_loop3A_888 : f32 to vector<16xf32>
        %parallel_loop3A_890 = arith.mulf %parallel_loop3A_887, %parallel_loop3A_889 : vector<16xf32>
        %parallel_loop3A_891 = arith.addf %parallel_loop3A_886, %parallel_loop3A_890 : vector<16xf32>
        %parallel_loop3A_892 = arith.constant 3 : i32
        %parallel_loop3A_893 = arith.index_cast %parallel_loop3A_892 : i32 to index
        %parallel_loop3A_894 = arith.index_cast %parallel_loop3A_668 : i32 to index
        %parallel_loop3A_895 = arith.index_cast %parallel_loop3A_672 : i32 to index
        %parallel_loop3A_896 = arith.index_cast %parallel_loop3A_676 : i32 to index
        %parallel_loop3A_897 = tpu.vector_load %arg13[%parallel_loop3A_893, %parallel_loop3A_894, %parallel_loop3A_895, %parallel_loop3A_896] {strides = array<i32>} : memref<11x5x2x128xf32, #tpu.memory_space<vmem>>, vector<16xf32>,
        %parallel_loop3A_898 = arith.constant 3 : i32
        %parallel_loop3A_899 = arith.index_cast %parallel_loop3A_898 : i32 to index
        %parallel_loop3A_900 = arith.index_cast %parallel_loop3A_668 : i32 to index
        %parallel_loop3A_901 = arith.index_cast %parallel_loop3A_672 : i32 to index
        %parallel_loop3A_902 = arith.index_cast %parallel_loop3A_676 : i32 to index
        %parallel_loop3A_903 = tpu.vector_load %arg14[%parallel_loop3A_899, %parallel_loop3A_900, %parallel_loop3A_901, %parallel_loop3A_902] {strides = array<i32>} : memref<11x5x2x128xf32, #tpu.memory_space<vmem>>, vector<16xf32>,
        %parallel_loop3A_904 = arith.subf %parallel_loop3A_897, %parallel_loop3A_903 : vector<16xf32>
        %parallel_loop3A_905 = math.absf %parallel_loop3A_904 : vector<16xf32>
        %parallel_loop3A_906 = arith.constant 0.111111112 : f32
        %parallel_loop3A_907 = vector.broadcast %parallel_loop3A_906 : f32 to vector<16xf32>
        %parallel_loop3A_908 = arith.minimumf %parallel_loop3A_905, %parallel_loop3A_907 : vector<16xf32>
        %parallel_loop3A_909 = arith.subf %parallel_loop3A_905, %parallel_loop3A_908 : vector<16xf32>
        %parallel_loop3A_910 = arith.mulf %parallel_loop3A_908, %parallel_loop3A_908 : vector<16xf32>
        %parallel_loop3A_911 = arith.constant 4.500000e+00 : f32
        %parallel_loop3A_912 = vector.broadcast %parallel_loop3A_911 : f32 to vector<16xf32>
        %parallel_loop3A_913 = arith.mulf %parallel_loop3A_910, %parallel_loop3A_912 : vector<16xf32>
        %parallel_loop3A_914 = arith.addf %parallel_loop3A_909, %parallel_loop3A_913 : vector<16xf32>
        %parallel_loop3A_915 = arith.constant 4 : i32
        %parallel_loop3A_916 = arith.index_cast %parallel_loop3A_915 : i32 to index
        %parallel_loop3A_917 = arith.index_cast %parallel_loop3A_668 : i32 to index
        %parallel_loop3A_918 = arith.index_cast %parallel_loop3A_672 : i32 to index
        %parallel_loop3A_919 = arith.index_cast %parallel_loop3A_676 : i32 to index
        %parallel_loop3A_920 = tpu.vector_load %arg13[%parallel_loop3A_916, %parallel_loop3A_917, %parallel_loop3A_918, %parallel_loop3A_919] {strides = array<i32>} : memref<11x5x2x128xf32, #tpu.memory_space<vmem>>, vector<16xf32>,
        %parallel_loop3A_921 = arith.constant 4 : i32
        %parallel_loop3A_922 = arith.index_cast %parallel_loop3A_921 : i32 to index
        %parallel_loop3A_923 = arith.index_cast %parallel_loop3A_668 : i32 to index
        %parallel_loop3A_924 = arith.index_cast %parallel_loop3A_672 : i32 to index
        %parallel_loop3A_925 = arith.index_cast %parallel_loop3A_676 : i32 to index
        %parallel_loop3A_926 = tpu.vector_load %arg14[%parallel_loop3A_922, %parallel_loop3A_923, %parallel_loop3A_924, %parallel_loop3A_925] {strides = array<i32>} : memref<11x5x2x128xf32, #tpu.memory_space<vmem>>, vector<16xf32>,
        %parallel_loop3A_927 = arith.subf %parallel_loop3A_920, %parallel_loop3A_926 : vector<16xf32>
        %parallel_loop3A_928 = math.absf %parallel_loop3A_927 : vector<16xf32>
        %parallel_loop3A_929 = arith.constant 0.111111112 : f32
        %parallel_loop3A_930 = vector.broadcast %parallel_loop3A_929 : f32 to vector<16xf32>
        %parallel_loop3A_931 = arith.minimumf %parallel_loop3A_928, %parallel_loop3A_930 : vector<16xf32>
        %parallel_loop3A_932 = arith.subf %parallel_loop3A_928, %parallel_loop3A_931 : vector<16xf32>
        %parallel_loop3A_933 = arith.mulf %parallel_loop3A_931, %parallel_loop3A_931 : vector<16xf32>
        %parallel_loop3A_934 = arith.constant 4.500000e+00 : f32
        %parallel_loop3A_935 = vector.broadcast %parallel_loop3A_934 : f32 to vector<16xf32>
        %parallel_loop3A_936 = arith.mulf %parallel_loop3A_933, %parallel_loop3A_935 : vector<16xf32>
        %parallel_loop3A_937 = arith.addf %parallel_loop3A_932, %parallel_loop3A_936 : vector<16xf32>
        %parallel_loop3A_938 = arith.constant 5 : i32
        %parallel_loop3A_939 = arith.index_cast %parallel_loop3A_938 : i32 to index
        %parallel_loop3A_940 = arith.index_cast %parallel_loop3A_668 : i32 to index
        %parallel_loop3A_941 = arith.index_cast %parallel_loop3A_672 : i32 to index
        %parallel_loop3A_942 = arith.index_cast %parallel_loop3A_676 : i32 to index
        %parallel_loop3A_943 = tpu.vector_load %arg13[%parallel_loop3A_939, %parallel_loop3A_940, %parallel_loop3A_941, %parallel_loop3A_942] {strides = array<i32>} : memref<11x5x2x128xf32, #tpu.memory_space<vmem>>, vector<16xf32>,
        %parallel_loop3A_944 = arith.constant 5 : i32
        %parallel_loop3A_945 = arith.index_cast %parallel_loop3A_944 : i32 to index
        %parallel_loop3A_946 = arith.index_cast %parallel_loop3A_668 : i32 to index
        %parallel_loop3A_947 = arith.index_cast %parallel_loop3A_672 : i32 to index
        %parallel_loop3A_948 = arith.index_cast %parallel_loop3A_676 : i32 to index
        %parallel_loop3A_949 = tpu.vector_load %arg14[%parallel_loop3A_945, %parallel_loop3A_946, %parallel_loop3A_947, %parallel_loop3A_948] {strides = array<i32>} : memref<11x5x2x128xf32, #tpu.memory_space<vmem>>, vector<16xf32>,
        %parallel_loop3A_950 = arith.subf %parallel_loop3A_943, %parallel_loop3A_949 : vector<16xf32>
        %parallel_loop3A_951 = math.absf %parallel_loop3A_950 : vector<16xf32>
        %parallel_loop3A_952 = arith.constant 0.111111112 : f32
        %parallel_loop3A_953 = vector.broadcast %parallel_loop3A_952 : f32 to vector<16xf32>
        %parallel_loop3A_954 = arith.minimumf %parallel_loop3A_951, %parallel_loop3A_953 : vector<16xf32>
        %parallel_loop3A_955 = arith.subf %parallel_loop3A_951, %parallel_loop3A_954 : vector<16xf32>
        %parallel_loop3A_956 = arith.mulf %parallel_loop3A_954, %parallel_loop3A_954 : vector<16xf32>
        %parallel_loop3A_957 = arith.constant 4.500000e+00 : f32
        %parallel_loop3A_958 = vector.broadcast %parallel_loop3A_957 : f32 to vector<16xf32>
        %parallel_loop3A_959 = arith.mulf %parallel_loop3A_956, %parallel_loop3A_958 : vector<16xf32>
        %parallel_loop3A_960 = arith.addf %parallel_loop3A_955, %parallel_loop3A_959 : vector<16xf32>
        %parallel_loop3A_961 = arith.constant 6 : i32
        %parallel_loop3A_962 = arith.index_cast %parallel_loop3A_961 : i32 to index
        %parallel_loop3A_963 = arith.index_cast %parallel_loop3A_668 : i32 to index
        %parallel_loop3A_964 = arith.index_cast %parallel_loop3A_672 : i32 to index
        %parallel_loop3A_965 = arith.index_cast %parallel_loop3A_676 : i32 to index
        %parallel_loop3A_966 = tpu.vector_load %arg13[%parallel_loop3A_962, %parallel_loop3A_963, %parallel_loop3A_964, %parallel_loop3A_965] {strides = array<i32>} : memref<11x5x2x128xf32, #tpu.memory_space<vmem>>, vector<16xf32>,
        %parallel_loop3A_967 = arith.constant 6 : i32
        %parallel_loop3A_968 = arith.index_cast %parallel_loop3A_967 : i32 to index
        %parallel_loop3A_969 = arith.index_cast %parallel_loop3A_668 : i32 to index
        %parallel_loop3A_970 = arith.index_cast %parallel_loop3A_672 : i32 to index
        %parallel_loop3A_971 = arith.index_cast %parallel_loop3A_676 : i32 to index
        %parallel_loop3A_972 = tpu.vector_load %arg14[%parallel_loop3A_968, %parallel_loop3A_969, %parallel_loop3A_970, %parallel_loop3A_971] {strides = array<i32>} : memref<11x5x2x128xf32, #tpu.memory_space<vmem>>, vector<16xf32>,
        %parallel_loop3A_973 = arith.subf %parallel_loop3A_966, %parallel_loop3A_972 : vector<16xf32>
        %parallel_loop3A_974 = math.absf %parallel_loop3A_973 : vector<16xf32>
        %parallel_loop3A_975 = arith.constant 0.111111112 : f32
        %parallel_loop3A_976 = vector.broadcast %parallel_loop3A_975 : f32 to vector<16xf32>
        %parallel_loop3A_977 = arith.minimumf %parallel_loop3A_974, %parallel_loop3A_976 : vector<16xf32>
        %parallel_loop3A_978 = arith.subf %parallel_loop3A_974, %parallel_loop3A_977 : vector<16xf32>
        %parallel_loop3A_979 = arith.mulf %parallel_loop3A_977, %parallel_loop3A_977 : vector<16xf32>
        %parallel_loop3A_980 = arith.constant 4.500000e+00 : f32
        %parallel_loop3A_981 = vector.broadcast %parallel_loop3A_980 : f32 to vector<16xf32>
        %parallel_loop3A_982 = arith.mulf %parallel_loop3A_979, %parallel_loop3A_981 : vector<16xf32>
        %parallel_loop3A_983 = arith.addf %parallel_loop3A_978, %parallel_loop3A_982 : vector<16xf32>
        %parallel_loop3A_984 = arith.constant 7 : i32
        %parallel_loop3A_985 = arith.index_cast %parallel_loop3A_984 : i32 to index
        %parallel_loop3A_986 = arith.index_cast %parallel_loop3A_668 : i32 to index
        %parallel_loop3A_987 = arith.index_cast %parallel_loop3A_672 : i32 to index
        %parallel_loop3A_988 = arith.index_cast %parallel_loop3A_676 : i32 to index
        %parallel_loop3A_989 = tpu.vector_load %arg13[%parallel_loop3A_985, %parallel_loop3A_986, %parallel_loop3A_987, %parallel_loop3A_988] {strides = array<i32>} : memref<11x5x2x128xf32, #tpu.memory_space<vmem>>, vector<16xf32>,
        %parallel_loop3A_990 = arith.constant 7 : i32
        %parallel_loop3A_991 = arith.index_cast %parallel_loop3A_990 : i32 to index
        %parallel_loop3A_992 = arith.index_cast %parallel_loop3A_668 : i32 to index
        %parallel_loop3A_993 = arith.index_cast %parallel_loop3A_672 : i32 to index
        %parallel_loop3A_994 = arith.index_cast %parallel_loop3A_676 : i32 to index
        %parallel_loop3A_995 = tpu.vector_load %arg14[%parallel_loop3A_991, %parallel_loop3A_992, %parallel_loop3A_993, %parallel_loop3A_994] {strides = array<i32>} : memref<11x5x2x128xf32, #tpu.memory_space<vmem>>, vector<16xf32>,
        %parallel_loop3A_996 = arith.subf %parallel_loop3A_989, %parallel_loop3A_995 : vector<16xf32>
        %parallel_loop3A_997 = math.absf %parallel_loop3A_996 : vector<16xf32>
        %parallel_loop3A_998 = arith.constant 0.111111112 : f32
        %parallel_loop3A_999 = vector.broadcast %parallel_loop3A_998 : f32 to vector<16xf32>
        %parallel_loop3A_1000 = arith.minimumf %parallel_loop3A_997, %parallel_loop3A_999 : vector<16xf32>
        %parallel_loop3A_1001 = arith.subf %parallel_loop3A_997, %parallel_loop3A_1000 : vector<16xf32>
        %parallel_loop3A_1002 = arith.mulf %parallel_loop3A_1000, %parallel_loop3A_1000 : vector<16xf32>
        %parallel_loop3A_1003 = arith.constant 4.500000e+00 : f32
        %parallel_loop3A_1004 = vector.broadcast %parallel_loop3A_1003 : f32 to vector<16xf32>
        %parallel_loop3A_1005 = arith.mulf %parallel_loop3A_1002, %parallel_loop3A_1004 : vector<16xf32>
        %parallel_loop3A_1006 = arith.addf %parallel_loop3A_1001, %parallel_loop3A_1005 : vector<16xf32>
        %parallel_loop3A_1007 = arith.constant 8 : i32
        %parallel_loop3A_1008 = arith.index_cast %parallel_loop3A_1007 : i32 to index
        %parallel_loop3A_1009 = arith.index_cast %parallel_loop3A_668 : i32 to index
        %parallel_loop3A_1010 = arith.index_cast %parallel_loop3A_672 : i32 to index
        %parallel_loop3A_1011 = arith.index_cast %parallel_loop3A_676 : i32 to index
        %parallel_loop3A_1012 = tpu.vector_load %arg13[%parallel_loop3A_1008, %parallel_loop3A_1009, %parallel_loop3A_1010, %parallel_loop3A_1011] {strides = array<i32>} : memref<11x5x2x128xf32, #tpu.memory_space<vmem>>, vector<16xf32>,
        %parallel_loop3A_1013 = arith.constant 8 : i32
        %parallel_loop3A_1014 = arith.index_cast %parallel_loop3A_1013 : i32 to index
        %parallel_loop3A_1015 = arith.index_cast %parallel_loop3A_668 : i32 to index
        %parallel_loop3A_1016 = arith.index_cast %parallel_loop3A_672 : i32 to index
        %parallel_loop3A_1017 = arith.index_cast %parallel_loop3A_676 : i32 to index
        %parallel_loop3A_1018 = tpu.vector_load %arg14[%parallel_loop3A_1014, %parallel_loop3A_1015, %parallel_loop3A_1016, %parallel_loop3A_1017] {strides = array<i32>} : memref<11x5x2x128xf32, #tpu.memory_space<vmem>>, vector<16xf32>,
        %parallel_loop3A_1019 = arith.subf %parallel_loop3A_1012, %parallel_loop3A_1018 : vector<16xf32>
        %parallel_loop3A_1020 = math.absf %parallel_loop3A_1019 : vector<16xf32>
        %parallel_loop3A_1021 = arith.constant 0.111111112 : f32
        %parallel_loop3A_1022 = vector.broadcast %parallel_loop3A_1021 : f32 to vector<16xf32>
        %parallel_loop3A_1023 = arith.minimumf %parallel_loop3A_1020, %parallel_loop3A_1022 : vector<16xf32>
        %parallel_loop3A_1024 = arith.subf %parallel_loop3A_1020, %parallel_loop3A_1023 : vector<16xf32>
        %parallel_loop3A_1025 = arith.mulf %parallel_loop3A_1023, %parallel_loop3A_1023 : vector<16xf32>
        %parallel_loop3A_1026 = arith.constant 4.500000e+00 : f32
        %parallel_loop3A_1027 = vector.broadcast %parallel_loop3A_1026 : f32 to vector<16xf32>
        %parallel_loop3A_1028 = arith.mulf %parallel_loop3A_1025, %parallel_loop3A_1027 : vector<16xf32>
        %parallel_loop3A_1029 = arith.addf %parallel_loop3A_1024, %parallel_loop3A_1028 : vector<16xf32>
        %parallel_loop3A_1030 = arith.constant 9 : i32
        %parallel_loop3A_1031 = arith.index_cast %parallel_loop3A_1030 : i32 to index
        %parallel_loop3A_1032 = arith.index_cast %parallel_loop3A_668 : i32 to index
        %parallel_loop3A_1033 = arith.index_cast %parallel_loop3A_672 : i32 to index
        %parallel_loop3A_1034 = arith.index_cast %parallel_loop3A_676 : i32 to index
        %parallel_loop3A_1035 = tpu.vector_load %arg13[%parallel_loop3A_1031, %parallel_loop3A_1032, %parallel_loop3A_1033, %parallel_loop3A_1034] {strides = array<i32>} : memref<11x5x2x128xf32, #tpu.memory_space<vmem>>, vector<16xf32>,
        %parallel_loop3A_1036 = arith.constant 9 : i32
        %parallel_loop3A_1037 = arith.index_cast %parallel_loop3A_1036 : i32 to index
        %parallel_loop3A_1038 = arith.index_cast %parallel_loop3A_668 : i32 to index
        %parallel_loop3A_1039 = arith.index_cast %parallel_loop3A_672 : i32 to index
        %parallel_loop3A_1040 = arith.index_cast %parallel_loop3A_676 : i32 to index
        %parallel_loop3A_1041 = tpu.vector_load %arg14[%parallel_loop3A_1037, %parallel_loop3A_1038, %parallel_loop3A_1039, %parallel_loop3A_1040] {strides = array<i32>} : memref<11x5x2x128xf32, #tpu.memory_space<vmem>>, vector<16xf32>,
        %parallel_loop3A_1042 = arith.subf %parallel_loop3A_1035, %parallel_loop3A_1041 : vector<16xf32>
        %parallel_loop3A_1043 = math.absf %parallel_loop3A_1042 : vector<16xf32>
        %parallel_loop3A_1044 = arith.constant 0.111111112 : f32
        %parallel_loop3A_1045 = vector.broadcast %parallel_loop3A_1044 : f32 to vector<16xf32>
        %parallel_loop3A_1046 = arith.minimumf %parallel_loop3A_1043, %parallel_loop3A_1045 : vector<16xf32>
        %parallel_loop3A_1047 = arith.subf %parallel_loop3A_1043, %parallel_loop3A_1046 : vector<16xf32>
        %parallel_loop3A_1048 = arith.mulf %parallel_loop3A_1046, %parallel_loop3A_1046 : vector<16xf32>
        %parallel_loop3A_1049 = arith.constant 4.500000e+00 : f32
        %parallel_loop3A_1050 = vector.broadcast %parallel_loop3A_1049 : f32 to vector<16xf32>
        %parallel_loop3A_1051 = arith.mulf %parallel_loop3A_1048, %parallel_loop3A_1050 : vector<16xf32>
        %parallel_loop3A_1052 = arith.addf %parallel_loop3A_1047, %parallel_loop3A_1051 : vector<16xf32>
        %parallel_loop3A_1053 = arith.constant 10 : i32
        %parallel_loop3A_1054 = arith.index_cast %parallel_loop3A_1053 : i32 to index
        %parallel_loop3A_1055 = arith.index_cast %parallel_loop3A_668 : i32 to index
        %parallel_loop3A_1056 = arith.index_cast %parallel_loop3A_672 : i32 to index
        %parallel_loop3A_1057 = arith.index_cast %parallel_loop3A_676 : i32 to index
        %parallel_loop3A_1058 = tpu.vector_load %arg13[%parallel_loop3A_1054, %parallel_loop3A_1055, %parallel_loop3A_1056, %parallel_loop3A_1057] {strides = array<i32>} : memref<11x5x2x128xf32, #tpu.memory_space<vmem>>, vector<16xf32>,
        %parallel_loop3A_1059 = arith.constant 10 : i32
        %parallel_loop3A_1060 = arith.index_cast %parallel_loop3A_1059 : i32 to index
        %parallel_loop3A_1061 = arith.index_cast %parallel_loop3A_668 : i32 to index
        %parallel_loop3A_1062 = arith.index_cast %parallel_loop3A_672 : i32 to index
        %parallel_loop3A_1063 = arith.index_cast %parallel_loop3A_676 : i32 to index
        %parallel_loop3A_1064 = tpu.vector_load %arg14[%parallel_loop3A_1060, %parallel_loop3A_1061, %parallel_loop3A_1062, %parallel_loop3A_1063] {strides = array<i32>} : memref<11x5x2x128xf32, #tpu.memory_space<vmem>>, vector<16xf32>,
        %parallel_loop3A_1065 = arith.subf %parallel_loop3A_1058, %parallel_loop3A_1064 : vector<16xf32>
        %parallel_loop3A_1066 = math.absf %parallel_loop3A_1065 : vector<16xf32>
        %parallel_loop3A_1067 = arith.constant 0.111111112 : f32
        %parallel_loop3A_1068 = vector.broadcast %parallel_loop3A_1067 : f32 to vector<16xf32>
        %parallel_loop3A_1069 = arith.minimumf %parallel_loop3A_1066, %parallel_loop3A_1068 : vector<16xf32>
        %parallel_loop3A_1070 = arith.subf %parallel_loop3A_1066, %parallel_loop3A_1069 : vector<16xf32>
        %parallel_loop3A_1071 = arith.mulf %parallel_loop3A_1069, %parallel_loop3A_1069 : vector<16xf32>
        %parallel_loop3A_1072 = arith.constant 4.500000e+00 : f32
        %parallel_loop3A_1073 = vector.broadcast %parallel_loop3A_1072 : f32 to vector<16xf32>
        %parallel_loop3A_1074 = arith.mulf %parallel_loop3A_1071, %parallel_loop3A_1073 : vector<16xf32>
        %parallel_loop3A_1075 = arith.addf %parallel_loop3A_1070, %parallel_loop3A_1074 : vector<16xf32>
        %parallel_loop3A_1076 = arith.addf %parallel_loop3A_753, %parallel_loop3A_776 : vector<16xf32>
        %parallel_loop3A_1077 = arith.addf %parallel_loop3A_799, %parallel_loop3A_822 : vector<16xf32>
        %parallel_loop3A_1078 = arith.addf %parallel_loop3A_845, %parallel_loop3A_868 : vector<16xf32>
        %parallel_loop3A_1079 = arith.addf %parallel_loop3A_891, %parallel_loop3A_914 : vector<16xf32>
        %parallel_loop3A_1080 = arith.addf %parallel_loop3A_937, %parallel_loop3A_960 : vector<16xf32>
        %parallel_loop3A_1081 = arith.addf %parallel_loop3A_983, %parallel_loop3A_1006 : vector<16xf32>
        %parallel_loop3A_1082 = arith.addf %parallel_loop3A_1029, %parallel_loop3A_1052 : vector<16xf32>
        %parallel_loop3A_1083 = arith.addf %parallel_loop3A_1076, %parallel_loop3A_1077 : vector<16xf32>
        %parallel_loop3A_1084 = arith.addf %parallel_loop3A_1078, %parallel_loop3A_1079 : vector<16xf32>
        %parallel_loop3A_1085 = arith.addf %parallel_loop3A_1080, %parallel_loop3A_1081 : vector<16xf32>
        %parallel_loop3A_1086 = arith.addf %parallel_loop3A_1082, %parallel_loop3A_1075 : vector<16xf32>
        %parallel_loop3A_1087 = arith.addf %parallel_loop3A_1083, %parallel_loop3A_1084 : vector<16xf32>
        %parallel_loop3A_1088 = arith.addf %parallel_loop3A_1085, %parallel_loop3A_1086 : vector<16xf32>
        %parallel_loop3A_1089 = arith.addf %parallel_loop3A_1087, %parallel_loop3A_1088 : vector<16xf32>
        %parallel_loop3A_1090 = arith.mulf %parallel_loop3A_1089, %parallel_loop3A_693 : vector<16xf32>
        %parallel_loop3A_1091 = arith.addf %parallel_loop3A_664, %parallel_loop3A_1090 : vector<16xf32>
        %parallel_loop3A_1092 = arith.addf %parallel_loop3A_666, %parallel_loop3A_688 : vector<16xf32>
        scf.yield %parallel_loop3A_1091, %parallel_loop3A_730, %parallel_loop3A_1092 : vector<16xf32>, vector<16xf32>, vector<16xf32>
      } {sc.loop_unroll_factor = 1 : i64, sc.parallel_access}
      %lt3A_534 = arith.constant 2 : i32
      %lt3A_535 = arith.cmpi slt, %scan3A_283, %lt3A_534 : i32
      %convert_element_type3A = arith.extui %lt3A_535 : i1 to i32
      %cond3A = arith.constant 0 : i32
      %cond3A_536 = arith.cmpi ne, %convert_element_type3A, %cond3A : i32
      scf.if %cond3A_536 {
        %add3A_663 = arith.constant 2 : i32
        %add3A_664 = arith.addi %mul3A_288, %add3A_663 : i32
        %mul3A_665 = arith.constant 5 : i32
        %mul3A_666 = arith.muli %add3A_664, %mul3A_665 : i32
        %add3A_667 = arith.addi %select_n3A, %mul3A_666 : i32
        %dma_start3A_668 = arith.constant 0 : i32
        %dma_start3A_669 = arith.constant 0 : i32
        %dma_start3A_670 = arith.constant 0 : i32
        %dma_start3A_671 = arith.constant 0 : i32
        %dma_start3A_672 = tpu.memref_slice %arg13[%dma_start3A_668, %dma_start3A_669, %dma_start3A_670, %dma_start3A_671] : memref<11x5x2x128xf32, #tpu.memory_space<vmem>> -> memref<11x5x2x128xf32, #tpu.memory_space<vmem>>
        %dma_start3A_673 = arith.constant 0 : i32
        %dma_start3A_674 = arith.constant 0 : i32
        %dma_start3A_675 = arith.constant 0 : i32
        %dma_start3A_676 = tpu.memref_slice %arg4[%dma_start3A_673, %add3A_667, %dma_start3A_674, %dma_start3A_675] : memref<11x990x2x128xf32, #tpu.memory_space<hbm>> -> memref<11x5x2x128xf32, #tpu.memory_space<hbm>>
        %dma_start3A_677 = arith.constant 0 : i32
        %dma_start3A_678 = arith.constant 0 : i32
        %dma_start3A_679 = arith.constant 0 : i32
        %dma_start3A_680 = arith.constant 0 : i32
        %dma_start3A_681 = tpu.memref_slice %arg13[%dma_start3A_677, %dma_start3A_678, %dma_start3A_679, %dma_start3A_680] : memref<11x5x2x128xf32, #tpu.memory_space<vmem>> -> memref<11x5x2x128xf32, #tpu.memory_space<vmem>>
        %dma_start3A_682 = arith.constant 0 : i32
        %dma_start3A_683 = arith.constant 0 : i32
        %dma_start3A_684 = arith.constant 0 : i32
        %dma_start3A_685 = tpu.memref_slice %arg4[%dma_start3A_682, %add3A_667, %dma_start3A_683, %dma_start3A_684] : memref<11x990x2x128xf32, #tpu.memory_space<hbm>> -> memref<11x5x2x128xf32, #tpu.memory_space<hbm>>
        tpu.enqueue_dma source(%dma_start3A_685 : memref<11x5x2x128xf32, #tpu.memory_space<hbm>>) target(%dma_start3A_681 : memref<11x5x2x128xf32, #tpu.memory_space<vmem>>) target_semaphore(%arg25 : memref<!tpu.dma_semaphore, #tpu.memory_space<semaphore_mem>>)
        %dma_start3A_686 = arith.constant 0 : i32
        %dma_start3A_687 = arith.constant 0 : i32
        %dma_start3A_688 = arith.constant 0 : i32
        %dma_start3A_689 = arith.constant 0 : i32
        %dma_start3A_690 = tpu.memref_slice %arg14[%dma_start3A_686, %dma_start3A_687, %dma_start3A_688, %dma_start3A_689] : memref<11x5x2x128xf32, #tpu.memory_space<vmem>> -> memref<11x5x2x128xf32, #tpu.memory_space<vmem>>
        %dma_start3A_691 = arith.constant 0 : i32
        %dma_start3A_692 = arith.constant 0 : i32
        %dma_start3A_693 = arith.constant 0 : i32
        %dma_start3A_694 = tpu.memref_slice %arg6[%dma_start3A_691, %add3A_667, %dma_start3A_692, %dma_start3A_693] : memref<11x990x2x128xf32, #tpu.memory_space<hbm>> -> memref<11x5x2x128xf32, #tpu.memory_space<hbm>>
        %dma_start3A_695 = arith.constant 0 : i32
        %dma_start3A_696 = arith.constant 0 : i32
        %dma_start3A_697 = arith.constant 0 : i32
        %dma_start3A_698 = arith.constant 0 : i32
        %dma_start3A_699 = tpu.memref_slice %arg14[%dma_start3A_695, %dma_start3A_696, %dma_start3A_697, %dma_start3A_698] : memref<11x5x2x128xf32, #tpu.memory_space<vmem>> -> memref<11x5x2x128xf32, #tpu.memory_space<vmem>>
        %dma_start3A_700 = arith.constant 0 : i32
        %dma_start3A_701 = arith.constant 0 : i32
        %dma_start3A_702 = arith.constant 0 : i32
        %dma_start3A_703 = tpu.memref_slice %arg6[%dma_start3A_700, %add3A_667, %dma_start3A_701, %dma_start3A_702] : memref<11x990x2x128xf32, #tpu.memory_space<hbm>> -> memref<11x5x2x128xf32, #tpu.memory_space<hbm>>
        tpu.enqueue_dma source(%dma_start3A_703 : memref<11x5x2x128xf32, #tpu.memory_space<hbm>>) target(%dma_start3A_699 : memref<11x5x2x128xf32, #tpu.memory_space<vmem>>) target_semaphore(%arg25 : memref<!tpu.dma_semaphore, #tpu.memory_space<semaphore_mem>>)
        %dma_start3A_704 = arith.constant 0 : i32
        %dma_start3A_705 = arith.constant 0 : i32
        %dma_start3A_706 = arith.constant 0 : i32
        %dma_start3A_707 = arith.constant 0 : i32
        %dma_start3A_708 = tpu.memref_slice %arg10[%dma_start3A_704, %dma_start3A_705, %dma_start3A_706, %dma_start3A_707] : memref<2x5x4x128xf32, #tpu.memory_space<vmem>> -> memref<2x5x4x128xf32, #tpu.memory_space<vmem>>
        %dma_start3A_709 = arith.constant 0 : i32
        %dma_start3A_710 = arith.constant 0 : i32
        %dma_start3A_711 = arith.constant 0 : i32
        %dma_start3A_712 = tpu.memref_slice %arg2[%dma_start3A_709, %add3A_667, %dma_start3A_710, %dma_start3A_711] : memref<2x990x4x128xf32, #tpu.memory_space<hbm>> -> memref<2x5x4x128xf32, #tpu.memory_space<hbm>>
        %dma_start3A_713 = arith.constant 0 : i32
        %dma_start3A_714 = arith.constant 0 : i32
        %dma_start3A_715 = arith.constant 0 : i32
        %dma_start3A_716 = arith.constant 0 : i32
        %dma_start3A_717 = tpu.memref_slice %arg10[%dma_start3A_713, %dma_start3A_714, %dma_start3A_715, %dma_start3A_716] : memref<2x5x4x128xf32, #tpu.memory_space<vmem>> -> memref<2x5x4x128xf32, #tpu.memory_space<vmem>>
        %dma_start3A_718 = arith.constant 0 : i32
        %dma_start3A_719 = arith.constant 0 : i32
        %dma_start3A_720 = arith.constant 0 : i32
        %dma_start3A_721 = tpu.memref_slice %arg2[%dma_start3A_718, %add3A_667, %dma_start3A_719, %dma_start3A_720] : memref<2x990x4x128xf32, #tpu.memory_space<hbm>> -> memref<2x5x4x128xf32, #tpu.memory_space<hbm>>
        tpu.enqueue_dma source(%dma_start3A_721 : memref<2x5x4x128xf32, #tpu.memory_space<hbm>>) target(%dma_start3A_717 : memref<2x5x4x128xf32, #tpu.memory_space<vmem>>) target_semaphore(%arg25 : memref<!tpu.dma_semaphore, #tpu.memory_space<semaphore_mem>>)
        %dma_start3A_722 = arith.constant 0 : i32
        %dma_start3A_723 = arith.constant 0 : i32
        %dma_start3A_724 = arith.constant 0 : i32
        %dma_start3A_725 = arith.constant 0 : i32
        %dma_start3A_726 = tpu.memref_slice %arg11[%dma_start3A_722, %dma_start3A_723, %dma_start3A_724, %dma_start3A_725] : memref<2x5x4x128xf32, #tpu.memory_space<vmem>> -> memref<2x5x4x128xf32, #tpu.memory_space<vmem>>
        %dma_start3A_727 = arith.constant 0 : i32
        %dma_start3A_728 = arith.constant 0 : i32
        %dma_start3A_729 = arith.constant 0 : i32
        %dma_start3A_730 = tpu.memref_slice %arg3[%dma_start3A_727, %add3A_667, %dma_start3A_728, %dma_start3A_729] : memref<2x990x4x128xf32, #tpu.memory_space<hbm>> -> memref<2x5x4x128xf32, #tpu.memory_space<hbm>>
        %dma_start3A_731 = arith.constant 0 : i32
        %dma_start3A_732 = arith.constant 0 : i32
        %dma_start3A_733 = arith.constant 0 : i32
        %dma_start3A_734 = arith.constant 0 : i32
        %dma_start3A_735 = tpu.memref_slice %arg11[%dma_start3A_731, %dma_start3A_732, %dma_start3A_733, %dma_start3A_734] : memref<2x5x4x128xf32, #tpu.memory_space<vmem>> -> memref<2x5x4x128xf32, #tpu.memory_space<vmem>>
        %dma_start3A_736 = arith.constant 0 : i32
        %dma_start3A_737 = arith.constant 0 : i32
        %dma_start3A_738 = arith.constant 0 : i32
        %dma_start3A_739 = tpu.memref_slice %arg3[%dma_start3A_736, %add3A_667, %dma_start3A_737, %dma_start3A_738] : memref<2x990x4x128xf32, #tpu.memory_space<hbm>> -> memref<2x5x4x128xf32, #tpu.memory_space<hbm>>
        tpu.enqueue_dma source(%dma_start3A_739 : memref<2x5x4x128xf32, #tpu.memory_space<hbm>>) target(%dma_start3A_735 : memref<2x5x4x128xf32, #tpu.memory_space<vmem>>) target_semaphore(%arg25 : memref<!tpu.dma_semaphore, #tpu.memory_space<semaphore_mem>>)
        %dma_start3A_740 = arith.constant 0 : i32
        %dma_start3A_741 = arith.constant 0 : i32
        %dma_start3A_742 = arith.constant 0 : i32
        %dma_start3A_743 = arith.constant 0 : i32
        %dma_start3A_744 = tpu.memref_slice %arg12[%dma_start3A_740, %dma_start3A_741, %dma_start3A_742, %dma_start3A_743] : memref<2x5x4x128xf32, #tpu.memory_space<vmem>> -> memref<2x5x4x128xf32, #tpu.memory_space<vmem>>
        %dma_start3A_745 = arith.constant 0 : i32
        %dma_start3A_746 = arith.constant 0 : i32
        %dma_start3A_747 = arith.constant 0 : i32
        %dma_start3A_748 = tpu.memref_slice %arg5[%dma_start3A_745, %add3A_667, %dma_start3A_746, %dma_start3A_747] : memref<2x990x4x128xf32, #tpu.memory_space<hbm>> -> memref<2x5x4x128xf32, #tpu.memory_space<hbm>>
        %dma_start3A_749 = arith.constant 0 : i32
        %dma_start3A_750 = arith.constant 0 : i32
        %dma_start3A_751 = arith.constant 0 : i32
        %dma_start3A_752 = arith.constant 0 : i32
        %dma_start3A_753 = tpu.memref_slice %arg12[%dma_start3A_749, %dma_start3A_750, %dma_start3A_751, %dma_start3A_752] : memref<2x5x4x128xf32, #tpu.memory_space<vmem>> -> memref<2x5x4x128xf32, #tpu.memory_space<vmem>>
        %dma_start3A_754 = arith.constant 0 : i32
        %dma_start3A_755 = arith.constant 0 : i32
        %dma_start3A_756 = arith.constant 0 : i32
        %dma_start3A_757 = tpu.memref_slice %arg5[%dma_start3A_754, %add3A_667, %dma_start3A_755, %dma_start3A_756] : memref<2x990x4x128xf32, #tpu.memory_space<hbm>> -> memref<2x5x4x128xf32, #tpu.memory_space<hbm>>
        tpu.enqueue_dma source(%dma_start3A_757 : memref<2x5x4x128xf32, #tpu.memory_space<hbm>>) target(%dma_start3A_753 : memref<2x5x4x128xf32, #tpu.memory_space<vmem>>) target_semaphore(%arg25 : memref<!tpu.dma_semaphore, #tpu.memory_space<semaphore_mem>>)
        %dma_start3A_758 = arith.constant 0 : i32
        %dma_start3A_759 = arith.constant 0 : i32
        %dma_start3A_760 = arith.constant 0 : i32
        %dma_start3A_761 = tpu.memref_slice %arg15[%dma_start3A_758, %dma_start3A_759, %dma_start3A_760] : memref<5x2x128xf32, #tpu.memory_space<vmem>> -> memref<5x2x128xf32, #tpu.memory_space<vmem>>
        %dma_start3A_762 = arith.constant 0 : i32
        %dma_start3A_763 = arith.constant 0 : i32
        %dma_start3A_764 = tpu.memref_slice %arg7[%add3A_667, %dma_start3A_762, %dma_start3A_763] : memref<990x2x128xf32, #tpu.memory_space<hbm>> -> memref<5x2x128xf32, #tpu.memory_space<hbm>>
        %dma_start3A_765 = arith.constant 0 : i32
        %dma_start3A_766 = arith.constant 0 : i32
        %dma_start3A_767 = arith.constant 0 : i32
        %dma_start3A_768 = tpu.memref_slice %arg15[%dma_start3A_765, %dma_start3A_766, %dma_start3A_767] : memref<5x2x128xf32, #tpu.memory_space<vmem>> -> memref<5x2x128xf32, #tpu.memory_space<vmem>>
        %dma_start3A_769 = arith.constant 0 : i32
        %dma_start3A_770 = arith.constant 0 : i32
        %dma_start3A_771 = tpu.memref_slice %arg7[%add3A_667, %dma_start3A_769, %dma_start3A_770] : memref<990x2x128xf32, #tpu.memory_space<hbm>> -> memref<5x2x128xf32, #tpu.memory_space<hbm>>
        tpu.enqueue_dma source(%dma_start3A_771 : memref<5x2x128xf32, #tpu.memory_space<hbm>>) target(%dma_start3A_768 : memref<5x2x128xf32, #tpu.memory_space<vmem>>) target_semaphore(%arg25 : memref<!tpu.dma_semaphore, #tpu.memory_space<semaphore_mem>>)
        %dma_start3A_772 = arith.constant 0 : i32
        %dma_start3A_773 = arith.constant 0 : i32
        %dma_start3A_774 = arith.constant 0 : i32
        %dma_start3A_775 = tpu.memref_slice %arg16[%dma_start3A_772, %dma_start3A_773, %dma_start3A_774] : memref<5x2x128xi32, #tpu.memory_space<vmem>> -> memref<5x2x128xi32, #tpu.memory_space<vmem>>
        %dma_start3A_776 = arith.constant 0 : i32
        %dma_start3A_777 = arith.constant 0 : i32
        %dma_start3A_778 = tpu.memref_slice %arg8[%add3A_667, %dma_start3A_776, %dma_start3A_777] : memref<990x2x128xi32, #tpu.memory_space<hbm>> -> memref<5x2x128xi32, #tpu.memory_space<hbm>>
        %dma_start3A_779 = arith.constant 0 : i32
        %dma_start3A_780 = arith.constant 0 : i32
        %dma_start3A_781 = arith.constant 0 : i32
        %dma_start3A_782 = tpu.memref_slice %arg16[%dma_start3A_779, %dma_start3A_780, %dma_start3A_781] : memref<5x2x128xi32, #tpu.memory_space<vmem>> -> memref<5x2x128xi32, #tpu.memory_space<vmem>>
        %dma_start3A_783 = arith.constant 0 : i32
        %dma_start3A_784 = arith.constant 0 : i32
        %dma_start3A_785 = tpu.memref_slice %arg8[%add3A_667, %dma_start3A_783, %dma_start3A_784] : memref<990x2x128xi32, #tpu.memory_space<hbm>> -> memref<5x2x128xi32, #tpu.memory_space<hbm>>
        tpu.enqueue_dma source(%dma_start3A_785 : memref<5x2x128xi32, #tpu.memory_space<hbm>>) target(%dma_start3A_782 : memref<5x2x128xi32, #tpu.memory_space<vmem>>) target_semaphore(%arg25 : memref<!tpu.dma_semaphore, #tpu.memory_space<semaphore_mem>>)
      } else {
      }
      %eq3A = arith.constant 2 : i32
      %eq3A_537 = arith.cmpi eq, %scan3A_283, %eq3A : i32
      %convert_element_type3A_538 = arith.extui %eq3A_537 : i1 to i32
      %cond3A_539 = arith.constant 0 : i32
      %cond3A_540 = arith.cmpi ne, %convert_element_type3A_538, %cond3A_539 : i32
      scf.if %cond3A_540 {
        %dma_start3A_663 = arith.constant 0 : i32
        %dma_start3A_664 = arith.constant 0 : i32
        %dma_start3A_665 = arith.constant 0 : i32
        %dma_start3A_666 = arith.constant 0 : i32
        %dma_start3A_667 = tpu.memref_slice %arg13[%dma_start3A_663, %dma_start3A_664, %dma_start3A_665, %dma_start3A_666] : memref<11x5x2x128xf32, #tpu.memory_space<vmem>> -> memref<11x1x2x128xf32, #tpu.memory_space<vmem>>
        %dma_start3A_668 = arith.constant 0 : i32
        %dma_start3A_669 = arith.constant 0 : i32
        %dma_start3A_670 = arith.constant 0 : i32
        %dma_start3A_671 = tpu.memref_slice %arg4[%dma_start3A_668, %min3A_11, %dma_start3A_669, %dma_start3A_670] : memref<11x990x2x128xf32, #tpu.memory_space<hbm>> -> memref<11x1x2x128xf32, #tpu.memory_space<hbm>>
        %dma_start3A_672 = arith.constant 0 : i32
        %dma_start3A_673 = arith.constant 0 : i32
        %dma_start3A_674 = arith.constant 0 : i32
        %dma_start3A_675 = arith.constant 0 : i32
        %dma_start3A_676 = tpu.memref_slice %arg13[%dma_start3A_672, %dma_start3A_673, %dma_start3A_674, %dma_start3A_675] : memref<11x5x2x128xf32, #tpu.memory_space<vmem>> -> memref<11x1x2x128xf32, #tpu.memory_space<vmem>>
        %dma_start3A_677 = arith.constant 0 : i32
        %dma_start3A_678 = arith.constant 0 : i32
        %dma_start3A_679 = arith.constant 0 : i32
        %dma_start3A_680 = tpu.memref_slice %arg4[%dma_start3A_677, %min3A_11, %dma_start3A_678, %dma_start3A_679] : memref<11x990x2x128xf32, #tpu.memory_space<hbm>> -> memref<11x1x2x128xf32, #tpu.memory_space<hbm>>
        tpu.enqueue_dma source(%dma_start3A_680 : memref<11x1x2x128xf32, #tpu.memory_space<hbm>>) target(%dma_start3A_676 : memref<11x1x2x128xf32, #tpu.memory_space<vmem>>) target_semaphore(%arg25 : memref<!tpu.dma_semaphore, #tpu.memory_space<semaphore_mem>>)
        %dma_start3A_681 = arith.constant 0 : i32
        %dma_start3A_682 = arith.constant 0 : i32
        %dma_start3A_683 = arith.constant 0 : i32
        %dma_start3A_684 = arith.constant 0 : i32
        %dma_start3A_685 = tpu.memref_slice %arg14[%dma_start3A_681, %dma_start3A_682, %dma_start3A_683, %dma_start3A_684] : memref<11x5x2x128xf32, #tpu.memory_space<vmem>> -> memref<11x1x2x128xf32, #tpu.memory_space<vmem>>
        %dma_start3A_686 = arith.constant 0 : i32
        %dma_start3A_687 = arith.constant 0 : i32
        %dma_start3A_688 = arith.constant 0 : i32
        %dma_start3A_689 = tpu.memref_slice %arg6[%dma_start3A_686, %min3A_11, %dma_start3A_687, %dma_start3A_688] : memref<11x990x2x128xf32, #tpu.memory_space<hbm>> -> memref<11x1x2x128xf32, #tpu.memory_space<hbm>>
        %dma_start3A_690 = arith.constant 0 : i32
        %dma_start3A_691 = arith.constant 0 : i32
        %dma_start3A_692 = arith.constant 0 : i32
        %dma_start3A_693 = arith.constant 0 : i32
        %dma_start3A_694 = tpu.memref_slice %arg14[%dma_start3A_690, %dma_start3A_691, %dma_start3A_692, %dma_start3A_693] : memref<11x5x2x128xf32, #tpu.memory_space<vmem>> -> memref<11x1x2x128xf32, #tpu.memory_space<vmem>>
        %dma_start3A_695 = arith.constant 0 : i32
        %dma_start3A_696 = arith.constant 0 : i32
        %dma_start3A_697 = arith.constant 0 : i32
        %dma_start3A_698 = tpu.memref_slice %arg6[%dma_start3A_695, %min3A_11, %dma_start3A_696, %dma_start3A_697] : memref<11x990x2x128xf32, #tpu.memory_space<hbm>> -> memref<11x1x2x128xf32, #tpu.memory_space<hbm>>
        tpu.enqueue_dma source(%dma_start3A_698 : memref<11x1x2x128xf32, #tpu.memory_space<hbm>>) target(%dma_start3A_694 : memref<11x1x2x128xf32, #tpu.memory_space<vmem>>) target_semaphore(%arg25 : memref<!tpu.dma_semaphore, #tpu.memory_space<semaphore_mem>>)
        %dma_start3A_699 = arith.constant 0 : i32
        %dma_start3A_700 = arith.constant 0 : i32
        %dma_start3A_701 = arith.constant 0 : i32
        %dma_start3A_702 = arith.constant 0 : i32
        %dma_start3A_703 = tpu.memref_slice %arg10[%dma_start3A_699, %dma_start3A_700, %dma_start3A_701, %dma_start3A_702] : memref<2x5x4x128xf32, #tpu.memory_space<vmem>> -> memref<2x1x4x128xf32, #tpu.memory_space<vmem>>
        %dma_start3A_704 = arith.constant 0 : i32
        %dma_start3A_705 = arith.constant 0 : i32
        %dma_start3A_706 = arith.constant 0 : i32
        %dma_start3A_707 = tpu.memref_slice %arg2[%dma_start3A_704, %min3A_11, %dma_start3A_705, %dma_start3A_706] : memref<2x990x4x128xf32, #tpu.memory_space<hbm>> -> memref<2x1x4x128xf32, #tpu.memory_space<hbm>>
        %dma_start3A_708 = arith.constant 0 : i32
        %dma_start3A_709 = arith.constant 0 : i32
        %dma_start3A_710 = arith.constant 0 : i32
        %dma_start3A_711 = arith.constant 0 : i32
        %dma_start3A_712 = tpu.memref_slice %arg10[%dma_start3A_708, %dma_start3A_709, %dma_start3A_710, %dma_start3A_711] : memref<2x5x4x128xf32, #tpu.memory_space<vmem>> -> memref<2x1x4x128xf32, #tpu.memory_space<vmem>>
        %dma_start3A_713 = arith.constant 0 : i32
        %dma_start3A_714 = arith.constant 0 : i32
        %dma_start3A_715 = arith.constant 0 : i32
        %dma_start3A_716 = tpu.memref_slice %arg2[%dma_start3A_713, %min3A_11, %dma_start3A_714, %dma_start3A_715] : memref<2x990x4x128xf32, #tpu.memory_space<hbm>> -> memref<2x1x4x128xf32, #tpu.memory_space<hbm>>
        tpu.enqueue_dma source(%dma_start3A_716 : memref<2x1x4x128xf32, #tpu.memory_space<hbm>>) target(%dma_start3A_712 : memref<2x1x4x128xf32, #tpu.memory_space<vmem>>) target_semaphore(%arg25 : memref<!tpu.dma_semaphore, #tpu.memory_space<semaphore_mem>>)
        %dma_start3A_717 = arith.constant 0 : i32
        %dma_start3A_718 = arith.constant 0 : i32
        %dma_start3A_719 = arith.constant 0 : i32
        %dma_start3A_720 = arith.constant 0 : i32
        %dma_start3A_721 = tpu.memref_slice %arg11[%dma_start3A_717, %dma_start3A_718, %dma_start3A_719, %dma_start3A_720] : memref<2x5x4x128xf32, #tpu.memory_space<vmem>> -> memref<2x1x4x128xf32, #tpu.memory_space<vmem>>
        %dma_start3A_722 = arith.constant 0 : i32
        %dma_start3A_723 = arith.constant 0 : i32
        %dma_start3A_724 = arith.constant 0 : i32
        %dma_start3A_725 = tpu.memref_slice %arg3[%dma_start3A_722, %min3A_11, %dma_start3A_723, %dma_start3A_724] : memref<2x990x4x128xf32, #tpu.memory_space<hbm>> -> memref<2x1x4x128xf32, #tpu.memory_space<hbm>>
        %dma_start3A_726 = arith.constant 0 : i32
        %dma_start3A_727 = arith.constant 0 : i32
        %dma_start3A_728 = arith.constant 0 : i32
        %dma_start3A_729 = arith.constant 0 : i32
        %dma_start3A_730 = tpu.memref_slice %arg11[%dma_start3A_726, %dma_start3A_727, %dma_start3A_728, %dma_start3A_729] : memref<2x5x4x128xf32, #tpu.memory_space<vmem>> -> memref<2x1x4x128xf32, #tpu.memory_space<vmem>>
        %dma_start3A_731 = arith.constant 0 : i32
        %dma_start3A_732 = arith.constant 0 : i32
        %dma_start3A_733 = arith.constant 0 : i32
        %dma_start3A_734 = tpu.memref_slice %arg3[%dma_start3A_731, %min3A_11, %dma_start3A_732, %dma_start3A_733] : memref<2x990x4x128xf32, #tpu.memory_space<hbm>> -> memref<2x1x4x128xf32, #tpu.memory_space<hbm>>
        tpu.enqueue_dma source(%dma_start3A_734 : memref<2x1x4x128xf32, #tpu.memory_space<hbm>>) target(%dma_start3A_730 : memref<2x1x4x128xf32, #tpu.memory_space<vmem>>) target_semaphore(%arg25 : memref<!tpu.dma_semaphore, #tpu.memory_space<semaphore_mem>>)
        %dma_start3A_735 = arith.constant 0 : i32
        %dma_start3A_736 = arith.constant 0 : i32
        %dma_start3A_737 = arith.constant 0 : i32
        %dma_start3A_738 = arith.constant 0 : i32
        %dma_start3A_739 = tpu.memref_slice %arg12[%dma_start3A_735, %dma_start3A_736, %dma_start3A_737, %dma_start3A_738] : memref<2x5x4x128xf32, #tpu.memory_space<vmem>> -> memref<2x1x4x128xf32, #tpu.memory_space<vmem>>
        %dma_start3A_740 = arith.constant 0 : i32
        %dma_start3A_741 = arith.constant 0 : i32
        %dma_start3A_742 = arith.constant 0 : i32
        %dma_start3A_743 = tpu.memref_slice %arg5[%dma_start3A_740, %min3A_11, %dma_start3A_741, %dma_start3A_742] : memref<2x990x4x128xf32, #tpu.memory_space<hbm>> -> memref<2x1x4x128xf32, #tpu.memory_space<hbm>>
        %dma_start3A_744 = arith.constant 0 : i32
        %dma_start3A_745 = arith.constant 0 : i32
        %dma_start3A_746 = arith.constant 0 : i32
        %dma_start3A_747 = arith.constant 0 : i32
        %dma_start3A_748 = tpu.memref_slice %arg12[%dma_start3A_744, %dma_start3A_745, %dma_start3A_746, %dma_start3A_747] : memref<2x5x4x128xf32, #tpu.memory_space<vmem>> -> memref<2x1x4x128xf32, #tpu.memory_space<vmem>>
        %dma_start3A_749 = arith.constant 0 : i32
        %dma_start3A_750 = arith.constant 0 : i32
        %dma_start3A_751 = arith.constant 0 : i32
        %dma_start3A_752 = tpu.memref_slice %arg5[%dma_start3A_749, %min3A_11, %dma_start3A_750, %dma_start3A_751] : memref<2x990x4x128xf32, #tpu.memory_space<hbm>> -> memref<2x1x4x128xf32, #tpu.memory_space<hbm>>
        tpu.enqueue_dma source(%dma_start3A_752 : memref<2x1x4x128xf32, #tpu.memory_space<hbm>>) target(%dma_start3A_748 : memref<2x1x4x128xf32, #tpu.memory_space<vmem>>) target_semaphore(%arg25 : memref<!tpu.dma_semaphore, #tpu.memory_space<semaphore_mem>>)
        %dma_start3A_753 = arith.constant 0 : i32
        %dma_start3A_754 = arith.constant 0 : i32
        %dma_start3A_755 = arith.constant 0 : i32
        %dma_start3A_756 = tpu.memref_slice %arg15[%dma_start3A_753, %dma_start3A_754, %dma_start3A_755] : memref<5x2x128xf32, #tpu.memory_space<vmem>> -> memref<1x2x128xf32, #tpu.memory_space<vmem>>
        %dma_start3A_757 = arith.constant 0 : i32
        %dma_start3A_758 = arith.constant 0 : i32
        %dma_start3A_759 = tpu.memref_slice %arg7[%min3A_11, %dma_start3A_757, %dma_start3A_758] : memref<990x2x128xf32, #tpu.memory_space<hbm>> -> memref<1x2x128xf32, #tpu.memory_space<hbm>>
        %dma_start3A_760 = arith.constant 0 : i32
        %dma_start3A_761 = arith.constant 0 : i32
        %dma_start3A_762 = arith.constant 0 : i32
        %dma_start3A_763 = tpu.memref_slice %arg15[%dma_start3A_760, %dma_start3A_761, %dma_start3A_762] : memref<5x2x128xf32, #tpu.memory_space<vmem>> -> memref<1x2x128xf32, #tpu.memory_space<vmem>>
        %dma_start3A_764 = arith.constant 0 : i32
        %dma_start3A_765 = arith.constant 0 : i32
        %dma_start3A_766 = tpu.memref_slice %arg7[%min3A_11, %dma_start3A_764, %dma_start3A_765] : memref<990x2x128xf32, #tpu.memory_space<hbm>> -> memref<1x2x128xf32, #tpu.memory_space<hbm>>
        tpu.enqueue_dma source(%dma_start3A_766 : memref<1x2x128xf32, #tpu.memory_space<hbm>>) target(%dma_start3A_763 : memref<1x2x128xf32, #tpu.memory_space<vmem>>) target_semaphore(%arg25 : memref<!tpu.dma_semaphore, #tpu.memory_space<semaphore_mem>>)
        %dma_start3A_767 = arith.constant 0 : i32
        %dma_start3A_768 = arith.constant 0 : i32
        %dma_start3A_769 = arith.constant 0 : i32
        %dma_start3A_770 = tpu.memref_slice %arg16[%dma_start3A_767, %dma_start3A_768, %dma_start3A_769] : memref<5x2x128xi32, #tpu.memory_space<vmem>> -> memref<1x2x128xi32, #tpu.memory_space<vmem>>
        %dma_start3A_771 = arith.constant 0 : i32
        %dma_start3A_772 = arith.constant 0 : i32
        %dma_start3A_773 = tpu.memref_slice %arg8[%min3A_11, %dma_start3A_771, %dma_start3A_772] : memref<990x2x128xi32, #tpu.memory_space<hbm>> -> memref<1x2x128xi32, #tpu.memory_space<hbm>>
        %dma_start3A_774 = arith.constant 0 : i32
        %dma_start3A_775 = arith.constant 0 : i32
        %dma_start3A_776 = arith.constant 0 : i32
        %dma_start3A_777 = tpu.memref_slice %arg16[%dma_start3A_774, %dma_start3A_775, %dma_start3A_776] : memref<5x2x128xi32, #tpu.memory_space<vmem>> -> memref<1x2x128xi32, #tpu.memory_space<vmem>>
        %dma_start3A_778 = arith.constant 0 : i32
        %dma_start3A_779 = arith.constant 0 : i32
        %dma_start3A_780 = tpu.memref_slice %arg8[%min3A_11, %dma_start3A_778, %dma_start3A_779] : memref<990x2x128xi32, #tpu.memory_space<hbm>> -> memref<1x2x128xi32, #tpu.memory_space<hbm>>
        tpu.enqueue_dma source(%dma_start3A_780 : memref<1x2x128xi32, #tpu.memory_space<hbm>>) target(%dma_start3A_777 : memref<1x2x128xi32, #tpu.memory_space<vmem>>) target_semaphore(%arg25 : memref<!tpu.dma_semaphore, #tpu.memory_space<semaphore_mem>>)
      } else {
      }
      %dma_wait3A_541 = arith.constant 0 : i32
      %dma_wait3A_542 = arith.constant 0 : i32
      %dma_wait3A_543 = arith.constant 0 : i32
      %dma_wait3A_544 = arith.constant 0 : i32
      %dma_wait3A_545 = tpu.memref_slice %arg20[%dma_wait3A_541, %dma_wait3A_542, %dma_wait3A_543, %dma_wait3A_544] : memref<11x5x2x128xf32, #tpu.memory_space<vmem>> -> memref<11x5x2x128xf32, #tpu.memory_space<vmem>>
      %dma_wait3A_546 = arith.constant 0 : i32
      %dma_wait3A_547 = arith.constant 0 : i32
      %dma_wait3A_548 = arith.constant 0 : i32
      %dma_wait3A_549 = tpu.memref_slice %arg4[%dma_wait3A_546, %select_n3A, %dma_wait3A_547, %dma_wait3A_548] : memref<11x990x2x128xf32, #tpu.memory_space<hbm>> -> memref<11x5x2x128xf32, #tpu.memory_space<hbm>>
      %dma_wait3A_550 = arith.constant 0 : i32
      %dma_wait3A_551 = arith.constant 0 : i32
      %dma_wait3A_552 = arith.constant 0 : i32
      %dma_wait3A_553 = arith.constant 0 : i32
      %dma_wait3A_554 = tpu.memref_slice %arg20[%dma_wait3A_550, %dma_wait3A_551, %dma_wait3A_552, %dma_wait3A_553] : memref<11x5x2x128xf32, #tpu.memory_space<vmem>> -> memref<11x5x2x128xf32, #tpu.memory_space<vmem>>
      %dma_wait3A_555 = arith.constant 0 : i32
      %dma_wait3A_556 = arith.constant 0 : i32
      %dma_wait3A_557 = arith.constant 0 : i32
      %dma_wait3A_558 = tpu.memref_slice %arg4[%dma_wait3A_555, %select_n3A, %dma_wait3A_556, %dma_wait3A_557] : memref<11x990x2x128xf32, #tpu.memory_space<hbm>> -> memref<11x5x2x128xf32, #tpu.memory_space<hbm>>
      tpu.wait_dma2 semaphore(%arg26 : memref<!tpu.dma_semaphore, #tpu.memory_space<semaphore_mem>>) src(%dma_wait3A_558 : memref<11x5x2x128xf32, #tpu.memory_space<hbm>>) dst(%dma_wait3A_554 : memref<11x5x2x128xf32, #tpu.memory_space<vmem>>)
      %dma_wait3A_559 = arith.constant 0 : i32
      %dma_wait3A_560 = arith.constant 0 : i32
      %dma_wait3A_561 = arith.constant 0 : i32
      %dma_wait3A_562 = arith.constant 0 : i32
      %dma_wait3A_563 = tpu.memref_slice %arg21[%dma_wait3A_559, %dma_wait3A_560, %dma_wait3A_561, %dma_wait3A_562] : memref<11x5x2x128xf32, #tpu.memory_space<vmem>> -> memref<11x5x2x128xf32, #tpu.memory_space<vmem>>
      %dma_wait3A_564 = arith.constant 0 : i32
      %dma_wait3A_565 = arith.constant 0 : i32
      %dma_wait3A_566 = arith.constant 0 : i32
      %dma_wait3A_567 = tpu.memref_slice %arg6[%dma_wait3A_564, %select_n3A, %dma_wait3A_565, %dma_wait3A_566] : memref<11x990x2x128xf32, #tpu.memory_space<hbm>> -> memref<11x5x2x128xf32, #tpu.memory_space<hbm>>
      %dma_wait3A_568 = arith.constant 0 : i32
      %dma_wait3A_569 = arith.constant 0 : i32
      %dma_wait3A_570 = arith.constant 0 : i32
      %dma_wait3A_571 = arith.constant 0 : i32
      %dma_wait3A_572 = tpu.memref_slice %arg21[%dma_wait3A_568, %dma_wait3A_569, %dma_wait3A_570, %dma_wait3A_571] : memref<11x5x2x128xf32, #tpu.memory_space<vmem>> -> memref<11x5x2x128xf32, #tpu.memory_space<vmem>>
      %dma_wait3A_573 = arith.constant 0 : i32
      %dma_wait3A_574 = arith.constant 0 : i32
      %dma_wait3A_575 = arith.constant 0 : i32
      %dma_wait3A_576 = tpu.memref_slice %arg6[%dma_wait3A_573, %select_n3A, %dma_wait3A_574, %dma_wait3A_575] : memref<11x990x2x128xf32, #tpu.memory_space<hbm>> -> memref<11x5x2x128xf32, #tpu.memory_space<hbm>>
      tpu.wait_dma2 semaphore(%arg26 : memref<!tpu.dma_semaphore, #tpu.memory_space<semaphore_mem>>) src(%dma_wait3A_576 : memref<11x5x2x128xf32, #tpu.memory_space<hbm>>) dst(%dma_wait3A_572 : memref<11x5x2x128xf32, #tpu.memory_space<vmem>>)
      %dma_wait3A_577 = arith.constant 0 : i32
      %dma_wait3A_578 = arith.constant 0 : i32
      %dma_wait3A_579 = arith.constant 0 : i32
      %dma_wait3A_580 = arith.constant 0 : i32
      %dma_wait3A_581 = tpu.memref_slice %arg17[%dma_wait3A_577, %dma_wait3A_578, %dma_wait3A_579, %dma_wait3A_580] : memref<2x5x4x128xf32, #tpu.memory_space<vmem>> -> memref<2x5x4x128xf32, #tpu.memory_space<vmem>>
      %dma_wait3A_582 = arith.constant 0 : i32
      %dma_wait3A_583 = arith.constant 0 : i32
      %dma_wait3A_584 = arith.constant 0 : i32
      %dma_wait3A_585 = tpu.memref_slice %arg2[%dma_wait3A_582, %select_n3A, %dma_wait3A_583, %dma_wait3A_584] : memref<2x990x4x128xf32, #tpu.memory_space<hbm>> -> memref<2x5x4x128xf32, #tpu.memory_space<hbm>>
      %dma_wait3A_586 = arith.constant 0 : i32
      %dma_wait3A_587 = arith.constant 0 : i32
      %dma_wait3A_588 = arith.constant 0 : i32
      %dma_wait3A_589 = arith.constant 0 : i32
      %dma_wait3A_590 = tpu.memref_slice %arg17[%dma_wait3A_586, %dma_wait3A_587, %dma_wait3A_588, %dma_wait3A_589] : memref<2x5x4x128xf32, #tpu.memory_space<vmem>> -> memref<2x5x4x128xf32, #tpu.memory_space<vmem>>
      %dma_wait3A_591 = arith.constant 0 : i32
      %dma_wait3A_592 = arith.constant 0 : i32
      %dma_wait3A_593 = arith.constant 0 : i32
      %dma_wait3A_594 = tpu.memref_slice %arg2[%dma_wait3A_591, %select_n3A, %dma_wait3A_592, %dma_wait3A_593] : memref<2x990x4x128xf32, #tpu.memory_space<hbm>> -> memref<2x5x4x128xf32, #tpu.memory_space<hbm>>
      tpu.wait_dma2 semaphore(%arg26 : memref<!tpu.dma_semaphore, #tpu.memory_space<semaphore_mem>>) src(%dma_wait3A_594 : memref<2x5x4x128xf32, #tpu.memory_space<hbm>>) dst(%dma_wait3A_590 : memref<2x5x4x128xf32, #tpu.memory_space<vmem>>)
      %dma_wait3A_595 = arith.constant 0 : i32
      %dma_wait3A_596 = arith.constant 0 : i32
      %dma_wait3A_597 = arith.constant 0 : i32
      %dma_wait3A_598 = arith.constant 0 : i32
      %dma_wait3A_599 = tpu.memref_slice %arg18[%dma_wait3A_595, %dma_wait3A_596, %dma_wait3A_597, %dma_wait3A_598] : memref<2x5x4x128xf32, #tpu.memory_space<vmem>> -> memref<2x5x4x128xf32, #tpu.memory_space<vmem>>
      %dma_wait3A_600 = arith.constant 0 : i32
      %dma_wait3A_601 = arith.constant 0 : i32
      %dma_wait3A_602 = arith.constant 0 : i32
      %dma_wait3A_603 = tpu.memref_slice %arg3[%dma_wait3A_600, %select_n3A, %dma_wait3A_601, %dma_wait3A_602] : memref<2x990x4x128xf32, #tpu.memory_space<hbm>> -> memref<2x5x4x128xf32, #tpu.memory_space<hbm>>
      %dma_wait3A_604 = arith.constant 0 : i32
      %dma_wait3A_605 = arith.constant 0 : i32
      %dma_wait3A_606 = arith.constant 0 : i32
      %dma_wait3A_607 = arith.constant 0 : i32
      %dma_wait3A_608 = tpu.memref_slice %arg18[%dma_wait3A_604, %dma_wait3A_605, %dma_wait3A_606, %dma_wait3A_607] : memref<2x5x4x128xf32, #tpu.memory_space<vmem>> -> memref<2x5x4x128xf32, #tpu.memory_space<vmem>>
      %dma_wait3A_609 = arith.constant 0 : i32
      %dma_wait3A_610 = arith.constant 0 : i32
      %dma_wait3A_611 = arith.constant 0 : i32
      %dma_wait3A_612 = tpu.memref_slice %arg3[%dma_wait3A_609, %select_n3A, %dma_wait3A_610, %dma_wait3A_611] : memref<2x990x4x128xf32, #tpu.memory_space<hbm>> -> memref<2x5x4x128xf32, #tpu.memory_space<hbm>>
      tpu.wait_dma2 semaphore(%arg26 : memref<!tpu.dma_semaphore, #tpu.memory_space<semaphore_mem>>) src(%dma_wait3A_612 : memref<2x5x4x128xf32, #tpu.memory_space<hbm>>) dst(%dma_wait3A_608 : memref<2x5x4x128xf32, #tpu.memory_space<vmem>>)
      %dma_wait3A_613 = arith.constant 0 : i32
      %dma_wait3A_614 = arith.constant 0 : i32
      %dma_wait3A_615 = arith.constant 0 : i32
      %dma_wait3A_616 = arith.constant 0 : i32
      %dma_wait3A_617 = tpu.memref_slice %arg19[%dma_wait3A_613, %dma_wait3A_614, %dma_wait3A_615, %dma_wait3A_616] : memref<2x5x4x128xf32, #tpu.memory_space<vmem>> -> memref<2x5x4x128xf32, #tpu.memory_space<vmem>>
      %dma_wait3A_618 = arith.constant 0 : i32
      %dma_wait3A_619 = arith.constant 0 : i32
      %dma_wait3A_620 = arith.constant 0 : i32
      %dma_wait3A_621 = tpu.memref_slice %arg5[%dma_wait3A_618, %select_n3A, %dma_wait3A_619, %dma_wait3A_620] : memref<2x990x4x128xf32, #tpu.memory_space<hbm>> -> memref<2x5x4x128xf32, #tpu.memory_space<hbm>>
      %dma_wait3A_622 = arith.constant 0 : i32
      %dma_wait3A_623 = arith.constant 0 : i32
      %dma_wait3A_624 = arith.constant 0 : i32
      %dma_wait3A_625 = arith.constant 0 : i32
      %dma_wait3A_626 = tpu.memref_slice %arg19[%dma_wait3A_622, %dma_wait3A_623, %dma_wait3A_624, %dma_wait3A_625] : memref<2x5x4x128xf32, #tpu.memory_space<vmem>> -> memref<2x5x4x128xf32, #tpu.memory_space<vmem>>
      %dma_wait3A_627 = arith.constant 0 : i32
      %dma_wait3A_628 = arith.constant 0 : i32
      %dma_wait3A_629 = arith.constant 0 : i32
      %dma_wait3A_630 = tpu.memref_slice %arg5[%dma_wait3A_627, %select_n3A, %dma_wait3A_628, %dma_wait3A_629] : memref<2x990x4x128xf32, #tpu.memory_space<hbm>> -> memref<2x5x4x128xf32, #tpu.memory_space<hbm>>
      tpu.wait_dma2 semaphore(%arg26 : memref<!tpu.dma_semaphore, #tpu.memory_space<semaphore_mem>>) src(%dma_wait3A_630 : memref<2x5x4x128xf32, #tpu.memory_space<hbm>>) dst(%dma_wait3A_626 : memref<2x5x4x128xf32, #tpu.memory_space<vmem>>)
      %dma_wait3A_631 = arith.constant 0 : i32
      %dma_wait3A_632 = arith.constant 0 : i32
      %dma_wait3A_633 = arith.constant 0 : i32
      %dma_wait3A_634 = tpu.memref_slice %arg22[%dma_wait3A_631, %dma_wait3A_632, %dma_wait3A_633] : memref<5x2x128xf32, #tpu.memory_space<vmem>> -> memref<5x2x128xf32, #tpu.memory_space<vmem>>
      %dma_wait3A_635 = arith.constant 0 : i32
      %dma_wait3A_636 = arith.constant 0 : i32
      %dma_wait3A_637 = tpu.memref_slice %arg7[%select_n3A, %dma_wait3A_635, %dma_wait3A_636] : memref<990x2x128xf32, #tpu.memory_space<hbm>> -> memref<5x2x128xf32, #tpu.memory_space<hbm>>
      %dma_wait3A_638 = arith.constant 0 : i32
      %dma_wait3A_639 = arith.constant 0 : i32
      %dma_wait3A_640 = arith.constant 0 : i32
      %dma_wait3A_641 = tpu.memref_slice %arg22[%dma_wait3A_638, %dma_wait3A_639, %dma_wait3A_640] : memref<5x2x128xf32, #tpu.memory_space<vmem>> -> memref<5x2x128xf32, #tpu.memory_space<vmem>>
      %dma_wait3A_642 = arith.constant 0 : i32
      %dma_wait3A_643 = arith.constant 0 : i32
      %dma_wait3A_644 = tpu.memref_slice %arg7[%select_n3A, %dma_wait3A_642, %dma_wait3A_643] : memref<990x2x128xf32, #tpu.memory_space<hbm>> -> memref<5x2x128xf32, #tpu.memory_space<hbm>>
      tpu.wait_dma2 semaphore(%arg26 : memref<!tpu.dma_semaphore, #tpu.memory_space<semaphore_mem>>) src(%dma_wait3A_644 : memref<5x2x128xf32, #tpu.memory_space<hbm>>) dst(%dma_wait3A_641 : memref<5x2x128xf32, #tpu.memory_space<vmem>>)
      %dma_wait3A_645 = arith.constant 0 : i32
      %dma_wait3A_646 = arith.constant 0 : i32
      %dma_wait3A_647 = arith.constant 0 : i32
      %dma_wait3A_648 = tpu.memref_slice %arg23[%dma_wait3A_645, %dma_wait3A_646, %dma_wait3A_647] : memref<5x2x128xi32, #tpu.memory_space<vmem>> -> memref<5x2x128xi32, #tpu.memory_space<vmem>>
      %dma_wait3A_649 = arith.constant 0 : i32
      %dma_wait3A_650 = arith.constant 0 : i32
      %dma_wait3A_651 = tpu.memref_slice %arg8[%select_n3A, %dma_wait3A_649, %dma_wait3A_650] : memref<990x2x128xi32, #tpu.memory_space<hbm>> -> memref<5x2x128xi32, #tpu.memory_space<hbm>>
      %dma_wait3A_652 = arith.constant 0 : i32
      %dma_wait3A_653 = arith.constant 0 : i32
      %dma_wait3A_654 = arith.constant 0 : i32
      %dma_wait3A_655 = tpu.memref_slice %arg23[%dma_wait3A_652, %dma_wait3A_653, %dma_wait3A_654] : memref<5x2x128xi32, #tpu.memory_space<vmem>> -> memref<5x2x128xi32, #tpu.memory_space<vmem>>
      %dma_wait3A_656 = arith.constant 0 : i32
      %dma_wait3A_657 = arith.constant 0 : i32
      %dma_wait3A_658 = tpu.memref_slice %arg8[%select_n3A, %dma_wait3A_656, %dma_wait3A_657] : memref<990x2x128xi32, #tpu.memory_space<hbm>> -> memref<5x2x128xi32, #tpu.memory_space<hbm>>
      tpu.wait_dma2 semaphore(%arg26 : memref<!tpu.dma_semaphore, #tpu.memory_space<semaphore_mem>>) src(%dma_wait3A_658 : memref<5x2x128xi32, #tpu.memory_space<hbm>>) dst(%dma_wait3A_655 : memref<5x2x128xi32, #tpu.memory_space<vmem>>)
      %parallel_loop3A_659 = arith.constant 0 : i32
      %parallel_loop3A_660 = arith.constant 80 : i32
      %parallel_loop3A_661 = arith.constant 1 : i32
      %parallel_loop3A_662:3 = scf.for %parallel_loop3A_663 = %parallel_loop3A_659 to %parallel_loop3A_660 step %parallel_loop3A_661 iter_args(%parallel_loop3A_664 = %parallel_loop3A_533#0, %parallel_loop3A_665 = %parallel_loop3A_533#1, %parallel_loop3A_666 = %parallel_loop3A_533#2) -> (vector<16xf32>, vector<16xf32>, vector<16xf32>)  : i32 {
        %parallel_loop3A_667 = arith.constant 4 : i32
        %parallel_loop3A_668 = arith.shrsi %parallel_loop3A_663, %parallel_loop3A_667 : i32
        %parallel_loop3A_669 = arith.constant 3 : i32
        %parallel_loop3A_670 = arith.shrsi %parallel_loop3A_663, %parallel_loop3A_669 : i32
        %parallel_loop3A_671 = arith.constant 1 : i32
        %parallel_loop3A_672 = arith.andi %parallel_loop3A_670, %parallel_loop3A_671 : i32
        %parallel_loop3A_673 = arith.constant 7 : i32
        %parallel_loop3A_674 = arith.andi %parallel_loop3A_663, %parallel_loop3A_673 : i32
        %parallel_loop3A_675 = arith.constant 16 : i32
        %parallel_loop3A_676 = arith.muli %parallel_loop3A_674, %parallel_loop3A_675 : i32
        %parallel_loop3A_677 = arith.index_cast %parallel_loop3A_668 : i32 to index
        %parallel_loop3A_678 = arith.index_cast %parallel_loop3A_672 : i32 to index
        %parallel_loop3A_679 = arith.index_cast %parallel_loop3A_676 : i32 to index
        %parallel_loop3A_680 = tpu.vector_load %arg23[%parallel_loop3A_677, %parallel_loop3A_678, %parallel_loop3A_679] {strides = array<i32>} : memref<5x2x128xi32, #tpu.memory_space<vmem>>, vector<16xi32>,
        %parallel_loop3A_681 = arith.constant 0 : i32
        %parallel_loop3A_682 = vector.broadcast %parallel_loop3A_681 : i32 to vector<16xi32>
        %parallel_loop3A_683 = arith.cmpi sgt, %parallel_loop3A_680, %parallel_loop3A_682 : vector<16xi32>
        %parallel_loop3A_684 = arith.constant 1.000000e+00 : f32
        %parallel_loop3A_685 = arith.constant 0.000000e+00 : f32
        %parallel_loop3A_686 = vector.broadcast %parallel_loop3A_684 : f32 to vector<16xf32>
        %parallel_loop3A_687 = vector.broadcast %parallel_loop3A_685 : f32 to vector<16xf32>
        %parallel_loop3A_688 = arith.select %parallel_loop3A_683, %parallel_loop3A_686, %parallel_loop3A_687 : vector<16xi1>, vector<16xf32>
        %parallel_loop3A_689 = arith.index_cast %parallel_loop3A_668 : i32 to index
        %parallel_loop3A_690 = arith.index_cast %parallel_loop3A_672 : i32 to index
        %parallel_loop3A_691 = arith.index_cast %parallel_loop3A_676 : i32 to index
        %parallel_loop3A_692 = tpu.vector_load %arg22[%parallel_loop3A_689, %parallel_loop3A_690, %parallel_loop3A_691] {strides = array<i32>} : memref<5x2x128xf32, #tpu.memory_space<vmem>>, vector<16xf32>,
        %parallel_loop3A_693 = arith.mulf %parallel_loop3A_688, %parallel_loop3A_692 : vector<16xf32>
        %parallel_loop3A_694 = arith.constant 0 : i32
        %parallel_loop3A_695 = arith.index_cast %parallel_loop3A_672 : i32 to index
        %parallel_loop3A_696 = arith.index_cast %parallel_loop3A_668 : i32 to index
        %parallel_loop3A_697 = arith.index_cast %parallel_loop3A_694 : i32 to index
        %parallel_loop3A_698 = arith.index_cast %parallel_loop3A_676 : i32 to index
        %parallel_loop3A_699 = tpu.vector_load %arg17[%parallel_loop3A_695, %parallel_loop3A_696, %parallel_loop3A_697, %parallel_loop3A_698] {strides = array<i32>} : memref<2x5x4x128xf32, #tpu.memory_space<vmem>>, vector<16xf32>,
        %parallel_loop3A_700 = arith.constant 1 : i32
        %parallel_loop3A_701 = arith.index_cast %parallel_loop3A_672 : i32 to index
        %parallel_loop3A_702 = arith.index_cast %parallel_loop3A_668 : i32 to index
        %parallel_loop3A_703 = arith.index_cast %parallel_loop3A_700 : i32 to index
        %parallel_loop3A_704 = arith.index_cast %parallel_loop3A_676 : i32 to index
        %parallel_loop3A_705 = tpu.vector_load %arg17[%parallel_loop3A_701, %parallel_loop3A_702, %parallel_loop3A_703, %parallel_loop3A_704] {strides = array<i32>} : memref<2x5x4x128xf32, #tpu.memory_space<vmem>>, vector<16xf32>,
        %parallel_loop3A_706 = arith.constant 2 : i32
        %parallel_loop3A_707 = arith.index_cast %parallel_loop3A_672 : i32 to index
        %parallel_loop3A_708 = arith.index_cast %parallel_loop3A_668 : i32 to index
        %parallel_loop3A_709 = arith.index_cast %parallel_loop3A_706 : i32 to index
        %parallel_loop3A_710 = arith.index_cast %parallel_loop3A_676 : i32 to index
        %parallel_loop3A_711 = tpu.vector_load %arg17[%parallel_loop3A_707, %parallel_loop3A_708, %parallel_loop3A_709, %parallel_loop3A_710] {strides = array<i32>} : memref<2x5x4x128xf32, #tpu.memory_space<vmem>>, vector<16xf32>,
        %parallel_loop3A_712 = arith.constant 3 : i32
        %parallel_loop3A_713 = arith.index_cast %parallel_loop3A_672 : i32 to index
        %parallel_loop3A_714 = arith.index_cast %parallel_loop3A_668 : i32 to index
        %parallel_loop3A_715 = arith.index_cast %parallel_loop3A_712 : i32 to index
        %parallel_loop3A_716 = arith.index_cast %parallel_loop3A_676 : i32 to index
        %parallel_loop3A_717 = tpu.vector_load %arg17[%parallel_loop3A_713, %parallel_loop3A_714, %parallel_loop3A_715, %parallel_loop3A_716] {strides = array<i32>} : memref<2x5x4x128xf32, #tpu.memory_space<vmem>>, vector<16xf32>,
        %parallel_loop3A_718 = arith.constant 0 : i32
        %parallel_loop3A_719 = vector.broadcast %parallel_loop3A_718 : i32 to vector<16xi32>
        %parallel_loop3A_720 = arith.cmpi eq, %parallel_loop3A_680, %parallel_loop3A_719 : vector<16xi32>
        %parallel_loop3A_721 = arith.constant 1 : i32
        %parallel_loop3A_722 = vector.broadcast %parallel_loop3A_721 : i32 to vector<16xi32>
        %parallel_loop3A_723 = arith.cmpi eq, %parallel_loop3A_680, %parallel_loop3A_722 : vector<16xi32>
        %parallel_loop3A_724 = arith.constant 2 : i32
        %parallel_loop3A_725 = vector.broadcast %parallel_loop3A_724 : i32 to vector<16xi32>
        %parallel_loop3A_726 = arith.cmpi eq, %parallel_loop3A_680, %parallel_loop3A_725 : vector<16xi32>
        %parallel_loop3A_727 = arith.select %parallel_loop3A_726, %parallel_loop3A_711, %parallel_loop3A_717 : vector<16xi1>, vector<16xf32>
        %parallel_loop3A_728 = arith.select %parallel_loop3A_723, %parallel_loop3A_705, %parallel_loop3A_727 : vector<16xi1>, vector<16xf32>
        %parallel_loop3A_729 = arith.select %parallel_loop3A_720, %parallel_loop3A_699, %parallel_loop3A_728 : vector<16xi1>, vector<16xf32>
        %parallel_loop3A_730 = arith.addf %parallel_loop3A_665, %parallel_loop3A_729 : vector<16xf32>
        %parallel_loop3A_731 = arith.constant 0 : i32
        %parallel_loop3A_732 = arith.index_cast %parallel_loop3A_672 : i32 to index
        %parallel_loop3A_733 = arith.index_cast %parallel_loop3A_668 : i32 to index
        %parallel_loop3A_734 = arith.index_cast %parallel_loop3A_731 : i32 to index
        %parallel_loop3A_735 = arith.index_cast %parallel_loop3A_676 : i32 to index
        %parallel_loop3A_736 = tpu.vector_load %arg18[%parallel_loop3A_732, %parallel_loop3A_733, %parallel_loop3A_734, %parallel_loop3A_735] {strides = array<i32>} : memref<2x5x4x128xf32, #tpu.memory_space<vmem>>, vector<16xf32>,
        %parallel_loop3A_737 = arith.constant 0 : i32
        %parallel_loop3A_738 = arith.index_cast %parallel_loop3A_672 : i32 to index
        %parallel_loop3A_739 = arith.index_cast %parallel_loop3A_668 : i32 to index
        %parallel_loop3A_740 = arith.index_cast %parallel_loop3A_737 : i32 to index
        %parallel_loop3A_741 = arith.index_cast %parallel_loop3A_676 : i32 to index
        %parallel_loop3A_742 = tpu.vector_load %arg19[%parallel_loop3A_738, %parallel_loop3A_739, %parallel_loop3A_740, %parallel_loop3A_741] {strides = array<i32>} : memref<2x5x4x128xf32, #tpu.memory_space<vmem>>, vector<16xf32>,
        %parallel_loop3A_743 = arith.subf %parallel_loop3A_736, %parallel_loop3A_742 : vector<16xf32>
        %parallel_loop3A_744 = math.absf %parallel_loop3A_743 : vector<16xf32>
        %parallel_loop3A_745 = arith.constant 0.111111112 : f32
        %parallel_loop3A_746 = vector.broadcast %parallel_loop3A_745 : f32 to vector<16xf32>
        %parallel_loop3A_747 = arith.minimumf %parallel_loop3A_744, %parallel_loop3A_746 : vector<16xf32>
        %parallel_loop3A_748 = arith.subf %parallel_loop3A_744, %parallel_loop3A_747 : vector<16xf32>
        %parallel_loop3A_749 = arith.mulf %parallel_loop3A_747, %parallel_loop3A_747 : vector<16xf32>
        %parallel_loop3A_750 = arith.constant 4.500000e+00 : f32
        %parallel_loop3A_751 = vector.broadcast %parallel_loop3A_750 : f32 to vector<16xf32>
        %parallel_loop3A_752 = arith.mulf %parallel_loop3A_749, %parallel_loop3A_751 : vector<16xf32>
        %parallel_loop3A_753 = arith.addf %parallel_loop3A_748, %parallel_loop3A_752 : vector<16xf32>
        %parallel_loop3A_754 = arith.constant 1 : i32
        %parallel_loop3A_755 = arith.index_cast %parallel_loop3A_672 : i32 to index
        %parallel_loop3A_756 = arith.index_cast %parallel_loop3A_668 : i32 to index
        %parallel_loop3A_757 = arith.index_cast %parallel_loop3A_754 : i32 to index
        %parallel_loop3A_758 = arith.index_cast %parallel_loop3A_676 : i32 to index
        %parallel_loop3A_759 = tpu.vector_load %arg18[%parallel_loop3A_755, %parallel_loop3A_756, %parallel_loop3A_757, %parallel_loop3A_758] {strides = array<i32>} : memref<2x5x4x128xf32, #tpu.memory_space<vmem>>, vector<16xf32>,
        %parallel_loop3A_760 = arith.constant 1 : i32
        %parallel_loop3A_761 = arith.index_cast %parallel_loop3A_672 : i32 to index
        %parallel_loop3A_762 = arith.index_cast %parallel_loop3A_668 : i32 to index
        %parallel_loop3A_763 = arith.index_cast %parallel_loop3A_760 : i32 to index
        %parallel_loop3A_764 = arith.index_cast %parallel_loop3A_676 : i32 to index
        %parallel_loop3A_765 = tpu.vector_load %arg19[%parallel_loop3A_761, %parallel_loop3A_762, %parallel_loop3A_763, %parallel_loop3A_764] {strides = array<i32>} : memref<2x5x4x128xf32, #tpu.memory_space<vmem>>, vector<16xf32>,
        %parallel_loop3A_766 = arith.subf %parallel_loop3A_759, %parallel_loop3A_765 : vector<16xf32>
        %parallel_loop3A_767 = math.absf %parallel_loop3A_766 : vector<16xf32>
        %parallel_loop3A_768 = arith.constant 0.111111112 : f32
        %parallel_loop3A_769 = vector.broadcast %parallel_loop3A_768 : f32 to vector<16xf32>
        %parallel_loop3A_770 = arith.minimumf %parallel_loop3A_767, %parallel_loop3A_769 : vector<16xf32>
        %parallel_loop3A_771 = arith.subf %parallel_loop3A_767, %parallel_loop3A_770 : vector<16xf32>
        %parallel_loop3A_772 = arith.mulf %parallel_loop3A_770, %parallel_loop3A_770 : vector<16xf32>
        %parallel_loop3A_773 = arith.constant 4.500000e+00 : f32
        %parallel_loop3A_774 = vector.broadcast %parallel_loop3A_773 : f32 to vector<16xf32>
        %parallel_loop3A_775 = arith.mulf %parallel_loop3A_772, %parallel_loop3A_774 : vector<16xf32>
        %parallel_loop3A_776 = arith.addf %parallel_loop3A_771, %parallel_loop3A_775 : vector<16xf32>
        %parallel_loop3A_777 = arith.constant 2 : i32
        %parallel_loop3A_778 = arith.index_cast %parallel_loop3A_672 : i32 to index
        %parallel_loop3A_779 = arith.index_cast %parallel_loop3A_668 : i32 to index
        %parallel_loop3A_780 = arith.index_cast %parallel_loop3A_777 : i32 to index
        %parallel_loop3A_781 = arith.index_cast %parallel_loop3A_676 : i32 to index
        %parallel_loop3A_782 = tpu.vector_load %arg18[%parallel_loop3A_778, %parallel_loop3A_779, %parallel_loop3A_780, %parallel_loop3A_781] {strides = array<i32>} : memref<2x5x4x128xf32, #tpu.memory_space<vmem>>, vector<16xf32>,
        %parallel_loop3A_783 = arith.constant 2 : i32
        %parallel_loop3A_784 = arith.index_cast %parallel_loop3A_672 : i32 to index
        %parallel_loop3A_785 = arith.index_cast %parallel_loop3A_668 : i32 to index
        %parallel_loop3A_786 = arith.index_cast %parallel_loop3A_783 : i32 to index
        %parallel_loop3A_787 = arith.index_cast %parallel_loop3A_676 : i32 to index
        %parallel_loop3A_788 = tpu.vector_load %arg19[%parallel_loop3A_784, %parallel_loop3A_785, %parallel_loop3A_786, %parallel_loop3A_787] {strides = array<i32>} : memref<2x5x4x128xf32, #tpu.memory_space<vmem>>, vector<16xf32>,
        %parallel_loop3A_789 = arith.subf %parallel_loop3A_782, %parallel_loop3A_788 : vector<16xf32>
        %parallel_loop3A_790 = math.absf %parallel_loop3A_789 : vector<16xf32>
        %parallel_loop3A_791 = arith.constant 0.111111112 : f32
        %parallel_loop3A_792 = vector.broadcast %parallel_loop3A_791 : f32 to vector<16xf32>
        %parallel_loop3A_793 = arith.minimumf %parallel_loop3A_790, %parallel_loop3A_792 : vector<16xf32>
        %parallel_loop3A_794 = arith.subf %parallel_loop3A_790, %parallel_loop3A_793 : vector<16xf32>
        %parallel_loop3A_795 = arith.mulf %parallel_loop3A_793, %parallel_loop3A_793 : vector<16xf32>
        %parallel_loop3A_796 = arith.constant 4.500000e+00 : f32
        %parallel_loop3A_797 = vector.broadcast %parallel_loop3A_796 : f32 to vector<16xf32>
        %parallel_loop3A_798 = arith.mulf %parallel_loop3A_795, %parallel_loop3A_797 : vector<16xf32>
        %parallel_loop3A_799 = arith.addf %parallel_loop3A_794, %parallel_loop3A_798 : vector<16xf32>
        %parallel_loop3A_800 = arith.constant 3 : i32
        %parallel_loop3A_801 = arith.index_cast %parallel_loop3A_672 : i32 to index
        %parallel_loop3A_802 = arith.index_cast %parallel_loop3A_668 : i32 to index
        %parallel_loop3A_803 = arith.index_cast %parallel_loop3A_800 : i32 to index
        %parallel_loop3A_804 = arith.index_cast %parallel_loop3A_676 : i32 to index
        %parallel_loop3A_805 = tpu.vector_load %arg18[%parallel_loop3A_801, %parallel_loop3A_802, %parallel_loop3A_803, %parallel_loop3A_804] {strides = array<i32>} : memref<2x5x4x128xf32, #tpu.memory_space<vmem>>, vector<16xf32>,
        %parallel_loop3A_806 = arith.constant 3 : i32
        %parallel_loop3A_807 = arith.index_cast %parallel_loop3A_672 : i32 to index
        %parallel_loop3A_808 = arith.index_cast %parallel_loop3A_668 : i32 to index
        %parallel_loop3A_809 = arith.index_cast %parallel_loop3A_806 : i32 to index
        %parallel_loop3A_810 = arith.index_cast %parallel_loop3A_676 : i32 to index
        %parallel_loop3A_811 = tpu.vector_load %arg19[%parallel_loop3A_807, %parallel_loop3A_808, %parallel_loop3A_809, %parallel_loop3A_810] {strides = array<i32>} : memref<2x5x4x128xf32, #tpu.memory_space<vmem>>, vector<16xf32>,
        %parallel_loop3A_812 = arith.subf %parallel_loop3A_805, %parallel_loop3A_811 : vector<16xf32>
        %parallel_loop3A_813 = math.absf %parallel_loop3A_812 : vector<16xf32>
        %parallel_loop3A_814 = arith.constant 0.111111112 : f32
        %parallel_loop3A_815 = vector.broadcast %parallel_loop3A_814 : f32 to vector<16xf32>
        %parallel_loop3A_816 = arith.minimumf %parallel_loop3A_813, %parallel_loop3A_815 : vector<16xf32>
        %parallel_loop3A_817 = arith.subf %parallel_loop3A_813, %parallel_loop3A_816 : vector<16xf32>
        %parallel_loop3A_818 = arith.mulf %parallel_loop3A_816, %parallel_loop3A_816 : vector<16xf32>
        %parallel_loop3A_819 = arith.constant 4.500000e+00 : f32
        %parallel_loop3A_820 = vector.broadcast %parallel_loop3A_819 : f32 to vector<16xf32>
        %parallel_loop3A_821 = arith.mulf %parallel_loop3A_818, %parallel_loop3A_820 : vector<16xf32>
        %parallel_loop3A_822 = arith.addf %parallel_loop3A_817, %parallel_loop3A_821 : vector<16xf32>
        %parallel_loop3A_823 = arith.constant 0 : i32
        %parallel_loop3A_824 = arith.index_cast %parallel_loop3A_823 : i32 to index
        %parallel_loop3A_825 = arith.index_cast %parallel_loop3A_668 : i32 to index
        %parallel_loop3A_826 = arith.index_cast %parallel_loop3A_672 : i32 to index
        %parallel_loop3A_827 = arith.index_cast %parallel_loop3A_676 : i32 to index
        %parallel_loop3A_828 = tpu.vector_load %arg20[%parallel_loop3A_824, %parallel_loop3A_825, %parallel_loop3A_826, %parallel_loop3A_827] {strides = array<i32>} : memref<11x5x2x128xf32, #tpu.memory_space<vmem>>, vector<16xf32>,
        %parallel_loop3A_829 = arith.constant 0 : i32
        %parallel_loop3A_830 = arith.index_cast %parallel_loop3A_829 : i32 to index
        %parallel_loop3A_831 = arith.index_cast %parallel_loop3A_668 : i32 to index
        %parallel_loop3A_832 = arith.index_cast %parallel_loop3A_672 : i32 to index
        %parallel_loop3A_833 = arith.index_cast %parallel_loop3A_676 : i32 to index
        %parallel_loop3A_834 = tpu.vector_load %arg21[%parallel_loop3A_830, %parallel_loop3A_831, %parallel_loop3A_832, %parallel_loop3A_833] {strides = array<i32>} : memref<11x5x2x128xf32, #tpu.memory_space<vmem>>, vector<16xf32>,
        %parallel_loop3A_835 = arith.subf %parallel_loop3A_828, %parallel_loop3A_834 : vector<16xf32>
        %parallel_loop3A_836 = math.absf %parallel_loop3A_835 : vector<16xf32>
        %parallel_loop3A_837 = arith.constant 0.111111112 : f32
        %parallel_loop3A_838 = vector.broadcast %parallel_loop3A_837 : f32 to vector<16xf32>
        %parallel_loop3A_839 = arith.minimumf %parallel_loop3A_836, %parallel_loop3A_838 : vector<16xf32>
        %parallel_loop3A_840 = arith.subf %parallel_loop3A_836, %parallel_loop3A_839 : vector<16xf32>
        %parallel_loop3A_841 = arith.mulf %parallel_loop3A_839, %parallel_loop3A_839 : vector<16xf32>
        %parallel_loop3A_842 = arith.constant 4.500000e+00 : f32
        %parallel_loop3A_843 = vector.broadcast %parallel_loop3A_842 : f32 to vector<16xf32>
        %parallel_loop3A_844 = arith.mulf %parallel_loop3A_841, %parallel_loop3A_843 : vector<16xf32>
        %parallel_loop3A_845 = arith.addf %parallel_loop3A_840, %parallel_loop3A_844 : vector<16xf32>
        %parallel_loop3A_846 = arith.constant 1 : i32
        %parallel_loop3A_847 = arith.index_cast %parallel_loop3A_846 : i32 to index
        %parallel_loop3A_848 = arith.index_cast %parallel_loop3A_668 : i32 to index
        %parallel_loop3A_849 = arith.index_cast %parallel_loop3A_672 : i32 to index
        %parallel_loop3A_850 = arith.index_cast %parallel_loop3A_676 : i32 to index
        %parallel_loop3A_851 = tpu.vector_load %arg20[%parallel_loop3A_847, %parallel_loop3A_848, %parallel_loop3A_849, %parallel_loop3A_850] {strides = array<i32>} : memref<11x5x2x128xf32, #tpu.memory_space<vmem>>, vector<16xf32>,
        %parallel_loop3A_852 = arith.constant 1 : i32
        %parallel_loop3A_853 = arith.index_cast %parallel_loop3A_852 : i32 to index
        %parallel_loop3A_854 = arith.index_cast %parallel_loop3A_668 : i32 to index
        %parallel_loop3A_855 = arith.index_cast %parallel_loop3A_672 : i32 to index
        %parallel_loop3A_856 = arith.index_cast %parallel_loop3A_676 : i32 to index
        %parallel_loop3A_857 = tpu.vector_load %arg21[%parallel_loop3A_853, %parallel_loop3A_854, %parallel_loop3A_855, %parallel_loop3A_856] {strides = array<i32>} : memref<11x5x2x128xf32, #tpu.memory_space<vmem>>, vector<16xf32>,
        %parallel_loop3A_858 = arith.subf %parallel_loop3A_851, %parallel_loop3A_857 : vector<16xf32>
        %parallel_loop3A_859 = math.absf %parallel_loop3A_858 : vector<16xf32>
        %parallel_loop3A_860 = arith.constant 0.111111112 : f32
        %parallel_loop3A_861 = vector.broadcast %parallel_loop3A_860 : f32 to vector<16xf32>
        %parallel_loop3A_862 = arith.minimumf %parallel_loop3A_859, %parallel_loop3A_861 : vector<16xf32>
        %parallel_loop3A_863 = arith.subf %parallel_loop3A_859, %parallel_loop3A_862 : vector<16xf32>
        %parallel_loop3A_864 = arith.mulf %parallel_loop3A_862, %parallel_loop3A_862 : vector<16xf32>
        %parallel_loop3A_865 = arith.constant 4.500000e+00 : f32
        %parallel_loop3A_866 = vector.broadcast %parallel_loop3A_865 : f32 to vector<16xf32>
        %parallel_loop3A_867 = arith.mulf %parallel_loop3A_864, %parallel_loop3A_866 : vector<16xf32>
        %parallel_loop3A_868 = arith.addf %parallel_loop3A_863, %parallel_loop3A_867 : vector<16xf32>
        %parallel_loop3A_869 = arith.constant 2 : i32
        %parallel_loop3A_870 = arith.index_cast %parallel_loop3A_869 : i32 to index
        %parallel_loop3A_871 = arith.index_cast %parallel_loop3A_668 : i32 to index
        %parallel_loop3A_872 = arith.index_cast %parallel_loop3A_672 : i32 to index
        %parallel_loop3A_873 = arith.index_cast %parallel_loop3A_676 : i32 to index
        %parallel_loop3A_874 = tpu.vector_load %arg20[%parallel_loop3A_870, %parallel_loop3A_871, %parallel_loop3A_872, %parallel_loop3A_873] {strides = array<i32>} : memref<11x5x2x128xf32, #tpu.memory_space<vmem>>, vector<16xf32>,
        %parallel_loop3A_875 = arith.constant 2 : i32
        %parallel_loop3A_876 = arith.index_cast %parallel_loop3A_875 : i32 to index
        %parallel_loop3A_877 = arith.index_cast %parallel_loop3A_668 : i32 to index
        %parallel_loop3A_878 = arith.index_cast %parallel_loop3A_672 : i32 to index
        %parallel_loop3A_879 = arith.index_cast %parallel_loop3A_676 : i32 to index
        %parallel_loop3A_880 = tpu.vector_load %arg21[%parallel_loop3A_876, %parallel_loop3A_877, %parallel_loop3A_878, %parallel_loop3A_879] {strides = array<i32>} : memref<11x5x2x128xf32, #tpu.memory_space<vmem>>, vector<16xf32>,
        %parallel_loop3A_881 = arith.subf %parallel_loop3A_874, %parallel_loop3A_880 : vector<16xf32>
        %parallel_loop3A_882 = math.absf %parallel_loop3A_881 : vector<16xf32>
        %parallel_loop3A_883 = arith.constant 0.111111112 : f32
        %parallel_loop3A_884 = vector.broadcast %parallel_loop3A_883 : f32 to vector<16xf32>
        %parallel_loop3A_885 = arith.minimumf %parallel_loop3A_882, %parallel_loop3A_884 : vector<16xf32>
        %parallel_loop3A_886 = arith.subf %parallel_loop3A_882, %parallel_loop3A_885 : vector<16xf32>
        %parallel_loop3A_887 = arith.mulf %parallel_loop3A_885, %parallel_loop3A_885 : vector<16xf32>
        %parallel_loop3A_888 = arith.constant 4.500000e+00 : f32
        %parallel_loop3A_889 = vector.broadcast %parallel_loop3A_888 : f32 to vector<16xf32>
        %parallel_loop3A_890 = arith.mulf %parallel_loop3A_887, %parallel_loop3A_889 : vector<16xf32>
        %parallel_loop3A_891 = arith.addf %parallel_loop3A_886, %parallel_loop3A_890 : vector<16xf32>
        %parallel_loop3A_892 = arith.constant 3 : i32
        %parallel_loop3A_893 = arith.index_cast %parallel_loop3A_892 : i32 to index
        %parallel_loop3A_894 = arith.index_cast %parallel_loop3A_668 : i32 to index
        %parallel_loop3A_895 = arith.index_cast %parallel_loop3A_672 : i32 to index
        %parallel_loop3A_896 = arith.index_cast %parallel_loop3A_676 : i32 to index
        %parallel_loop3A_897 = tpu.vector_load %arg20[%parallel_loop3A_893, %parallel_loop3A_894, %parallel_loop3A_895, %parallel_loop3A_896] {strides = array<i32>} : memref<11x5x2x128xf32, #tpu.memory_space<vmem>>, vector<16xf32>,
        %parallel_loop3A_898 = arith.constant 3 : i32
        %parallel_loop3A_899 = arith.index_cast %parallel_loop3A_898 : i32 to index
        %parallel_loop3A_900 = arith.index_cast %parallel_loop3A_668 : i32 to index
        %parallel_loop3A_901 = arith.index_cast %parallel_loop3A_672 : i32 to index
        %parallel_loop3A_902 = arith.index_cast %parallel_loop3A_676 : i32 to index
        %parallel_loop3A_903 = tpu.vector_load %arg21[%parallel_loop3A_899, %parallel_loop3A_900, %parallel_loop3A_901, %parallel_loop3A_902] {strides = array<i32>} : memref<11x5x2x128xf32, #tpu.memory_space<vmem>>, vector<16xf32>,
        %parallel_loop3A_904 = arith.subf %parallel_loop3A_897, %parallel_loop3A_903 : vector<16xf32>
        %parallel_loop3A_905 = math.absf %parallel_loop3A_904 : vector<16xf32>
        %parallel_loop3A_906 = arith.constant 0.111111112 : f32
        %parallel_loop3A_907 = vector.broadcast %parallel_loop3A_906 : f32 to vector<16xf32>
        %parallel_loop3A_908 = arith.minimumf %parallel_loop3A_905, %parallel_loop3A_907 : vector<16xf32>
        %parallel_loop3A_909 = arith.subf %parallel_loop3A_905, %parallel_loop3A_908 : vector<16xf32>
        %parallel_loop3A_910 = arith.mulf %parallel_loop3A_908, %parallel_loop3A_908 : vector<16xf32>
        %parallel_loop3A_911 = arith.constant 4.500000e+00 : f32
        %parallel_loop3A_912 = vector.broadcast %parallel_loop3A_911 : f32 to vector<16xf32>
        %parallel_loop3A_913 = arith.mulf %parallel_loop3A_910, %parallel_loop3A_912 : vector<16xf32>
        %parallel_loop3A_914 = arith.addf %parallel_loop3A_909, %parallel_loop3A_913 : vector<16xf32>
        %parallel_loop3A_915 = arith.constant 4 : i32
        %parallel_loop3A_916 = arith.index_cast %parallel_loop3A_915 : i32 to index
        %parallel_loop3A_917 = arith.index_cast %parallel_loop3A_668 : i32 to index
        %parallel_loop3A_918 = arith.index_cast %parallel_loop3A_672 : i32 to index
        %parallel_loop3A_919 = arith.index_cast %parallel_loop3A_676 : i32 to index
        %parallel_loop3A_920 = tpu.vector_load %arg20[%parallel_loop3A_916, %parallel_loop3A_917, %parallel_loop3A_918, %parallel_loop3A_919] {strides = array<i32>} : memref<11x5x2x128xf32, #tpu.memory_space<vmem>>, vector<16xf32>,
        %parallel_loop3A_921 = arith.constant 4 : i32
        %parallel_loop3A_922 = arith.index_cast %parallel_loop3A_921 : i32 to index
        %parallel_loop3A_923 = arith.index_cast %parallel_loop3A_668 : i32 to index
        %parallel_loop3A_924 = arith.index_cast %parallel_loop3A_672 : i32 to index
        %parallel_loop3A_925 = arith.index_cast %parallel_loop3A_676 : i32 to index
        %parallel_loop3A_926 = tpu.vector_load %arg21[%parallel_loop3A_922, %parallel_loop3A_923, %parallel_loop3A_924, %parallel_loop3A_925] {strides = array<i32>} : memref<11x5x2x128xf32, #tpu.memory_space<vmem>>, vector<16xf32>,
        %parallel_loop3A_927 = arith.subf %parallel_loop3A_920, %parallel_loop3A_926 : vector<16xf32>
        %parallel_loop3A_928 = math.absf %parallel_loop3A_927 : vector<16xf32>
        %parallel_loop3A_929 = arith.constant 0.111111112 : f32
        %parallel_loop3A_930 = vector.broadcast %parallel_loop3A_929 : f32 to vector<16xf32>
        %parallel_loop3A_931 = arith.minimumf %parallel_loop3A_928, %parallel_loop3A_930 : vector<16xf32>
        %parallel_loop3A_932 = arith.subf %parallel_loop3A_928, %parallel_loop3A_931 : vector<16xf32>
        %parallel_loop3A_933 = arith.mulf %parallel_loop3A_931, %parallel_loop3A_931 : vector<16xf32>
        %parallel_loop3A_934 = arith.constant 4.500000e+00 : f32
        %parallel_loop3A_935 = vector.broadcast %parallel_loop3A_934 : f32 to vector<16xf32>
        %parallel_loop3A_936 = arith.mulf %parallel_loop3A_933, %parallel_loop3A_935 : vector<16xf32>
        %parallel_loop3A_937 = arith.addf %parallel_loop3A_932, %parallel_loop3A_936 : vector<16xf32>
        %parallel_loop3A_938 = arith.constant 5 : i32
        %parallel_loop3A_939 = arith.index_cast %parallel_loop3A_938 : i32 to index
        %parallel_loop3A_940 = arith.index_cast %parallel_loop3A_668 : i32 to index
        %parallel_loop3A_941 = arith.index_cast %parallel_loop3A_672 : i32 to index
        %parallel_loop3A_942 = arith.index_cast %parallel_loop3A_676 : i32 to index
        %parallel_loop3A_943 = tpu.vector_load %arg20[%parallel_loop3A_939, %parallel_loop3A_940, %parallel_loop3A_941, %parallel_loop3A_942] {strides = array<i32>} : memref<11x5x2x128xf32, #tpu.memory_space<vmem>>, vector<16xf32>,
        %parallel_loop3A_944 = arith.constant 5 : i32
        %parallel_loop3A_945 = arith.index_cast %parallel_loop3A_944 : i32 to index
        %parallel_loop3A_946 = arith.index_cast %parallel_loop3A_668 : i32 to index
        %parallel_loop3A_947 = arith.index_cast %parallel_loop3A_672 : i32 to index
        %parallel_loop3A_948 = arith.index_cast %parallel_loop3A_676 : i32 to index
        %parallel_loop3A_949 = tpu.vector_load %arg21[%parallel_loop3A_945, %parallel_loop3A_946, %parallel_loop3A_947, %parallel_loop3A_948] {strides = array<i32>} : memref<11x5x2x128xf32, #tpu.memory_space<vmem>>, vector<16xf32>,
        %parallel_loop3A_950 = arith.subf %parallel_loop3A_943, %parallel_loop3A_949 : vector<16xf32>
        %parallel_loop3A_951 = math.absf %parallel_loop3A_950 : vector<16xf32>
        %parallel_loop3A_952 = arith.constant 0.111111112 : f32
        %parallel_loop3A_953 = vector.broadcast %parallel_loop3A_952 : f32 to vector<16xf32>
        %parallel_loop3A_954 = arith.minimumf %parallel_loop3A_951, %parallel_loop3A_953 : vector<16xf32>
        %parallel_loop3A_955 = arith.subf %parallel_loop3A_951, %parallel_loop3A_954 : vector<16xf32>
        %parallel_loop3A_956 = arith.mulf %parallel_loop3A_954, %parallel_loop3A_954 : vector<16xf32>
        %parallel_loop3A_957 = arith.constant 4.500000e+00 : f32
        %parallel_loop3A_958 = vector.broadcast %parallel_loop3A_957 : f32 to vector<16xf32>
        %parallel_loop3A_959 = arith.mulf %parallel_loop3A_956, %parallel_loop3A_958 : vector<16xf32>
        %parallel_loop3A_960 = arith.addf %parallel_loop3A_955, %parallel_loop3A_959 : vector<16xf32>
        %parallel_loop3A_961 = arith.constant 6 : i32
        %parallel_loop3A_962 = arith.index_cast %parallel_loop3A_961 : i32 to index
        %parallel_loop3A_963 = arith.index_cast %parallel_loop3A_668 : i32 to index
        %parallel_loop3A_964 = arith.index_cast %parallel_loop3A_672 : i32 to index
        %parallel_loop3A_965 = arith.index_cast %parallel_loop3A_676 : i32 to index
        %parallel_loop3A_966 = tpu.vector_load %arg20[%parallel_loop3A_962, %parallel_loop3A_963, %parallel_loop3A_964, %parallel_loop3A_965] {strides = array<i32>} : memref<11x5x2x128xf32, #tpu.memory_space<vmem>>, vector<16xf32>,
        %parallel_loop3A_967 = arith.constant 6 : i32
        %parallel_loop3A_968 = arith.index_cast %parallel_loop3A_967 : i32 to index
        %parallel_loop3A_969 = arith.index_cast %parallel_loop3A_668 : i32 to index
        %parallel_loop3A_970 = arith.index_cast %parallel_loop3A_672 : i32 to index
        %parallel_loop3A_971 = arith.index_cast %parallel_loop3A_676 : i32 to index
        %parallel_loop3A_972 = tpu.vector_load %arg21[%parallel_loop3A_968, %parallel_loop3A_969, %parallel_loop3A_970, %parallel_loop3A_971] {strides = array<i32>} : memref<11x5x2x128xf32, #tpu.memory_space<vmem>>, vector<16xf32>,
        %parallel_loop3A_973 = arith.subf %parallel_loop3A_966, %parallel_loop3A_972 : vector<16xf32>
        %parallel_loop3A_974 = math.absf %parallel_loop3A_973 : vector<16xf32>
        %parallel_loop3A_975 = arith.constant 0.111111112 : f32
        %parallel_loop3A_976 = vector.broadcast %parallel_loop3A_975 : f32 to vector<16xf32>
        %parallel_loop3A_977 = arith.minimumf %parallel_loop3A_974, %parallel_loop3A_976 : vector<16xf32>
        %parallel_loop3A_978 = arith.subf %parallel_loop3A_974, %parallel_loop3A_977 : vector<16xf32>
        %parallel_loop3A_979 = arith.mulf %parallel_loop3A_977, %parallel_loop3A_977 : vector<16xf32>
        %parallel_loop3A_980 = arith.constant 4.500000e+00 : f32
        %parallel_loop3A_981 = vector.broadcast %parallel_loop3A_980 : f32 to vector<16xf32>
        %parallel_loop3A_982 = arith.mulf %parallel_loop3A_979, %parallel_loop3A_981 : vector<16xf32>
        %parallel_loop3A_983 = arith.addf %parallel_loop3A_978, %parallel_loop3A_982 : vector<16xf32>
        %parallel_loop3A_984 = arith.constant 7 : i32
        %parallel_loop3A_985 = arith.index_cast %parallel_loop3A_984 : i32 to index
        %parallel_loop3A_986 = arith.index_cast %parallel_loop3A_668 : i32 to index
        %parallel_loop3A_987 = arith.index_cast %parallel_loop3A_672 : i32 to index
        %parallel_loop3A_988 = arith.index_cast %parallel_loop3A_676 : i32 to index
        %parallel_loop3A_989 = tpu.vector_load %arg20[%parallel_loop3A_985, %parallel_loop3A_986, %parallel_loop3A_987, %parallel_loop3A_988] {strides = array<i32>} : memref<11x5x2x128xf32, #tpu.memory_space<vmem>>, vector<16xf32>,
        %parallel_loop3A_990 = arith.constant 7 : i32
        %parallel_loop3A_991 = arith.index_cast %parallel_loop3A_990 : i32 to index
        %parallel_loop3A_992 = arith.index_cast %parallel_loop3A_668 : i32 to index
        %parallel_loop3A_993 = arith.index_cast %parallel_loop3A_672 : i32 to index
        %parallel_loop3A_994 = arith.index_cast %parallel_loop3A_676 : i32 to index
        %parallel_loop3A_995 = tpu.vector_load %arg21[%parallel_loop3A_991, %parallel_loop3A_992, %parallel_loop3A_993, %parallel_loop3A_994] {strides = array<i32>} : memref<11x5x2x128xf32, #tpu.memory_space<vmem>>, vector<16xf32>,
        %parallel_loop3A_996 = arith.subf %parallel_loop3A_989, %parallel_loop3A_995 : vector<16xf32>
        %parallel_loop3A_997 = math.absf %parallel_loop3A_996 : vector<16xf32>
        %parallel_loop3A_998 = arith.constant 0.111111112 : f32
        %parallel_loop3A_999 = vector.broadcast %parallel_loop3A_998 : f32 to vector<16xf32>
        %parallel_loop3A_1000 = arith.minimumf %parallel_loop3A_997, %parallel_loop3A_999 : vector<16xf32>
        %parallel_loop3A_1001 = arith.subf %parallel_loop3A_997, %parallel_loop3A_1000 : vector<16xf32>
        %parallel_loop3A_1002 = arith.mulf %parallel_loop3A_1000, %parallel_loop3A_1000 : vector<16xf32>
        %parallel_loop3A_1003 = arith.constant 4.500000e+00 : f32
        %parallel_loop3A_1004 = vector.broadcast %parallel_loop3A_1003 : f32 to vector<16xf32>
        %parallel_loop3A_1005 = arith.mulf %parallel_loop3A_1002, %parallel_loop3A_1004 : vector<16xf32>
        %parallel_loop3A_1006 = arith.addf %parallel_loop3A_1001, %parallel_loop3A_1005 : vector<16xf32>
        %parallel_loop3A_1007 = arith.constant 8 : i32
        %parallel_loop3A_1008 = arith.index_cast %parallel_loop3A_1007 : i32 to index
        %parallel_loop3A_1009 = arith.index_cast %parallel_loop3A_668 : i32 to index
        %parallel_loop3A_1010 = arith.index_cast %parallel_loop3A_672 : i32 to index
        %parallel_loop3A_1011 = arith.index_cast %parallel_loop3A_676 : i32 to index
        %parallel_loop3A_1012 = tpu.vector_load %arg20[%parallel_loop3A_1008, %parallel_loop3A_1009, %parallel_loop3A_1010, %parallel_loop3A_1011] {strides = array<i32>} : memref<11x5x2x128xf32, #tpu.memory_space<vmem>>, vector<16xf32>,
        %parallel_loop3A_1013 = arith.constant 8 : i32
        %parallel_loop3A_1014 = arith.index_cast %parallel_loop3A_1013 : i32 to index
        %parallel_loop3A_1015 = arith.index_cast %parallel_loop3A_668 : i32 to index
        %parallel_loop3A_1016 = arith.index_cast %parallel_loop3A_672 : i32 to index
        %parallel_loop3A_1017 = arith.index_cast %parallel_loop3A_676 : i32 to index
        %parallel_loop3A_1018 = tpu.vector_load %arg21[%parallel_loop3A_1014, %parallel_loop3A_1015, %parallel_loop3A_1016, %parallel_loop3A_1017] {strides = array<i32>} : memref<11x5x2x128xf32, #tpu.memory_space<vmem>>, vector<16xf32>,
        %parallel_loop3A_1019 = arith.subf %parallel_loop3A_1012, %parallel_loop3A_1018 : vector<16xf32>
        %parallel_loop3A_1020 = math.absf %parallel_loop3A_1019 : vector<16xf32>
        %parallel_loop3A_1021 = arith.constant 0.111111112 : f32
        %parallel_loop3A_1022 = vector.broadcast %parallel_loop3A_1021 : f32 to vector<16xf32>
        %parallel_loop3A_1023 = arith.minimumf %parallel_loop3A_1020, %parallel_loop3A_1022 : vector<16xf32>
        %parallel_loop3A_1024 = arith.subf %parallel_loop3A_1020, %parallel_loop3A_1023 : vector<16xf32>
        %parallel_loop3A_1025 = arith.mulf %parallel_loop3A_1023, %parallel_loop3A_1023 : vector<16xf32>
        %parallel_loop3A_1026 = arith.constant 4.500000e+00 : f32
        %parallel_loop3A_1027 = vector.broadcast %parallel_loop3A_1026 : f32 to vector<16xf32>
        %parallel_loop3A_1028 = arith.mulf %parallel_loop3A_1025, %parallel_loop3A_1027 : vector<16xf32>
        %parallel_loop3A_1029 = arith.addf %parallel_loop3A_1024, %parallel_loop3A_1028 : vector<16xf32>
        %parallel_loop3A_1030 = arith.constant 9 : i32
        %parallel_loop3A_1031 = arith.index_cast %parallel_loop3A_1030 : i32 to index
        %parallel_loop3A_1032 = arith.index_cast %parallel_loop3A_668 : i32 to index
        %parallel_loop3A_1033 = arith.index_cast %parallel_loop3A_672 : i32 to index
        %parallel_loop3A_1034 = arith.index_cast %parallel_loop3A_676 : i32 to index
        %parallel_loop3A_1035 = tpu.vector_load %arg20[%parallel_loop3A_1031, %parallel_loop3A_1032, %parallel_loop3A_1033, %parallel_loop3A_1034] {strides = array<i32>} : memref<11x5x2x128xf32, #tpu.memory_space<vmem>>, vector<16xf32>,
        %parallel_loop3A_1036 = arith.constant 9 : i32
        %parallel_loop3A_1037 = arith.index_cast %parallel_loop3A_1036 : i32 to index
        %parallel_loop3A_1038 = arith.index_cast %parallel_loop3A_668 : i32 to index
        %parallel_loop3A_1039 = arith.index_cast %parallel_loop3A_672 : i32 to index
        %parallel_loop3A_1040 = arith.index_cast %parallel_loop3A_676 : i32 to index
        %parallel_loop3A_1041 = tpu.vector_load %arg21[%parallel_loop3A_1037, %parallel_loop3A_1038, %parallel_loop3A_1039, %parallel_loop3A_1040] {strides = array<i32>} : memref<11x5x2x128xf32, #tpu.memory_space<vmem>>, vector<16xf32>,
        %parallel_loop3A_1042 = arith.subf %parallel_loop3A_1035, %parallel_loop3A_1041 : vector<16xf32>
        %parallel_loop3A_1043 = math.absf %parallel_loop3A_1042 : vector<16xf32>
        %parallel_loop3A_1044 = arith.constant 0.111111112 : f32
        %parallel_loop3A_1045 = vector.broadcast %parallel_loop3A_1044 : f32 to vector<16xf32>
        %parallel_loop3A_1046 = arith.minimumf %parallel_loop3A_1043, %parallel_loop3A_1045 : vector<16xf32>
        %parallel_loop3A_1047 = arith.subf %parallel_loop3A_1043, %parallel_loop3A_1046 : vector<16xf32>
        %parallel_loop3A_1048 = arith.mulf %parallel_loop3A_1046, %parallel_loop3A_1046 : vector<16xf32>
        %parallel_loop3A_1049 = arith.constant 4.500000e+00 : f32
        %parallel_loop3A_1050 = vector.broadcast %parallel_loop3A_1049 : f32 to vector<16xf32>
        %parallel_loop3A_1051 = arith.mulf %parallel_loop3A_1048, %parallel_loop3A_1050 : vector<16xf32>
        %parallel_loop3A_1052 = arith.addf %parallel_loop3A_1047, %parallel_loop3A_1051 : vector<16xf32>
        %parallel_loop3A_1053 = arith.constant 10 : i32
        %parallel_loop3A_1054 = arith.index_cast %parallel_loop3A_1053 : i32 to index
        %parallel_loop3A_1055 = arith.index_cast %parallel_loop3A_668 : i32 to index
        %parallel_loop3A_1056 = arith.index_cast %parallel_loop3A_672 : i32 to index
        %parallel_loop3A_1057 = arith.index_cast %parallel_loop3A_676 : i32 to index
        %parallel_loop3A_1058 = tpu.vector_load %arg20[%parallel_loop3A_1054, %parallel_loop3A_1055, %parallel_loop3A_1056, %parallel_loop3A_1057] {strides = array<i32>} : memref<11x5x2x128xf32, #tpu.memory_space<vmem>>, vector<16xf32>,
        %parallel_loop3A_1059 = arith.constant 10 : i32
        %parallel_loop3A_1060 = arith.index_cast %parallel_loop3A_1059 : i32 to index
        %parallel_loop3A_1061 = arith.index_cast %parallel_loop3A_668 : i32 to index
        %parallel_loop3A_1062 = arith.index_cast %parallel_loop3A_672 : i32 to index
        %parallel_loop3A_1063 = arith.index_cast %parallel_loop3A_676 : i32 to index
        %parallel_loop3A_1064 = tpu.vector_load %arg21[%parallel_loop3A_1060, %parallel_loop3A_1061, %parallel_loop3A_1062, %parallel_loop3A_1063] {strides = array<i32>} : memref<11x5x2x128xf32, #tpu.memory_space<vmem>>, vector<16xf32>,
        %parallel_loop3A_1065 = arith.subf %parallel_loop3A_1058, %parallel_loop3A_1064 : vector<16xf32>
        %parallel_loop3A_1066 = math.absf %parallel_loop3A_1065 : vector<16xf32>
        %parallel_loop3A_1067 = arith.constant 0.111111112 : f32
        %parallel_loop3A_1068 = vector.broadcast %parallel_loop3A_1067 : f32 to vector<16xf32>
        %parallel_loop3A_1069 = arith.minimumf %parallel_loop3A_1066, %parallel_loop3A_1068 : vector<16xf32>
        %parallel_loop3A_1070 = arith.subf %parallel_loop3A_1066, %parallel_loop3A_1069 : vector<16xf32>
        %parallel_loop3A_1071 = arith.mulf %parallel_loop3A_1069, %parallel_loop3A_1069 : vector<16xf32>
        %parallel_loop3A_1072 = arith.constant 4.500000e+00 : f32
        %parallel_loop3A_1073 = vector.broadcast %parallel_loop3A_1072 : f32 to vector<16xf32>
        %parallel_loop3A_1074 = arith.mulf %parallel_loop3A_1071, %parallel_loop3A_1073 : vector<16xf32>
        %parallel_loop3A_1075 = arith.addf %parallel_loop3A_1070, %parallel_loop3A_1074 : vector<16xf32>
        %parallel_loop3A_1076 = arith.addf %parallel_loop3A_753, %parallel_loop3A_776 : vector<16xf32>
        %parallel_loop3A_1077 = arith.addf %parallel_loop3A_799, %parallel_loop3A_822 : vector<16xf32>
        %parallel_loop3A_1078 = arith.addf %parallel_loop3A_845, %parallel_loop3A_868 : vector<16xf32>
        %parallel_loop3A_1079 = arith.addf %parallel_loop3A_891, %parallel_loop3A_914 : vector<16xf32>
        %parallel_loop3A_1080 = arith.addf %parallel_loop3A_937, %parallel_loop3A_960 : vector<16xf32>
        %parallel_loop3A_1081 = arith.addf %parallel_loop3A_983, %parallel_loop3A_1006 : vector<16xf32>
        %parallel_loop3A_1082 = arith.addf %parallel_loop3A_1029, %parallel_loop3A_1052 : vector<16xf32>
        %parallel_loop3A_1083 = arith.addf %parallel_loop3A_1076, %parallel_loop3A_1077 : vector<16xf32>
        %parallel_loop3A_1084 = arith.addf %parallel_loop3A_1078, %parallel_loop3A_1079 : vector<16xf32>
        %parallel_loop3A_1085 = arith.addf %parallel_loop3A_1080, %parallel_loop3A_1081 : vector<16xf32>
        %parallel_loop3A_1086 = arith.addf %parallel_loop3A_1082, %parallel_loop3A_1075 : vector<16xf32>
        %parallel_loop3A_1087 = arith.addf %parallel_loop3A_1083, %parallel_loop3A_1084 : vector<16xf32>
        %parallel_loop3A_1088 = arith.addf %parallel_loop3A_1085, %parallel_loop3A_1086 : vector<16xf32>
        %parallel_loop3A_1089 = arith.addf %parallel_loop3A_1087, %parallel_loop3A_1088 : vector<16xf32>
        %parallel_loop3A_1090 = arith.mulf %parallel_loop3A_1089, %parallel_loop3A_693 : vector<16xf32>
        %parallel_loop3A_1091 = arith.addf %parallel_loop3A_664, %parallel_loop3A_1090 : vector<16xf32>
        %parallel_loop3A_1092 = arith.addf %parallel_loop3A_666, %parallel_loop3A_688 : vector<16xf32>
        scf.yield %parallel_loop3A_1091, %parallel_loop3A_730, %parallel_loop3A_1092 : vector<16xf32>, vector<16xf32>, vector<16xf32>
      } {sc.loop_unroll_factor = 1 : i64, sc.parallel_access}
      scf.yield %parallel_loop3A_662#0, %parallel_loop3A_662#1, %parallel_loop3A_662#2 : vector<16xf32>, vector<16xf32>, vector<16xf32>
    }
    %scan3A_134 = arith.constant 3 : i32
    %dma_wait3A = arith.constant 0 : i32
    %dma_wait3A_135 = arith.constant 0 : i32
    %dma_wait3A_136 = arith.constant 0 : i32
    %dma_wait3A_137 = arith.constant 0 : i32
    %dma_wait3A_138 = tpu.memref_slice %arg13[%dma_wait3A, %dma_wait3A_135, %dma_wait3A_136, %dma_wait3A_137] : memref<11x5x2x128xf32, #tpu.memory_space<vmem>> -> memref<11x1x2x128xf32, #tpu.memory_space<vmem>>
    %dma_wait3A_139 = arith.constant 0 : i32
    %dma_wait3A_140 = arith.constant 0 : i32
    %dma_wait3A_141 = arith.constant 0 : i32
    %dma_wait3A_142 = tpu.memref_slice %arg4[%dma_wait3A_139, %min3A_11, %dma_wait3A_140, %dma_wait3A_141] : memref<11x990x2x128xf32, #tpu.memory_space<hbm>> -> memref<11x1x2x128xf32, #tpu.memory_space<hbm>>
    %dma_wait3A_143 = arith.constant 0 : i32
    %dma_wait3A_144 = arith.constant 0 : i32
    %dma_wait3A_145 = arith.constant 0 : i32
    %dma_wait3A_146 = arith.constant 0 : i32
    %dma_wait3A_147 = tpu.memref_slice %arg13[%dma_wait3A_143, %dma_wait3A_144, %dma_wait3A_145, %dma_wait3A_146] : memref<11x5x2x128xf32, #tpu.memory_space<vmem>> -> memref<11x1x2x128xf32, #tpu.memory_space<vmem>>
    %dma_wait3A_148 = arith.constant 0 : i32
    %dma_wait3A_149 = arith.constant 0 : i32
    %dma_wait3A_150 = arith.constant 0 : i32
    %dma_wait3A_151 = tpu.memref_slice %arg4[%dma_wait3A_148, %min3A_11, %dma_wait3A_149, %dma_wait3A_150] : memref<11x990x2x128xf32, #tpu.memory_space<hbm>> -> memref<11x1x2x128xf32, #tpu.memory_space<hbm>>
    tpu.wait_dma2 semaphore(%arg25 : memref<!tpu.dma_semaphore, #tpu.memory_space<semaphore_mem>>) src(%dma_wait3A_151 : memref<11x1x2x128xf32, #tpu.memory_space<hbm>>) dst(%dma_wait3A_147 : memref<11x1x2x128xf32, #tpu.memory_space<vmem>>)
    %dma_wait3A_152 = arith.constant 0 : i32
    %dma_wait3A_153 = arith.constant 0 : i32
    %dma_wait3A_154 = arith.constant 0 : i32
    %dma_wait3A_155 = arith.constant 0 : i32
    %dma_wait3A_156 = tpu.memref_slice %arg14[%dma_wait3A_152, %dma_wait3A_153, %dma_wait3A_154, %dma_wait3A_155] : memref<11x5x2x128xf32, #tpu.memory_space<vmem>> -> memref<11x1x2x128xf32, #tpu.memory_space<vmem>>
    %dma_wait3A_157 = arith.constant 0 : i32
    %dma_wait3A_158 = arith.constant 0 : i32
    %dma_wait3A_159 = arith.constant 0 : i32
    %dma_wait3A_160 = tpu.memref_slice %arg6[%dma_wait3A_157, %min3A_11, %dma_wait3A_158, %dma_wait3A_159] : memref<11x990x2x128xf32, #tpu.memory_space<hbm>> -> memref<11x1x2x128xf32, #tpu.memory_space<hbm>>
    %dma_wait3A_161 = arith.constant 0 : i32
    %dma_wait3A_162 = arith.constant 0 : i32
    %dma_wait3A_163 = arith.constant 0 : i32
    %dma_wait3A_164 = arith.constant 0 : i32
    %dma_wait3A_165 = tpu.memref_slice %arg14[%dma_wait3A_161, %dma_wait3A_162, %dma_wait3A_163, %dma_wait3A_164] : memref<11x5x2x128xf32, #tpu.memory_space<vmem>> -> memref<11x1x2x128xf32, #tpu.memory_space<vmem>>
    %dma_wait3A_166 = arith.constant 0 : i32
    %dma_wait3A_167 = arith.constant 0 : i32
    %dma_wait3A_168 = arith.constant 0 : i32
    %dma_wait3A_169 = tpu.memref_slice %arg6[%dma_wait3A_166, %min3A_11, %dma_wait3A_167, %dma_wait3A_168] : memref<11x990x2x128xf32, #tpu.memory_space<hbm>> -> memref<11x1x2x128xf32, #tpu.memory_space<hbm>>
    tpu.wait_dma2 semaphore(%arg25 : memref<!tpu.dma_semaphore, #tpu.memory_space<semaphore_mem>>) src(%dma_wait3A_169 : memref<11x1x2x128xf32, #tpu.memory_space<hbm>>) dst(%dma_wait3A_165 : memref<11x1x2x128xf32, #tpu.memory_space<vmem>>)
    %dma_wait3A_170 = arith.constant 0 : i32
    %dma_wait3A_171 = arith.constant 0 : i32
    %dma_wait3A_172 = arith.constant 0 : i32
    %dma_wait3A_173 = arith.constant 0 : i32
    %dma_wait3A_174 = tpu.memref_slice %arg10[%dma_wait3A_170, %dma_wait3A_171, %dma_wait3A_172, %dma_wait3A_173] : memref<2x5x4x128xf32, #tpu.memory_space<vmem>> -> memref<2x1x4x128xf32, #tpu.memory_space<vmem>>
    %dma_wait3A_175 = arith.constant 0 : i32
    %dma_wait3A_176 = arith.constant 0 : i32
    %dma_wait3A_177 = arith.constant 0 : i32
    %dma_wait3A_178 = tpu.memref_slice %arg2[%dma_wait3A_175, %min3A_11, %dma_wait3A_176, %dma_wait3A_177] : memref<2x990x4x128xf32, #tpu.memory_space<hbm>> -> memref<2x1x4x128xf32, #tpu.memory_space<hbm>>
    %dma_wait3A_179 = arith.constant 0 : i32
    %dma_wait3A_180 = arith.constant 0 : i32
    %dma_wait3A_181 = arith.constant 0 : i32
    %dma_wait3A_182 = arith.constant 0 : i32
    %dma_wait3A_183 = tpu.memref_slice %arg10[%dma_wait3A_179, %dma_wait3A_180, %dma_wait3A_181, %dma_wait3A_182] : memref<2x5x4x128xf32, #tpu.memory_space<vmem>> -> memref<2x1x4x128xf32, #tpu.memory_space<vmem>>
    %dma_wait3A_184 = arith.constant 0 : i32
    %dma_wait3A_185 = arith.constant 0 : i32
    %dma_wait3A_186 = arith.constant 0 : i32
    %dma_wait3A_187 = tpu.memref_slice %arg2[%dma_wait3A_184, %min3A_11, %dma_wait3A_185, %dma_wait3A_186] : memref<2x990x4x128xf32, #tpu.memory_space<hbm>> -> memref<2x1x4x128xf32, #tpu.memory_space<hbm>>
    tpu.wait_dma2 semaphore(%arg25 : memref<!tpu.dma_semaphore, #tpu.memory_space<semaphore_mem>>) src(%dma_wait3A_187 : memref<2x1x4x128xf32, #tpu.memory_space<hbm>>) dst(%dma_wait3A_183 : memref<2x1x4x128xf32, #tpu.memory_space<vmem>>)
    %dma_wait3A_188 = arith.constant 0 : i32
    %dma_wait3A_189 = arith.constant 0 : i32
    %dma_wait3A_190 = arith.constant 0 : i32
    %dma_wait3A_191 = arith.constant 0 : i32
    %dma_wait3A_192 = tpu.memref_slice %arg11[%dma_wait3A_188, %dma_wait3A_189, %dma_wait3A_190, %dma_wait3A_191] : memref<2x5x4x128xf32, #tpu.memory_space<vmem>> -> memref<2x1x4x128xf32, #tpu.memory_space<vmem>>
    %dma_wait3A_193 = arith.constant 0 : i32
    %dma_wait3A_194 = arith.constant 0 : i32
    %dma_wait3A_195 = arith.constant 0 : i32
    %dma_wait3A_196 = tpu.memref_slice %arg3[%dma_wait3A_193, %min3A_11, %dma_wait3A_194, %dma_wait3A_195] : memref<2x990x4x128xf32, #tpu.memory_space<hbm>> -> memref<2x1x4x128xf32, #tpu.memory_space<hbm>>
    %dma_wait3A_197 = arith.constant 0 : i32
    %dma_wait3A_198 = arith.constant 0 : i32
    %dma_wait3A_199 = arith.constant 0 : i32
    %dma_wait3A_200 = arith.constant 0 : i32
    %dma_wait3A_201 = tpu.memref_slice %arg11[%dma_wait3A_197, %dma_wait3A_198, %dma_wait3A_199, %dma_wait3A_200] : memref<2x5x4x128xf32, #tpu.memory_space<vmem>> -> memref<2x1x4x128xf32, #tpu.memory_space<vmem>>
    %dma_wait3A_202 = arith.constant 0 : i32
    %dma_wait3A_203 = arith.constant 0 : i32
    %dma_wait3A_204 = arith.constant 0 : i32
    %dma_wait3A_205 = tpu.memref_slice %arg3[%dma_wait3A_202, %min3A_11, %dma_wait3A_203, %dma_wait3A_204] : memref<2x990x4x128xf32, #tpu.memory_space<hbm>> -> memref<2x1x4x128xf32, #tpu.memory_space<hbm>>
    tpu.wait_dma2 semaphore(%arg25 : memref<!tpu.dma_semaphore, #tpu.memory_space<semaphore_mem>>) src(%dma_wait3A_205 : memref<2x1x4x128xf32, #tpu.memory_space<hbm>>) dst(%dma_wait3A_201 : memref<2x1x4x128xf32, #tpu.memory_space<vmem>>)
    %dma_wait3A_206 = arith.constant 0 : i32
    %dma_wait3A_207 = arith.constant 0 : i32
    %dma_wait3A_208 = arith.constant 0 : i32
    %dma_wait3A_209 = arith.constant 0 : i32
    %dma_wait3A_210 = tpu.memref_slice %arg12[%dma_wait3A_206, %dma_wait3A_207, %dma_wait3A_208, %dma_wait3A_209] : memref<2x5x4x128xf32, #tpu.memory_space<vmem>> -> memref<2x1x4x128xf32, #tpu.memory_space<vmem>>
    %dma_wait3A_211 = arith.constant 0 : i32
    %dma_wait3A_212 = arith.constant 0 : i32
    %dma_wait3A_213 = arith.constant 0 : i32
    %dma_wait3A_214 = tpu.memref_slice %arg5[%dma_wait3A_211, %min3A_11, %dma_wait3A_212, %dma_wait3A_213] : memref<2x990x4x128xf32, #tpu.memory_space<hbm>> -> memref<2x1x4x128xf32, #tpu.memory_space<hbm>>
    %dma_wait3A_215 = arith.constant 0 : i32
    %dma_wait3A_216 = arith.constant 0 : i32
    %dma_wait3A_217 = arith.constant 0 : i32
    %dma_wait3A_218 = arith.constant 0 : i32
    %dma_wait3A_219 = tpu.memref_slice %arg12[%dma_wait3A_215, %dma_wait3A_216, %dma_wait3A_217, %dma_wait3A_218] : memref<2x5x4x128xf32, #tpu.memory_space<vmem>> -> memref<2x1x4x128xf32, #tpu.memory_space<vmem>>
    %dma_wait3A_220 = arith.constant 0 : i32
    %dma_wait3A_221 = arith.constant 0 : i32
    %dma_wait3A_222 = arith.constant 0 : i32
    %dma_wait3A_223 = tpu.memref_slice %arg5[%dma_wait3A_220, %min3A_11, %dma_wait3A_221, %dma_wait3A_222] : memref<2x990x4x128xf32, #tpu.memory_space<hbm>> -> memref<2x1x4x128xf32, #tpu.memory_space<hbm>>
    tpu.wait_dma2 semaphore(%arg25 : memref<!tpu.dma_semaphore, #tpu.memory_space<semaphore_mem>>) src(%dma_wait3A_223 : memref<2x1x4x128xf32, #tpu.memory_space<hbm>>) dst(%dma_wait3A_219 : memref<2x1x4x128xf32, #tpu.memory_space<vmem>>)
    %dma_wait3A_224 = arith.constant 0 : i32
    %dma_wait3A_225 = arith.constant 0 : i32
    %dma_wait3A_226 = arith.constant 0 : i32
    %dma_wait3A_227 = tpu.memref_slice %arg15[%dma_wait3A_224, %dma_wait3A_225, %dma_wait3A_226] : memref<5x2x128xf32, #tpu.memory_space<vmem>> -> memref<1x2x128xf32, #tpu.memory_space<vmem>>
    %dma_wait3A_228 = arith.constant 0 : i32
    %dma_wait3A_229 = arith.constant 0 : i32
    %dma_wait3A_230 = tpu.memref_slice %arg7[%min3A_11, %dma_wait3A_228, %dma_wait3A_229] : memref<990x2x128xf32, #tpu.memory_space<hbm>> -> memref<1x2x128xf32, #tpu.memory_space<hbm>>
    %dma_wait3A_231 = arith.constant 0 : i32
    %dma_wait3A_232 = arith.constant 0 : i32
    %dma_wait3A_233 = arith.constant 0 : i32
    %dma_wait3A_234 = tpu.memref_slice %arg15[%dma_wait3A_231, %dma_wait3A_232, %dma_wait3A_233] : memref<5x2x128xf32, #tpu.memory_space<vmem>> -> memref<1x2x128xf32, #tpu.memory_space<vmem>>
    %dma_wait3A_235 = arith.constant 0 : i32
    %dma_wait3A_236 = arith.constant 0 : i32
    %dma_wait3A_237 = tpu.memref_slice %arg7[%min3A_11, %dma_wait3A_235, %dma_wait3A_236] : memref<990x2x128xf32, #tpu.memory_space<hbm>> -> memref<1x2x128xf32, #tpu.memory_space<hbm>>
    tpu.wait_dma2 semaphore(%arg25 : memref<!tpu.dma_semaphore, #tpu.memory_space<semaphore_mem>>) src(%dma_wait3A_237 : memref<1x2x128xf32, #tpu.memory_space<hbm>>) dst(%dma_wait3A_234 : memref<1x2x128xf32, #tpu.memory_space<vmem>>)
    %dma_wait3A_238 = arith.constant 0 : i32
    %dma_wait3A_239 = arith.constant 0 : i32
    %dma_wait3A_240 = arith.constant 0 : i32
    %dma_wait3A_241 = tpu.memref_slice %arg16[%dma_wait3A_238, %dma_wait3A_239, %dma_wait3A_240] : memref<5x2x128xi32, #tpu.memory_space<vmem>> -> memref<1x2x128xi32, #tpu.memory_space<vmem>>
    %dma_wait3A_242 = arith.constant 0 : i32
    %dma_wait3A_243 = arith.constant 0 : i32
    %dma_wait3A_244 = tpu.memref_slice %arg8[%min3A_11, %dma_wait3A_242, %dma_wait3A_243] : memref<990x2x128xi32, #tpu.memory_space<hbm>> -> memref<1x2x128xi32, #tpu.memory_space<hbm>>
    %dma_wait3A_245 = arith.constant 0 : i32
    %dma_wait3A_246 = arith.constant 0 : i32
    %dma_wait3A_247 = arith.constant 0 : i32
    %dma_wait3A_248 = tpu.memref_slice %arg16[%dma_wait3A_245, %dma_wait3A_246, %dma_wait3A_247] : memref<5x2x128xi32, #tpu.memory_space<vmem>> -> memref<1x2x128xi32, #tpu.memory_space<vmem>>
    %dma_wait3A_249 = arith.constant 0 : i32
    %dma_wait3A_250 = arith.constant 0 : i32
    %dma_wait3A_251 = tpu.memref_slice %arg8[%min3A_11, %dma_wait3A_249, %dma_wait3A_250] : memref<990x2x128xi32, #tpu.memory_space<hbm>> -> memref<1x2x128xi32, #tpu.memory_space<hbm>>
    tpu.wait_dma2 semaphore(%arg25 : memref<!tpu.dma_semaphore, #tpu.memory_space<semaphore_mem>>) src(%dma_wait3A_251 : memref<1x2x128xi32, #tpu.memory_space<hbm>>) dst(%dma_wait3A_248 : memref<1x2x128xi32, #tpu.memory_space<vmem>>)
    %parallel_loop3A = arith.constant 0 : i32
    %parallel_loop3A_252 = arith.constant 16 : i32
    %parallel_loop3A_253 = arith.constant 1 : i32
    %parallel_loop3A_254:3 = scf.for %parallel_loop3A_283 = %parallel_loop3A to %parallel_loop3A_252 step %parallel_loop3A_253 iter_args(%parallel_loop3A_284 = %broadcast_in_dim3A_12, %parallel_loop3A_285 = %broadcast_in_dim3A_12, %parallel_loop3A_286 = %broadcast_in_dim3A_12) -> (vector<16xf32>, vector<16xf32>, vector<16xf32>)  : i32 {
      %parallel_loop3A_287 = arith.constant 4 : i32
      %parallel_loop3A_288 = arith.shrsi %parallel_loop3A_283, %parallel_loop3A_287 : i32
      %parallel_loop3A_289 = arith.constant 3 : i32
      %parallel_loop3A_290 = arith.shrsi %parallel_loop3A_283, %parallel_loop3A_289 : i32
      %parallel_loop3A_291 = arith.constant 1 : i32
      %parallel_loop3A_292 = arith.andi %parallel_loop3A_290, %parallel_loop3A_291 : i32
      %parallel_loop3A_293 = arith.constant 7 : i32
      %parallel_loop3A_294 = arith.andi %parallel_loop3A_283, %parallel_loop3A_293 : i32
      %parallel_loop3A_295 = arith.constant 16 : i32
      %parallel_loop3A_296 = arith.muli %parallel_loop3A_294, %parallel_loop3A_295 : i32
      %parallel_loop3A_297 = arith.index_cast %parallel_loop3A_288 : i32 to index
      %parallel_loop3A_298 = arith.index_cast %parallel_loop3A_292 : i32 to index
      %parallel_loop3A_299 = arith.index_cast %parallel_loop3A_296 : i32 to index
      %parallel_loop3A_300 = tpu.vector_load %arg16[%parallel_loop3A_297, %parallel_loop3A_298, %parallel_loop3A_299] {strides = array<i32>} : memref<5x2x128xi32, #tpu.memory_space<vmem>>, vector<16xi32>,
      %parallel_loop3A_301 = arith.constant 0 : i32
      %parallel_loop3A_302 = vector.broadcast %parallel_loop3A_301 : i32 to vector<16xi32>
      %parallel_loop3A_303 = arith.cmpi sgt, %parallel_loop3A_300, %parallel_loop3A_302 : vector<16xi32>
      %parallel_loop3A_304 = arith.constant 1.000000e+00 : f32
      %parallel_loop3A_305 = arith.constant 0.000000e+00 : f32
      %parallel_loop3A_306 = vector.broadcast %parallel_loop3A_304 : f32 to vector<16xf32>
      %parallel_loop3A_307 = vector.broadcast %parallel_loop3A_305 : f32 to vector<16xf32>
      %parallel_loop3A_308 = arith.select %parallel_loop3A_303, %parallel_loop3A_306, %parallel_loop3A_307 : vector<16xi1>, vector<16xf32>
      %parallel_loop3A_309 = arith.index_cast %parallel_loop3A_288 : i32 to index
      %parallel_loop3A_310 = arith.index_cast %parallel_loop3A_292 : i32 to index
      %parallel_loop3A_311 = arith.index_cast %parallel_loop3A_296 : i32 to index
      %parallel_loop3A_312 = tpu.vector_load %arg15[%parallel_loop3A_309, %parallel_loop3A_310, %parallel_loop3A_311] {strides = array<i32>} : memref<5x2x128xf32, #tpu.memory_space<vmem>>, vector<16xf32>,
      %parallel_loop3A_313 = arith.mulf %parallel_loop3A_308, %parallel_loop3A_312 : vector<16xf32>
      %parallel_loop3A_314 = arith.constant 0 : i32
      %parallel_loop3A_315 = arith.index_cast %parallel_loop3A_292 : i32 to index
      %parallel_loop3A_316 = arith.index_cast %parallel_loop3A_288 : i32 to index
      %parallel_loop3A_317 = arith.index_cast %parallel_loop3A_314 : i32 to index
      %parallel_loop3A_318 = arith.index_cast %parallel_loop3A_296 : i32 to index
      %parallel_loop3A_319 = tpu.vector_load %arg10[%parallel_loop3A_315, %parallel_loop3A_316, %parallel_loop3A_317, %parallel_loop3A_318] {strides = array<i32>} : memref<2x5x4x128xf32, #tpu.memory_space<vmem>>, vector<16xf32>,
      %parallel_loop3A_320 = arith.constant 1 : i32
      %parallel_loop3A_321 = arith.index_cast %parallel_loop3A_292 : i32 to index
      %parallel_loop3A_322 = arith.index_cast %parallel_loop3A_288 : i32 to index
      %parallel_loop3A_323 = arith.index_cast %parallel_loop3A_320 : i32 to index
      %parallel_loop3A_324 = arith.index_cast %parallel_loop3A_296 : i32 to index
      %parallel_loop3A_325 = tpu.vector_load %arg10[%parallel_loop3A_321, %parallel_loop3A_322, %parallel_loop3A_323, %parallel_loop3A_324] {strides = array<i32>} : memref<2x5x4x128xf32, #tpu.memory_space<vmem>>, vector<16xf32>,
      %parallel_loop3A_326 = arith.constant 2 : i32
      %parallel_loop3A_327 = arith.index_cast %parallel_loop3A_292 : i32 to index
      %parallel_loop3A_328 = arith.index_cast %parallel_loop3A_288 : i32 to index
      %parallel_loop3A_329 = arith.index_cast %parallel_loop3A_326 : i32 to index
      %parallel_loop3A_330 = arith.index_cast %parallel_loop3A_296 : i32 to index
      %parallel_loop3A_331 = tpu.vector_load %arg10[%parallel_loop3A_327, %parallel_loop3A_328, %parallel_loop3A_329, %parallel_loop3A_330] {strides = array<i32>} : memref<2x5x4x128xf32, #tpu.memory_space<vmem>>, vector<16xf32>,
      %parallel_loop3A_332 = arith.constant 3 : i32
      %parallel_loop3A_333 = arith.index_cast %parallel_loop3A_292 : i32 to index
      %parallel_loop3A_334 = arith.index_cast %parallel_loop3A_288 : i32 to index
      %parallel_loop3A_335 = arith.index_cast %parallel_loop3A_332 : i32 to index
      %parallel_loop3A_336 = arith.index_cast %parallel_loop3A_296 : i32 to index
      %parallel_loop3A_337 = tpu.vector_load %arg10[%parallel_loop3A_333, %parallel_loop3A_334, %parallel_loop3A_335, %parallel_loop3A_336] {strides = array<i32>} : memref<2x5x4x128xf32, #tpu.memory_space<vmem>>, vector<16xf32>,
      %parallel_loop3A_338 = arith.constant 0 : i32
      %parallel_loop3A_339 = vector.broadcast %parallel_loop3A_338 : i32 to vector<16xi32>
      %parallel_loop3A_340 = arith.cmpi eq, %parallel_loop3A_300, %parallel_loop3A_339 : vector<16xi32>
      %parallel_loop3A_341 = arith.constant 1 : i32
      %parallel_loop3A_342 = vector.broadcast %parallel_loop3A_341 : i32 to vector<16xi32>
      %parallel_loop3A_343 = arith.cmpi eq, %parallel_loop3A_300, %parallel_loop3A_342 : vector<16xi32>
      %parallel_loop3A_344 = arith.constant 2 : i32
      %parallel_loop3A_345 = vector.broadcast %parallel_loop3A_344 : i32 to vector<16xi32>
      %parallel_loop3A_346 = arith.cmpi eq, %parallel_loop3A_300, %parallel_loop3A_345 : vector<16xi32>
      %parallel_loop3A_347 = arith.select %parallel_loop3A_346, %parallel_loop3A_331, %parallel_loop3A_337 : vector<16xi1>, vector<16xf32>
      %parallel_loop3A_348 = arith.select %parallel_loop3A_343, %parallel_loop3A_325, %parallel_loop3A_347 : vector<16xi1>, vector<16xf32>
      %parallel_loop3A_349 = arith.select %parallel_loop3A_340, %parallel_loop3A_319, %parallel_loop3A_348 : vector<16xi1>, vector<16xf32>
      %parallel_loop3A_350 = arith.addf %parallel_loop3A_285, %parallel_loop3A_349 : vector<16xf32>
      %parallel_loop3A_351 = arith.constant 0 : i32
      %parallel_loop3A_352 = arith.index_cast %parallel_loop3A_292 : i32 to index
      %parallel_loop3A_353 = arith.index_cast %parallel_loop3A_288 : i32 to index
      %parallel_loop3A_354 = arith.index_cast %parallel_loop3A_351 : i32 to index
      %parallel_loop3A_355 = arith.index_cast %parallel_loop3A_296 : i32 to index
      %parallel_loop3A_356 = tpu.vector_load %arg11[%parallel_loop3A_352, %parallel_loop3A_353, %parallel_loop3A_354, %parallel_loop3A_355] {strides = array<i32>} : memref<2x5x4x128xf32, #tpu.memory_space<vmem>>, vector<16xf32>,
      %parallel_loop3A_357 = arith.constant 0 : i32
      %parallel_loop3A_358 = arith.index_cast %parallel_loop3A_292 : i32 to index
      %parallel_loop3A_359 = arith.index_cast %parallel_loop3A_288 : i32 to index
      %parallel_loop3A_360 = arith.index_cast %parallel_loop3A_357 : i32 to index
      %parallel_loop3A_361 = arith.index_cast %parallel_loop3A_296 : i32 to index
      %parallel_loop3A_362 = tpu.vector_load %arg12[%parallel_loop3A_358, %parallel_loop3A_359, %parallel_loop3A_360, %parallel_loop3A_361] {strides = array<i32>} : memref<2x5x4x128xf32, #tpu.memory_space<vmem>>, vector<16xf32>,
      %parallel_loop3A_363 = arith.subf %parallel_loop3A_356, %parallel_loop3A_362 : vector<16xf32>
      %parallel_loop3A_364 = math.absf %parallel_loop3A_363 : vector<16xf32>
      %parallel_loop3A_365 = arith.constant 0.111111112 : f32
      %parallel_loop3A_366 = vector.broadcast %parallel_loop3A_365 : f32 to vector<16xf32>
      %parallel_loop3A_367 = arith.minimumf %parallel_loop3A_364, %parallel_loop3A_366 : vector<16xf32>
      %parallel_loop3A_368 = arith.subf %parallel_loop3A_364, %parallel_loop3A_367 : vector<16xf32>
      %parallel_loop3A_369 = arith.mulf %parallel_loop3A_367, %parallel_loop3A_367 : vector<16xf32>
      %parallel_loop3A_370 = arith.constant 4.500000e+00 : f32
      %parallel_loop3A_371 = vector.broadcast %parallel_loop3A_370 : f32 to vector<16xf32>
      %parallel_loop3A_372 = arith.mulf %parallel_loop3A_369, %parallel_loop3A_371 : vector<16xf32>
      %parallel_loop3A_373 = arith.addf %parallel_loop3A_368, %parallel_loop3A_372 : vector<16xf32>
      %parallel_loop3A_374 = arith.constant 1 : i32
      %parallel_loop3A_375 = arith.index_cast %parallel_loop3A_292 : i32 to index
      %parallel_loop3A_376 = arith.index_cast %parallel_loop3A_288 : i32 to index
      %parallel_loop3A_377 = arith.index_cast %parallel_loop3A_374 : i32 to index
      %parallel_loop3A_378 = arith.index_cast %parallel_loop3A_296 : i32 to index
      %parallel_loop3A_379 = tpu.vector_load %arg11[%parallel_loop3A_375, %parallel_loop3A_376, %parallel_loop3A_377, %parallel_loop3A_378] {strides = array<i32>} : memref<2x5x4x128xf32, #tpu.memory_space<vmem>>, vector<16xf32>,
      %parallel_loop3A_380 = arith.constant 1 : i32
      %parallel_loop3A_381 = arith.index_cast %parallel_loop3A_292 : i32 to index
      %parallel_loop3A_382 = arith.index_cast %parallel_loop3A_288 : i32 to index
      %parallel_loop3A_383 = arith.index_cast %parallel_loop3A_380 : i32 to index
      %parallel_loop3A_384 = arith.index_cast %parallel_loop3A_296 : i32 to index
      %parallel_loop3A_385 = tpu.vector_load %arg12[%parallel_loop3A_381, %parallel_loop3A_382, %parallel_loop3A_383, %parallel_loop3A_384] {strides = array<i32>} : memref<2x5x4x128xf32, #tpu.memory_space<vmem>>, vector<16xf32>,
      %parallel_loop3A_386 = arith.subf %parallel_loop3A_379, %parallel_loop3A_385 : vector<16xf32>
      %parallel_loop3A_387 = math.absf %parallel_loop3A_386 : vector<16xf32>
      %parallel_loop3A_388 = arith.constant 0.111111112 : f32
      %parallel_loop3A_389 = vector.broadcast %parallel_loop3A_388 : f32 to vector<16xf32>
      %parallel_loop3A_390 = arith.minimumf %parallel_loop3A_387, %parallel_loop3A_389 : vector<16xf32>
      %parallel_loop3A_391 = arith.subf %parallel_loop3A_387, %parallel_loop3A_390 : vector<16xf32>
      %parallel_loop3A_392 = arith.mulf %parallel_loop3A_390, %parallel_loop3A_390 : vector<16xf32>
      %parallel_loop3A_393 = arith.constant 4.500000e+00 : f32
      %parallel_loop3A_394 = vector.broadcast %parallel_loop3A_393 : f32 to vector<16xf32>
      %parallel_loop3A_395 = arith.mulf %parallel_loop3A_392, %parallel_loop3A_394 : vector<16xf32>
      %parallel_loop3A_396 = arith.addf %parallel_loop3A_391, %parallel_loop3A_395 : vector<16xf32>
      %parallel_loop3A_397 = arith.constant 2 : i32
      %parallel_loop3A_398 = arith.index_cast %parallel_loop3A_292 : i32 to index
      %parallel_loop3A_399 = arith.index_cast %parallel_loop3A_288 : i32 to index
      %parallel_loop3A_400 = arith.index_cast %parallel_loop3A_397 : i32 to index
      %parallel_loop3A_401 = arith.index_cast %parallel_loop3A_296 : i32 to index
      %parallel_loop3A_402 = tpu.vector_load %arg11[%parallel_loop3A_398, %parallel_loop3A_399, %parallel_loop3A_400, %parallel_loop3A_401] {strides = array<i32>} : memref<2x5x4x128xf32, #tpu.memory_space<vmem>>, vector<16xf32>,
      %parallel_loop3A_403 = arith.constant 2 : i32
      %parallel_loop3A_404 = arith.index_cast %parallel_loop3A_292 : i32 to index
      %parallel_loop3A_405 = arith.index_cast %parallel_loop3A_288 : i32 to index
      %parallel_loop3A_406 = arith.index_cast %parallel_loop3A_403 : i32 to index
      %parallel_loop3A_407 = arith.index_cast %parallel_loop3A_296 : i32 to index
      %parallel_loop3A_408 = tpu.vector_load %arg12[%parallel_loop3A_404, %parallel_loop3A_405, %parallel_loop3A_406, %parallel_loop3A_407] {strides = array<i32>} : memref<2x5x4x128xf32, #tpu.memory_space<vmem>>, vector<16xf32>,
      %parallel_loop3A_409 = arith.subf %parallel_loop3A_402, %parallel_loop3A_408 : vector<16xf32>
      %parallel_loop3A_410 = math.absf %parallel_loop3A_409 : vector<16xf32>
      %parallel_loop3A_411 = arith.constant 0.111111112 : f32
      %parallel_loop3A_412 = vector.broadcast %parallel_loop3A_411 : f32 to vector<16xf32>
      %parallel_loop3A_413 = arith.minimumf %parallel_loop3A_410, %parallel_loop3A_412 : vector<16xf32>
      %parallel_loop3A_414 = arith.subf %parallel_loop3A_410, %parallel_loop3A_413 : vector<16xf32>
      %parallel_loop3A_415 = arith.mulf %parallel_loop3A_413, %parallel_loop3A_413 : vector<16xf32>
      %parallel_loop3A_416 = arith.constant 4.500000e+00 : f32
      %parallel_loop3A_417 = vector.broadcast %parallel_loop3A_416 : f32 to vector<16xf32>
      %parallel_loop3A_418 = arith.mulf %parallel_loop3A_415, %parallel_loop3A_417 : vector<16xf32>
      %parallel_loop3A_419 = arith.addf %parallel_loop3A_414, %parallel_loop3A_418 : vector<16xf32>
      %parallel_loop3A_420 = arith.constant 3 : i32
      %parallel_loop3A_421 = arith.index_cast %parallel_loop3A_292 : i32 to index
      %parallel_loop3A_422 = arith.index_cast %parallel_loop3A_288 : i32 to index
      %parallel_loop3A_423 = arith.index_cast %parallel_loop3A_420 : i32 to index
      %parallel_loop3A_424 = arith.index_cast %parallel_loop3A_296 : i32 to index
      %parallel_loop3A_425 = tpu.vector_load %arg11[%parallel_loop3A_421, %parallel_loop3A_422, %parallel_loop3A_423, %parallel_loop3A_424] {strides = array<i32>} : memref<2x5x4x128xf32, #tpu.memory_space<vmem>>, vector<16xf32>,
      %parallel_loop3A_426 = arith.constant 3 : i32
      %parallel_loop3A_427 = arith.index_cast %parallel_loop3A_292 : i32 to index
      %parallel_loop3A_428 = arith.index_cast %parallel_loop3A_288 : i32 to index
      %parallel_loop3A_429 = arith.index_cast %parallel_loop3A_426 : i32 to index
      %parallel_loop3A_430 = arith.index_cast %parallel_loop3A_296 : i32 to index
      %parallel_loop3A_431 = tpu.vector_load %arg12[%parallel_loop3A_427, %parallel_loop3A_428, %parallel_loop3A_429, %parallel_loop3A_430] {strides = array<i32>} : memref<2x5x4x128xf32, #tpu.memory_space<vmem>>, vector<16xf32>,
      %parallel_loop3A_432 = arith.subf %parallel_loop3A_425, %parallel_loop3A_431 : vector<16xf32>
      %parallel_loop3A_433 = math.absf %parallel_loop3A_432 : vector<16xf32>
      %parallel_loop3A_434 = arith.constant 0.111111112 : f32
      %parallel_loop3A_435 = vector.broadcast %parallel_loop3A_434 : f32 to vector<16xf32>
      %parallel_loop3A_436 = arith.minimumf %parallel_loop3A_433, %parallel_loop3A_435 : vector<16xf32>
      %parallel_loop3A_437 = arith.subf %parallel_loop3A_433, %parallel_loop3A_436 : vector<16xf32>
      %parallel_loop3A_438 = arith.mulf %parallel_loop3A_436, %parallel_loop3A_436 : vector<16xf32>
      %parallel_loop3A_439 = arith.constant 4.500000e+00 : f32
      %parallel_loop3A_440 = vector.broadcast %parallel_loop3A_439 : f32 to vector<16xf32>
      %parallel_loop3A_441 = arith.mulf %parallel_loop3A_438, %parallel_loop3A_440 : vector<16xf32>
      %parallel_loop3A_442 = arith.addf %parallel_loop3A_437, %parallel_loop3A_441 : vector<16xf32>
      %parallel_loop3A_443 = arith.constant 0 : i32
      %parallel_loop3A_444 = arith.index_cast %parallel_loop3A_443 : i32 to index
      %parallel_loop3A_445 = arith.index_cast %parallel_loop3A_288 : i32 to index
      %parallel_loop3A_446 = arith.index_cast %parallel_loop3A_292 : i32 to index
      %parallel_loop3A_447 = arith.index_cast %parallel_loop3A_296 : i32 to index
      %parallel_loop3A_448 = tpu.vector_load %arg13[%parallel_loop3A_444, %parallel_loop3A_445, %parallel_loop3A_446, %parallel_loop3A_447] {strides = array<i32>} : memref<11x5x2x128xf32, #tpu.memory_space<vmem>>, vector<16xf32>,
      %parallel_loop3A_449 = arith.constant 0 : i32
      %parallel_loop3A_450 = arith.index_cast %parallel_loop3A_449 : i32 to index
      %parallel_loop3A_451 = arith.index_cast %parallel_loop3A_288 : i32 to index
      %parallel_loop3A_452 = arith.index_cast %parallel_loop3A_292 : i32 to index
      %parallel_loop3A_453 = arith.index_cast %parallel_loop3A_296 : i32 to index
      %parallel_loop3A_454 = tpu.vector_load %arg14[%parallel_loop3A_450, %parallel_loop3A_451, %parallel_loop3A_452, %parallel_loop3A_453] {strides = array<i32>} : memref<11x5x2x128xf32, #tpu.memory_space<vmem>>, vector<16xf32>,
      %parallel_loop3A_455 = arith.subf %parallel_loop3A_448, %parallel_loop3A_454 : vector<16xf32>
      %parallel_loop3A_456 = math.absf %parallel_loop3A_455 : vector<16xf32>
      %parallel_loop3A_457 = arith.constant 0.111111112 : f32
      %parallel_loop3A_458 = vector.broadcast %parallel_loop3A_457 : f32 to vector<16xf32>
      %parallel_loop3A_459 = arith.minimumf %parallel_loop3A_456, %parallel_loop3A_458 : vector<16xf32>
      %parallel_loop3A_460 = arith.subf %parallel_loop3A_456, %parallel_loop3A_459 : vector<16xf32>
      %parallel_loop3A_461 = arith.mulf %parallel_loop3A_459, %parallel_loop3A_459 : vector<16xf32>
      %parallel_loop3A_462 = arith.constant 4.500000e+00 : f32
      %parallel_loop3A_463 = vector.broadcast %parallel_loop3A_462 : f32 to vector<16xf32>
      %parallel_loop3A_464 = arith.mulf %parallel_loop3A_461, %parallel_loop3A_463 : vector<16xf32>
      %parallel_loop3A_465 = arith.addf %parallel_loop3A_460, %parallel_loop3A_464 : vector<16xf32>
      %parallel_loop3A_466 = arith.constant 1 : i32
      %parallel_loop3A_467 = arith.index_cast %parallel_loop3A_466 : i32 to index
      %parallel_loop3A_468 = arith.index_cast %parallel_loop3A_288 : i32 to index
      %parallel_loop3A_469 = arith.index_cast %parallel_loop3A_292 : i32 to index
      %parallel_loop3A_470 = arith.index_cast %parallel_loop3A_296 : i32 to index
      %parallel_loop3A_471 = tpu.vector_load %arg13[%parallel_loop3A_467, %parallel_loop3A_468, %parallel_loop3A_469, %parallel_loop3A_470] {strides = array<i32>} : memref<11x5x2x128xf32, #tpu.memory_space<vmem>>, vector<16xf32>,
      %parallel_loop3A_472 = arith.constant 1 : i32
      %parallel_loop3A_473 = arith.index_cast %parallel_loop3A_472 : i32 to index
      %parallel_loop3A_474 = arith.index_cast %parallel_loop3A_288 : i32 to index
      %parallel_loop3A_475 = arith.index_cast %parallel_loop3A_292 : i32 to index
      %parallel_loop3A_476 = arith.index_cast %parallel_loop3A_296 : i32 to index
      %parallel_loop3A_477 = tpu.vector_load %arg14[%parallel_loop3A_473, %parallel_loop3A_474, %parallel_loop3A_475, %parallel_loop3A_476] {strides = array<i32>} : memref<11x5x2x128xf32, #tpu.memory_space<vmem>>, vector<16xf32>,
      %parallel_loop3A_478 = arith.subf %parallel_loop3A_471, %parallel_loop3A_477 : vector<16xf32>
      %parallel_loop3A_479 = math.absf %parallel_loop3A_478 : vector<16xf32>
      %parallel_loop3A_480 = arith.constant 0.111111112 : f32
      %parallel_loop3A_481 = vector.broadcast %parallel_loop3A_480 : f32 to vector<16xf32>
      %parallel_loop3A_482 = arith.minimumf %parallel_loop3A_479, %parallel_loop3A_481 : vector<16xf32>
      %parallel_loop3A_483 = arith.subf %parallel_loop3A_479, %parallel_loop3A_482 : vector<16xf32>
      %parallel_loop3A_484 = arith.mulf %parallel_loop3A_482, %parallel_loop3A_482 : vector<16xf32>
      %parallel_loop3A_485 = arith.constant 4.500000e+00 : f32
      %parallel_loop3A_486 = vector.broadcast %parallel_loop3A_485 : f32 to vector<16xf32>
      %parallel_loop3A_487 = arith.mulf %parallel_loop3A_484, %parallel_loop3A_486 : vector<16xf32>
      %parallel_loop3A_488 = arith.addf %parallel_loop3A_483, %parallel_loop3A_487 : vector<16xf32>
      %parallel_loop3A_489 = arith.constant 2 : i32
      %parallel_loop3A_490 = arith.index_cast %parallel_loop3A_489 : i32 to index
      %parallel_loop3A_491 = arith.index_cast %parallel_loop3A_288 : i32 to index
      %parallel_loop3A_492 = arith.index_cast %parallel_loop3A_292 : i32 to index
      %parallel_loop3A_493 = arith.index_cast %parallel_loop3A_296 : i32 to index
      %parallel_loop3A_494 = tpu.vector_load %arg13[%parallel_loop3A_490, %parallel_loop3A_491, %parallel_loop3A_492, %parallel_loop3A_493] {strides = array<i32>} : memref<11x5x2x128xf32, #tpu.memory_space<vmem>>, vector<16xf32>,
      %parallel_loop3A_495 = arith.constant 2 : i32
      %parallel_loop3A_496 = arith.index_cast %parallel_loop3A_495 : i32 to index
      %parallel_loop3A_497 = arith.index_cast %parallel_loop3A_288 : i32 to index
      %parallel_loop3A_498 = arith.index_cast %parallel_loop3A_292 : i32 to index
      %parallel_loop3A_499 = arith.index_cast %parallel_loop3A_296 : i32 to index
      %parallel_loop3A_500 = tpu.vector_load %arg14[%parallel_loop3A_496, %parallel_loop3A_497, %parallel_loop3A_498, %parallel_loop3A_499] {strides = array<i32>} : memref<11x5x2x128xf32, #tpu.memory_space<vmem>>, vector<16xf32>,
      %parallel_loop3A_501 = arith.subf %parallel_loop3A_494, %parallel_loop3A_500 : vector<16xf32>
      %parallel_loop3A_502 = math.absf %parallel_loop3A_501 : vector<16xf32>
      %parallel_loop3A_503 = arith.constant 0.111111112 : f32
      %parallel_loop3A_504 = vector.broadcast %parallel_loop3A_503 : f32 to vector<16xf32>
      %parallel_loop3A_505 = arith.minimumf %parallel_loop3A_502, %parallel_loop3A_504 : vector<16xf32>
      %parallel_loop3A_506 = arith.subf %parallel_loop3A_502, %parallel_loop3A_505 : vector<16xf32>
      %parallel_loop3A_507 = arith.mulf %parallel_loop3A_505, %parallel_loop3A_505 : vector<16xf32>
      %parallel_loop3A_508 = arith.constant 4.500000e+00 : f32
      %parallel_loop3A_509 = vector.broadcast %parallel_loop3A_508 : f32 to vector<16xf32>
      %parallel_loop3A_510 = arith.mulf %parallel_loop3A_507, %parallel_loop3A_509 : vector<16xf32>
      %parallel_loop3A_511 = arith.addf %parallel_loop3A_506, %parallel_loop3A_510 : vector<16xf32>
      %parallel_loop3A_512 = arith.constant 3 : i32
      %parallel_loop3A_513 = arith.index_cast %parallel_loop3A_512 : i32 to index
      %parallel_loop3A_514 = arith.index_cast %parallel_loop3A_288 : i32 to index
      %parallel_loop3A_515 = arith.index_cast %parallel_loop3A_292 : i32 to index
      %parallel_loop3A_516 = arith.index_cast %parallel_loop3A_296 : i32 to index
      %parallel_loop3A_517 = tpu.vector_load %arg13[%parallel_loop3A_513, %parallel_loop3A_514, %parallel_loop3A_515, %parallel_loop3A_516] {strides = array<i32>} : memref<11x5x2x128xf32, #tpu.memory_space<vmem>>, vector<16xf32>,
      %parallel_loop3A_518 = arith.constant 3 : i32
      %parallel_loop3A_519 = arith.index_cast %parallel_loop3A_518 : i32 to index
      %parallel_loop3A_520 = arith.index_cast %parallel_loop3A_288 : i32 to index
      %parallel_loop3A_521 = arith.index_cast %parallel_loop3A_292 : i32 to index
      %parallel_loop3A_522 = arith.index_cast %parallel_loop3A_296 : i32 to index
      %parallel_loop3A_523 = tpu.vector_load %arg14[%parallel_loop3A_519, %parallel_loop3A_520, %parallel_loop3A_521, %parallel_loop3A_522] {strides = array<i32>} : memref<11x5x2x128xf32, #tpu.memory_space<vmem>>, vector<16xf32>,
      %parallel_loop3A_524 = arith.subf %parallel_loop3A_517, %parallel_loop3A_523 : vector<16xf32>
      %parallel_loop3A_525 = math.absf %parallel_loop3A_524 : vector<16xf32>
      %parallel_loop3A_526 = arith.constant 0.111111112 : f32
      %parallel_loop3A_527 = vector.broadcast %parallel_loop3A_526 : f32 to vector<16xf32>
      %parallel_loop3A_528 = arith.minimumf %parallel_loop3A_525, %parallel_loop3A_527 : vector<16xf32>
      %parallel_loop3A_529 = arith.subf %parallel_loop3A_525, %parallel_loop3A_528 : vector<16xf32>
      %parallel_loop3A_530 = arith.mulf %parallel_loop3A_528, %parallel_loop3A_528 : vector<16xf32>
      %parallel_loop3A_531 = arith.constant 4.500000e+00 : f32
      %parallel_loop3A_532 = vector.broadcast %parallel_loop3A_531 : f32 to vector<16xf32>
      %parallel_loop3A_533 = arith.mulf %parallel_loop3A_530, %parallel_loop3A_532 : vector<16xf32>
      %parallel_loop3A_534 = arith.addf %parallel_loop3A_529, %parallel_loop3A_533 : vector<16xf32>
      %parallel_loop3A_535 = arith.constant 4 : i32
      %parallel_loop3A_536 = arith.index_cast %parallel_loop3A_535 : i32 to index
      %parallel_loop3A_537 = arith.index_cast %parallel_loop3A_288 : i32 to index
      %parallel_loop3A_538 = arith.index_cast %parallel_loop3A_292 : i32 to index
      %parallel_loop3A_539 = arith.index_cast %parallel_loop3A_296 : i32 to index
      %parallel_loop3A_540 = tpu.vector_load %arg13[%parallel_loop3A_536, %parallel_loop3A_537, %parallel_loop3A_538, %parallel_loop3A_539] {strides = array<i32>} : memref<11x5x2x128xf32, #tpu.memory_space<vmem>>, vector<16xf32>,
      %parallel_loop3A_541 = arith.constant 4 : i32
      %parallel_loop3A_542 = arith.index_cast %parallel_loop3A_541 : i32 to index
      %parallel_loop3A_543 = arith.index_cast %parallel_loop3A_288 : i32 to index
      %parallel_loop3A_544 = arith.index_cast %parallel_loop3A_292 : i32 to index
      %parallel_loop3A_545 = arith.index_cast %parallel_loop3A_296 : i32 to index
      %parallel_loop3A_546 = tpu.vector_load %arg14[%parallel_loop3A_542, %parallel_loop3A_543, %parallel_loop3A_544, %parallel_loop3A_545] {strides = array<i32>} : memref<11x5x2x128xf32, #tpu.memory_space<vmem>>, vector<16xf32>,
      %parallel_loop3A_547 = arith.subf %parallel_loop3A_540, %parallel_loop3A_546 : vector<16xf32>
      %parallel_loop3A_548 = math.absf %parallel_loop3A_547 : vector<16xf32>
      %parallel_loop3A_549 = arith.constant 0.111111112 : f32
      %parallel_loop3A_550 = vector.broadcast %parallel_loop3A_549 : f32 to vector<16xf32>
      %parallel_loop3A_551 = arith.minimumf %parallel_loop3A_548, %parallel_loop3A_550 : vector<16xf32>
      %parallel_loop3A_552 = arith.subf %parallel_loop3A_548, %parallel_loop3A_551 : vector<16xf32>
      %parallel_loop3A_553 = arith.mulf %parallel_loop3A_551, %parallel_loop3A_551 : vector<16xf32>
      %parallel_loop3A_554 = arith.constant 4.500000e+00 : f32
      %parallel_loop3A_555 = vector.broadcast %parallel_loop3A_554 : f32 to vector<16xf32>
      %parallel_loop3A_556 = arith.mulf %parallel_loop3A_553, %parallel_loop3A_555 : vector<16xf32>
      %parallel_loop3A_557 = arith.addf %parallel_loop3A_552, %parallel_loop3A_556 : vector<16xf32>
      %parallel_loop3A_558 = arith.constant 5 : i32
      %parallel_loop3A_559 = arith.index_cast %parallel_loop3A_558 : i32 to index
      %parallel_loop3A_560 = arith.index_cast %parallel_loop3A_288 : i32 to index
      %parallel_loop3A_561 = arith.index_cast %parallel_loop3A_292 : i32 to index
      %parallel_loop3A_562 = arith.index_cast %parallel_loop3A_296 : i32 to index
      %parallel_loop3A_563 = tpu.vector_load %arg13[%parallel_loop3A_559, %parallel_loop3A_560, %parallel_loop3A_561, %parallel_loop3A_562] {strides = array<i32>} : memref<11x5x2x128xf32, #tpu.memory_space<vmem>>, vector<16xf32>,
      %parallel_loop3A_564 = arith.constant 5 : i32
      %parallel_loop3A_565 = arith.index_cast %parallel_loop3A_564 : i32 to index
      %parallel_loop3A_566 = arith.index_cast %parallel_loop3A_288 : i32 to index
      %parallel_loop3A_567 = arith.index_cast %parallel_loop3A_292 : i32 to index
      %parallel_loop3A_568 = arith.index_cast %parallel_loop3A_296 : i32 to index
      %parallel_loop3A_569 = tpu.vector_load %arg14[%parallel_loop3A_565, %parallel_loop3A_566, %parallel_loop3A_567, %parallel_loop3A_568] {strides = array<i32>} : memref<11x5x2x128xf32, #tpu.memory_space<vmem>>, vector<16xf32>,
      %parallel_loop3A_570 = arith.subf %parallel_loop3A_563, %parallel_loop3A_569 : vector<16xf32>
      %parallel_loop3A_571 = math.absf %parallel_loop3A_570 : vector<16xf32>
      %parallel_loop3A_572 = arith.constant 0.111111112 : f32
      %parallel_loop3A_573 = vector.broadcast %parallel_loop3A_572 : f32 to vector<16xf32>
      %parallel_loop3A_574 = arith.minimumf %parallel_loop3A_571, %parallel_loop3A_573 : vector<16xf32>
      %parallel_loop3A_575 = arith.subf %parallel_loop3A_571, %parallel_loop3A_574 : vector<16xf32>
      %parallel_loop3A_576 = arith.mulf %parallel_loop3A_574, %parallel_loop3A_574 : vector<16xf32>
      %parallel_loop3A_577 = arith.constant 4.500000e+00 : f32
      %parallel_loop3A_578 = vector.broadcast %parallel_loop3A_577 : f32 to vector<16xf32>
      %parallel_loop3A_579 = arith.mulf %parallel_loop3A_576, %parallel_loop3A_578 : vector<16xf32>
      %parallel_loop3A_580 = arith.addf %parallel_loop3A_575, %parallel_loop3A_579 : vector<16xf32>
      %parallel_loop3A_581 = arith.constant 6 : i32
      %parallel_loop3A_582 = arith.index_cast %parallel_loop3A_581 : i32 to index
      %parallel_loop3A_583 = arith.index_cast %parallel_loop3A_288 : i32 to index
      %parallel_loop3A_584 = arith.index_cast %parallel_loop3A_292 : i32 to index
      %parallel_loop3A_585 = arith.index_cast %parallel_loop3A_296 : i32 to index
      %parallel_loop3A_586 = tpu.vector_load %arg13[%parallel_loop3A_582, %parallel_loop3A_583, %parallel_loop3A_584, %parallel_loop3A_585] {strides = array<i32>} : memref<11x5x2x128xf32, #tpu.memory_space<vmem>>, vector<16xf32>,
      %parallel_loop3A_587 = arith.constant 6 : i32
      %parallel_loop3A_588 = arith.index_cast %parallel_loop3A_587 : i32 to index
      %parallel_loop3A_589 = arith.index_cast %parallel_loop3A_288 : i32 to index
      %parallel_loop3A_590 = arith.index_cast %parallel_loop3A_292 : i32 to index
      %parallel_loop3A_591 = arith.index_cast %parallel_loop3A_296 : i32 to index
      %parallel_loop3A_592 = tpu.vector_load %arg14[%parallel_loop3A_588, %parallel_loop3A_589, %parallel_loop3A_590, %parallel_loop3A_591] {strides = array<i32>} : memref<11x5x2x128xf32, #tpu.memory_space<vmem>>, vector<16xf32>,
      %parallel_loop3A_593 = arith.subf %parallel_loop3A_586, %parallel_loop3A_592 : vector<16xf32>
      %parallel_loop3A_594 = math.absf %parallel_loop3A_593 : vector<16xf32>
      %parallel_loop3A_595 = arith.constant 0.111111112 : f32
      %parallel_loop3A_596 = vector.broadcast %parallel_loop3A_595 : f32 to vector<16xf32>
      %parallel_loop3A_597 = arith.minimumf %parallel_loop3A_594, %parallel_loop3A_596 : vector<16xf32>
      %parallel_loop3A_598 = arith.subf %parallel_loop3A_594, %parallel_loop3A_597 : vector<16xf32>
      %parallel_loop3A_599 = arith.mulf %parallel_loop3A_597, %parallel_loop3A_597 : vector<16xf32>
      %parallel_loop3A_600 = arith.constant 4.500000e+00 : f32
      %parallel_loop3A_601 = vector.broadcast %parallel_loop3A_600 : f32 to vector<16xf32>
      %parallel_loop3A_602 = arith.mulf %parallel_loop3A_599, %parallel_loop3A_601 : vector<16xf32>
      %parallel_loop3A_603 = arith.addf %parallel_loop3A_598, %parallel_loop3A_602 : vector<16xf32>
      %parallel_loop3A_604 = arith.constant 7 : i32
      %parallel_loop3A_605 = arith.index_cast %parallel_loop3A_604 : i32 to index
      %parallel_loop3A_606 = arith.index_cast %parallel_loop3A_288 : i32 to index
      %parallel_loop3A_607 = arith.index_cast %parallel_loop3A_292 : i32 to index
      %parallel_loop3A_608 = arith.index_cast %parallel_loop3A_296 : i32 to index
      %parallel_loop3A_609 = tpu.vector_load %arg13[%parallel_loop3A_605, %parallel_loop3A_606, %parallel_loop3A_607, %parallel_loop3A_608] {strides = array<i32>} : memref<11x5x2x128xf32, #tpu.memory_space<vmem>>, vector<16xf32>,
      %parallel_loop3A_610 = arith.constant 7 : i32
      %parallel_loop3A_611 = arith.index_cast %parallel_loop3A_610 : i32 to index
      %parallel_loop3A_612 = arith.index_cast %parallel_loop3A_288 : i32 to index
      %parallel_loop3A_613 = arith.index_cast %parallel_loop3A_292 : i32 to index
      %parallel_loop3A_614 = arith.index_cast %parallel_loop3A_296 : i32 to index
      %parallel_loop3A_615 = tpu.vector_load %arg14[%parallel_loop3A_611, %parallel_loop3A_612, %parallel_loop3A_613, %parallel_loop3A_614] {strides = array<i32>} : memref<11x5x2x128xf32, #tpu.memory_space<vmem>>, vector<16xf32>,
      %parallel_loop3A_616 = arith.subf %parallel_loop3A_609, %parallel_loop3A_615 : vector<16xf32>
      %parallel_loop3A_617 = math.absf %parallel_loop3A_616 : vector<16xf32>
      %parallel_loop3A_618 = arith.constant 0.111111112 : f32
      %parallel_loop3A_619 = vector.broadcast %parallel_loop3A_618 : f32 to vector<16xf32>
      %parallel_loop3A_620 = arith.minimumf %parallel_loop3A_617, %parallel_loop3A_619 : vector<16xf32>
      %parallel_loop3A_621 = arith.subf %parallel_loop3A_617, %parallel_loop3A_620 : vector<16xf32>
      %parallel_loop3A_622 = arith.mulf %parallel_loop3A_620, %parallel_loop3A_620 : vector<16xf32>
      %parallel_loop3A_623 = arith.constant 4.500000e+00 : f32
      %parallel_loop3A_624 = vector.broadcast %parallel_loop3A_623 : f32 to vector<16xf32>
      %parallel_loop3A_625 = arith.mulf %parallel_loop3A_622, %parallel_loop3A_624 : vector<16xf32>
      %parallel_loop3A_626 = arith.addf %parallel_loop3A_621, %parallel_loop3A_625 : vector<16xf32>
      %parallel_loop3A_627 = arith.constant 8 : i32
      %parallel_loop3A_628 = arith.index_cast %parallel_loop3A_627 : i32 to index
      %parallel_loop3A_629 = arith.index_cast %parallel_loop3A_288 : i32 to index
      %parallel_loop3A_630 = arith.index_cast %parallel_loop3A_292 : i32 to index
      %parallel_loop3A_631 = arith.index_cast %parallel_loop3A_296 : i32 to index
      %parallel_loop3A_632 = tpu.vector_load %arg13[%parallel_loop3A_628, %parallel_loop3A_629, %parallel_loop3A_630, %parallel_loop3A_631] {strides = array<i32>} : memref<11x5x2x128xf32, #tpu.memory_space<vmem>>, vector<16xf32>,
      %parallel_loop3A_633 = arith.constant 8 : i32
      %parallel_loop3A_634 = arith.index_cast %parallel_loop3A_633 : i32 to index
      %parallel_loop3A_635 = arith.index_cast %parallel_loop3A_288 : i32 to index
      %parallel_loop3A_636 = arith.index_cast %parallel_loop3A_292 : i32 to index
      %parallel_loop3A_637 = arith.index_cast %parallel_loop3A_296 : i32 to index
      %parallel_loop3A_638 = tpu.vector_load %arg14[%parallel_loop3A_634, %parallel_loop3A_635, %parallel_loop3A_636, %parallel_loop3A_637] {strides = array<i32>} : memref<11x5x2x128xf32, #tpu.memory_space<vmem>>, vector<16xf32>,
      %parallel_loop3A_639 = arith.subf %parallel_loop3A_632, %parallel_loop3A_638 : vector<16xf32>
      %parallel_loop3A_640 = math.absf %parallel_loop3A_639 : vector<16xf32>
      %parallel_loop3A_641 = arith.constant 0.111111112 : f32
      %parallel_loop3A_642 = vector.broadcast %parallel_loop3A_641 : f32 to vector<16xf32>
      %parallel_loop3A_643 = arith.minimumf %parallel_loop3A_640, %parallel_loop3A_642 : vector<16xf32>
      %parallel_loop3A_644 = arith.subf %parallel_loop3A_640, %parallel_loop3A_643 : vector<16xf32>
      %parallel_loop3A_645 = arith.mulf %parallel_loop3A_643, %parallel_loop3A_643 : vector<16xf32>
      %parallel_loop3A_646 = arith.constant 4.500000e+00 : f32
      %parallel_loop3A_647 = vector.broadcast %parallel_loop3A_646 : f32 to vector<16xf32>
      %parallel_loop3A_648 = arith.mulf %parallel_loop3A_645, %parallel_loop3A_647 : vector<16xf32>
      %parallel_loop3A_649 = arith.addf %parallel_loop3A_644, %parallel_loop3A_648 : vector<16xf32>
      %parallel_loop3A_650 = arith.constant 9 : i32
      %parallel_loop3A_651 = arith.index_cast %parallel_loop3A_650 : i32 to index
      %parallel_loop3A_652 = arith.index_cast %parallel_loop3A_288 : i32 to index
      %parallel_loop3A_653 = arith.index_cast %parallel_loop3A_292 : i32 to index
      %parallel_loop3A_654 = arith.index_cast %parallel_loop3A_296 : i32 to index
      %parallel_loop3A_655 = tpu.vector_load %arg13[%parallel_loop3A_651, %parallel_loop3A_652, %parallel_loop3A_653, %parallel_loop3A_654] {strides = array<i32>} : memref<11x5x2x128xf32, #tpu.memory_space<vmem>>, vector<16xf32>,
      %parallel_loop3A_656 = arith.constant 9 : i32
      %parallel_loop3A_657 = arith.index_cast %parallel_loop3A_656 : i32 to index
      %parallel_loop3A_658 = arith.index_cast %parallel_loop3A_288 : i32 to index
      %parallel_loop3A_659 = arith.index_cast %parallel_loop3A_292 : i32 to index
      %parallel_loop3A_660 = arith.index_cast %parallel_loop3A_296 : i32 to index
      %parallel_loop3A_661 = tpu.vector_load %arg14[%parallel_loop3A_657, %parallel_loop3A_658, %parallel_loop3A_659, %parallel_loop3A_660] {strides = array<i32>} : memref<11x5x2x128xf32, #tpu.memory_space<vmem>>, vector<16xf32>,
      %parallel_loop3A_662 = arith.subf %parallel_loop3A_655, %parallel_loop3A_661 : vector<16xf32>
      %parallel_loop3A_663 = math.absf %parallel_loop3A_662 : vector<16xf32>
      %parallel_loop3A_664 = arith.constant 0.111111112 : f32
      %parallel_loop3A_665 = vector.broadcast %parallel_loop3A_664 : f32 to vector<16xf32>
      %parallel_loop3A_666 = arith.minimumf %parallel_loop3A_663, %parallel_loop3A_665 : vector<16xf32>
      %parallel_loop3A_667 = arith.subf %parallel_loop3A_663, %parallel_loop3A_666 : vector<16xf32>
      %parallel_loop3A_668 = arith.mulf %parallel_loop3A_666, %parallel_loop3A_666 : vector<16xf32>
      %parallel_loop3A_669 = arith.constant 4.500000e+00 : f32
      %parallel_loop3A_670 = vector.broadcast %parallel_loop3A_669 : f32 to vector<16xf32>
      %parallel_loop3A_671 = arith.mulf %parallel_loop3A_668, %parallel_loop3A_670 : vector<16xf32>
      %parallel_loop3A_672 = arith.addf %parallel_loop3A_667, %parallel_loop3A_671 : vector<16xf32>
      %parallel_loop3A_673 = arith.constant 10 : i32
      %parallel_loop3A_674 = arith.index_cast %parallel_loop3A_673 : i32 to index
      %parallel_loop3A_675 = arith.index_cast %parallel_loop3A_288 : i32 to index
      %parallel_loop3A_676 = arith.index_cast %parallel_loop3A_292 : i32 to index
      %parallel_loop3A_677 = arith.index_cast %parallel_loop3A_296 : i32 to index
      %parallel_loop3A_678 = tpu.vector_load %arg13[%parallel_loop3A_674, %parallel_loop3A_675, %parallel_loop3A_676, %parallel_loop3A_677] {strides = array<i32>} : memref<11x5x2x128xf32, #tpu.memory_space<vmem>>, vector<16xf32>,
      %parallel_loop3A_679 = arith.constant 10 : i32
      %parallel_loop3A_680 = arith.index_cast %parallel_loop3A_679 : i32 to index
      %parallel_loop3A_681 = arith.index_cast %parallel_loop3A_288 : i32 to index
      %parallel_loop3A_682 = arith.index_cast %parallel_loop3A_292 : i32 to index
      %parallel_loop3A_683 = arith.index_cast %parallel_loop3A_296 : i32 to index
      %parallel_loop3A_684 = tpu.vector_load %arg14[%parallel_loop3A_680, %parallel_loop3A_681, %parallel_loop3A_682, %parallel_loop3A_683] {strides = array<i32>} : memref<11x5x2x128xf32, #tpu.memory_space<vmem>>, vector<16xf32>,
      %parallel_loop3A_685 = arith.subf %parallel_loop3A_678, %parallel_loop3A_684 : vector<16xf32>
      %parallel_loop3A_686 = math.absf %parallel_loop3A_685 : vector<16xf32>
      %parallel_loop3A_687 = arith.constant 0.111111112 : f32
      %parallel_loop3A_688 = vector.broadcast %parallel_loop3A_687 : f32 to vector<16xf32>
      %parallel_loop3A_689 = arith.minimumf %parallel_loop3A_686, %parallel_loop3A_688 : vector<16xf32>
      %parallel_loop3A_690 = arith.subf %parallel_loop3A_686, %parallel_loop3A_689 : vector<16xf32>
      %parallel_loop3A_691 = arith.mulf %parallel_loop3A_689, %parallel_loop3A_689 : vector<16xf32>
      %parallel_loop3A_692 = arith.constant 4.500000e+00 : f32
      %parallel_loop3A_693 = vector.broadcast %parallel_loop3A_692 : f32 to vector<16xf32>
      %parallel_loop3A_694 = arith.mulf %parallel_loop3A_691, %parallel_loop3A_693 : vector<16xf32>
      %parallel_loop3A_695 = arith.addf %parallel_loop3A_690, %parallel_loop3A_694 : vector<16xf32>
      %parallel_loop3A_696 = arith.addf %parallel_loop3A_373, %parallel_loop3A_396 : vector<16xf32>
      %parallel_loop3A_697 = arith.addf %parallel_loop3A_419, %parallel_loop3A_442 : vector<16xf32>
      %parallel_loop3A_698 = arith.addf %parallel_loop3A_465, %parallel_loop3A_488 : vector<16xf32>
      %parallel_loop3A_699 = arith.addf %parallel_loop3A_511, %parallel_loop3A_534 : vector<16xf32>
      %parallel_loop3A_700 = arith.addf %parallel_loop3A_557, %parallel_loop3A_580 : vector<16xf32>
      %parallel_loop3A_701 = arith.addf %parallel_loop3A_603, %parallel_loop3A_626 : vector<16xf32>
      %parallel_loop3A_702 = arith.addf %parallel_loop3A_649, %parallel_loop3A_672 : vector<16xf32>
      %parallel_loop3A_703 = arith.addf %parallel_loop3A_696, %parallel_loop3A_697 : vector<16xf32>
      %parallel_loop3A_704 = arith.addf %parallel_loop3A_698, %parallel_loop3A_699 : vector<16xf32>
      %parallel_loop3A_705 = arith.addf %parallel_loop3A_700, %parallel_loop3A_701 : vector<16xf32>
      %parallel_loop3A_706 = arith.addf %parallel_loop3A_702, %parallel_loop3A_695 : vector<16xf32>
      %parallel_loop3A_707 = arith.addf %parallel_loop3A_703, %parallel_loop3A_704 : vector<16xf32>
      %parallel_loop3A_708 = arith.addf %parallel_loop3A_705, %parallel_loop3A_706 : vector<16xf32>
      %parallel_loop3A_709 = arith.addf %parallel_loop3A_707, %parallel_loop3A_708 : vector<16xf32>
      %parallel_loop3A_710 = arith.mulf %parallel_loop3A_709, %parallel_loop3A_313 : vector<16xf32>
      %parallel_loop3A_711 = arith.addf %parallel_loop3A_284, %parallel_loop3A_710 : vector<16xf32>
      %parallel_loop3A_712 = arith.addf %parallel_loop3A_286, %parallel_loop3A_308 : vector<16xf32>
      scf.yield %parallel_loop3A_711, %parallel_loop3A_350, %parallel_loop3A_712 : vector<16xf32>, vector<16xf32>, vector<16xf32>
    } {sc.loop_unroll_factor = 1 : i64, sc.parallel_access}
    %lt3A_255 = arith.constant 30 : i32
    %lt3A_256 = arith.cmpi slt, %add3A, %lt3A_255 : i32
    %jit3A = arith.constant 1.000000e+00 : f32
    %jit3A_257 = arith.constant 0.000000e+00 : f32
    %select_n3A_258 = arith.select %lt3A_256, %jit3A, %jit3A_257 : f32
    %mul3A_259 = vector.broadcast %select_n3A_258 : f32 to vector<16xf32>
    %mul3A_260 = arith.mulf %mul3A_259, %parallel_loop3A_254#0 : vector<16xf32>
    %add3A_261 = arith.addf %scan3A_133#0, %mul3A_260 : vector<16xf32>
    %mul3A_262 = vector.broadcast %select_n3A_258 : f32 to vector<16xf32>
    %mul3A_263 = arith.mulf %mul3A_262, %parallel_loop3A_254#1 : vector<16xf32>
    %add3A_264 = arith.addf %scan3A_133#1, %mul3A_263 : vector<16xf32>
    %mul3A_265 = vector.broadcast %select_n3A_258 : f32 to vector<16xf32>
    %mul3A_266 = arith.mulf %mul3A_265, %parallel_loop3A_254#2 : vector<16xf32>
    %add3A_267 = arith.addf %scan3A_133#2, %mul3A_266 : vector<16xf32>
    %swap3A = arith.constant 0 : index
    %swap3A_268 = tpu.vector_load %arg24[%swap3A] {strides = array<i32>} : memref<128xf32, #tpu.memory_space<vmem>>, vector<16xf32>,
    tpu.vector_store %arg24[%swap3A], %add3A_261 {strides = array<i32>} : memref<128xf32, #tpu.memory_space<vmem>>, vector<16xf32>,
    %swap3A_269 = arith.constant 16 : index
    %swap3A_270 = tpu.vector_load %arg24[%swap3A_269] {strides = array<i32>} : memref<128xf32, #tpu.memory_space<vmem>>, vector<16xf32>,
    tpu.vector_store %arg24[%swap3A_269], %broadcast_in_dim3A_12 {strides = array<i32>} : memref<128xf32, #tpu.memory_space<vmem>>, vector<16xf32>,
    %swap3A_271 = arith.constant 32 : index
    %swap3A_272 = tpu.vector_load %arg24[%swap3A_271] {strides = array<i32>} : memref<128xf32, #tpu.memory_space<vmem>>, vector<16xf32>,
    tpu.vector_store %arg24[%swap3A_271], %add3A_264 {strides = array<i32>} : memref<128xf32, #tpu.memory_space<vmem>>, vector<16xf32>,
    %swap3A_273 = arith.constant 48 : index
    %swap3A_274 = tpu.vector_load %arg24[%swap3A_273] {strides = array<i32>} : memref<128xf32, #tpu.memory_space<vmem>>, vector<16xf32>,
    tpu.vector_store %arg24[%swap3A_273], %add3A_267 {strides = array<i32>} : memref<128xf32, #tpu.memory_space<vmem>>, vector<16xf32>,
    %swap3A_275 = arith.constant 64 : index
    %swap3A_276 = tpu.vector_load %arg24[%swap3A_275] {strides = array<i32>} : memref<128xf32, #tpu.memory_space<vmem>>, vector<16xf32>,
    tpu.vector_store %arg24[%swap3A_275], %broadcast_in_dim3A_12 {strides = array<i32>} : memref<128xf32, #tpu.memory_space<vmem>>, vector<16xf32>,
    %swap3A_277 = arith.constant 80 : index
    %swap3A_278 = tpu.vector_load %arg24[%swap3A_277] {strides = array<i32>} : memref<128xf32, #tpu.memory_space<vmem>>, vector<16xf32>,
    tpu.vector_store %arg24[%swap3A_277], %broadcast_in_dim3A_12 {strides = array<i32>} : memref<128xf32, #tpu.memory_space<vmem>>, vector<16xf32>,
    %swap3A_279 = arith.constant 96 : index
    %swap3A_280 = tpu.vector_load %arg24[%swap3A_279] {strides = array<i32>} : memref<128xf32, #tpu.memory_space<vmem>>, vector<16xf32>,
    tpu.vector_store %arg24[%swap3A_279], %broadcast_in_dim3A_12 {strides = array<i32>} : memref<128xf32, #tpu.memory_space<vmem>>, vector<16xf32>,
    %swap3A_281 = arith.constant 112 : index
    %swap3A_282 = tpu.vector_load %arg24[%swap3A_281] {strides = array<i32>} : memref<128xf32, #tpu.memory_space<vmem>>, vector<16xf32>,
    tpu.vector_store %arg24[%swap3A_281], %broadcast_in_dim3A_12 {strides = array<i32>} : memref<128xf32, #tpu.memory_space<vmem>>, vector<16xf32>,
    "tpu.region"() ({
      %run_scoped3A = tpu.sem_alloc : memref<!tpu.dma_semaphore, #tpu.memory_space<semaphore_mem>>
      %dma_start3A_283 = arith.constant 0 : i32
      %dma_start3A_284 = tpu.memref_slice %arg9[%add3A, %dma_start3A_283] : memref<32x128xf32, #tpu.memory_space<hbm>> -> memref<1x128xf32, #tpu.memory_space<hbm>>
      %dma_start3A_285 = tpu.memref_squeeze %dma_start3A_284 : memref<1x128xf32, #tpu.memory_space<hbm>> -> memref<128xf32, #tpu.memory_space<hbm>>
      %dma_start3A_286 = arith.constant 0 : i32
      %dma_start3A_287 = tpu.memref_slice %arg9[%add3A, %dma_start3A_286] : memref<32x128xf32, #tpu.memory_space<hbm>> -> memref<1x128xf32, #tpu.memory_space<hbm>>
      %dma_start3A_288 = tpu.memref_squeeze %dma_start3A_287 : memref<1x128xf32, #tpu.memory_space<hbm>> -> memref<128xf32, #tpu.memory_space<hbm>>
      tpu.enqueue_dma source(%arg24 : memref<128xf32, #tpu.memory_space<vmem>>) target(%dma_start3A_288 : memref<128xf32, #tpu.memory_space<hbm>>) target_semaphore(%run_scoped3A : memref<!tpu.dma_semaphore, #tpu.memory_space<semaphore_mem>>)
      %dma_wait3A_289 = arith.constant 0 : i32
      %dma_wait3A_290 = tpu.memref_slice %arg9[%add3A, %dma_wait3A_289] : memref<32x128xf32, #tpu.memory_space<hbm>> -> memref<1x128xf32, #tpu.memory_space<hbm>>
      %dma_wait3A_291 = tpu.memref_squeeze %dma_wait3A_290 : memref<1x128xf32, #tpu.memory_space<hbm>> -> memref<128xf32, #tpu.memory_space<hbm>>
      %dma_wait3A_292 = arith.constant 0 : i32
      %dma_wait3A_293 = tpu.memref_slice %arg9[%add3A, %dma_wait3A_292] : memref<32x128xf32, #tpu.memory_space<hbm>> -> memref<1x128xf32, #tpu.memory_space<hbm>>
      %dma_wait3A_294 = tpu.memref_squeeze %dma_wait3A_293 : memref<1x128xf32, #tpu.memory_space<hbm>> -> memref<128xf32, #tpu.memory_space<hbm>>
      tpu.wait_dma2 semaphore(%run_scoped3A : memref<!tpu.dma_semaphore, #tpu.memory_space<semaphore_mem>>) src(%arg24 : memref<128xf32, #tpu.memory_space<vmem>>) dst(%dma_wait3A_294 : memref<128xf32, #tpu.memory_space<hbm>>)
      tpu.yield
    }) : () -> ()
    return
  }
}

module attributes {stable_mosaic.version = 14 : i64} {
  func.func @_lse_body(%arg0: i32, %arg1: memref<1584x128xf32, #tpu.memory_space<vmem>>, %arg2: memref<1x1xf32, #tpu.memory_space<smem>>, %arg3: memref<1xf32, #tpu.memory_space<smem>>) attributes {dimension_semantics = [#tpu.dimension_semantics<arbitrary>], iteration_bounds = array<i64: 5>, scalar_prefetch = 0 : i64, scratch_operands = 1 : i64, tpu.core_type = #tpu.core_type<tc>, window_params = [{transform_indices = @transform_0, window_bounds = array<i64: 1584, 128>}, {transform_indices = @transform_1, window_bounds = array<i64: 1, 1>}]} {
    %eq3A = arith.constant 0 : i32
    %eq3A_0 = arith.cmpi eq, %arg0, %eq3A : i32
    %convert_element_type3A = arith.extui %eq3A_0 : i1 to i32
    %cond3A = arith.constant 0 : i32
    %cond3A_1 = arith.cmpi ne, %convert_element_type3A, %cond3A : i32
    scf.if %cond3A_1 {
      %swap3A_18 = arith.constant 0.000000e+00 : f32
      %swap3A_19 = arith.constant 0 : index
      %swap3A_20 = memref.load %arg3[%swap3A_19] : memref<1xf32, #tpu.memory_space<smem>>
      memref.store %swap3A_18, %arg3[%swap3A_19] : memref<1xf32, #tpu.memory_space<smem>>
    } else {
    }
    %get3A = arith.constant 0 : index
    %get3A_2 = arith.constant 0 : index
    %get3A_3 = vector.load %arg1[%get3A, %get3A_2] : memref<1584x128xf32, #tpu.memory_space<vmem>>, vector<1584x128xf32>
    %exp3A = math.exp %get3A_3 : vector<1584x128xf32>
    %reshape3A = vector.shape_cast %exp3A : vector<1584x128xf32> to vector<396x4x128xf32>
    %reduce_sum3A = arith.constant dense<0.000000e+00> : vector<396x128xf32>
    %reduce_sum3A_4 = vector.multi_reduction <add>, %reshape3A, %reduce_sum3A [1] : vector<396x4x128xf32> to vector<396x128xf32>
    %get3A_5 = arith.constant 0 : index
    %get3A_6 = memref.load %arg3[%get3A_5] : memref<1xf32, #tpu.memory_space<smem>>
    %log3A = math.log %reduce_sum3A_4 : vector<396x128xf32>
    %reduce_sum3A_7 = vector.shape_cast %log3A : vector<396x128xf32> to vector<1x396x128xf32>
    %reduce_sum3A_8 = arith.constant dense<0.000000e+00> : vector<1xf32>
    %reduce_sum3A_9 = vector.multi_reduction <add>, %reduce_sum3A_7, %reduce_sum3A_8 [1, 2] : vector<1x396x128xf32> to vector<1xf32>
    %reduce_sum3A_10 = vector.shape_cast %reduce_sum3A_9 : vector<1xf32> to vector<1x1x1xf32>
    %reduce_sum3A_11 = vector.extract %reduce_sum3A_10[0, 0, 0] : f32 from vector<1x1x1xf32>
    %add3A = arith.addf %get3A_6, %reduce_sum3A_11 : f32
    %swap3A = arith.constant 0 : index
    %swap3A_12 = memref.load %arg3[%swap3A] : memref<1xf32, #tpu.memory_space<smem>>
    memref.store %add3A, %arg3[%swap3A] : memref<1xf32, #tpu.memory_space<smem>>
    %eq3A_13 = arith.constant 4 : i32
    %eq3A_14 = arith.cmpi eq, %arg0, %eq3A_13 : i32
    %convert_element_type3A_15 = arith.extui %eq3A_14 : i1 to i32
    %cond3A_16 = arith.constant 0 : i32
    %cond3A_17 = arith.cmpi ne, %convert_element_type3A_15, %cond3A_16 : i32
    scf.if %cond3A_17 {
      %get3A_18 = arith.constant 0 : index
      %get3A_19 = memref.load %arg3[%get3A_18] : memref<1xf32, #tpu.memory_space<smem>>
      %swap3A_20 = arith.constant 0 : index
      %swap3A_21 = arith.constant 0 : index
      %swap3A_22 = memref.load %arg2[%swap3A_20, %swap3A_21] : memref<1x1xf32, #tpu.memory_space<smem>>
      memref.store %get3A_19, %arg2[%swap3A_20, %swap3A_21] : memref<1x1xf32, #tpu.memory_space<smem>>
    } else {
    }
    return
  }
  func.func @transform_0(%arg0: i32) -> (i32, i32) {
    %c0_i32 = arith.constant 0 : i32
    %c0_i32_0 = arith.constant 0 : i32
    return %arg0, %c0_i32 : i32, i32
  }
  func.func @transform_1(%arg0: i32) -> (i32, i32) {
    %c0_i32 = arith.constant 0 : i32
    %c0_i32_0 = arith.constant 0 : i32
    %c0_i32_1 = arith.constant 0 : i32
    return %c0_i32, %c0_i32_0 : i32, i32
  }
}

</mosaic_0001>

<sc_bundles>
// kernel: kernel.4.cloned.1.call-start
scs
__scs_entry_jumppad:
0x0: {  	(pc) =	sbr.rel $0x88, $3  }
0x1: {  	(tag) =	ssettag $0x0;
	lr =	simm.s32 $0x1  }
0x2: {  	[smem:$0x3F9A] =	sst lr;
	_ =	strace $0xD0000000  }
0x3: {  	_ = 	snop  }
0x4: {  	_ = 	snop  }
0x5: {  	_ = 	snop  }
0x6: {  	_ = 	snop  }
0x7: {  	_ = 	snop  }
__scs_overlays_trampoline_lowered:
0x8: {  	[smem:$0x3FA9] =	sst s0  }
0x9: {  	[smem:$0x3FAA] =	sst s1  }
0xa: {  	[smem:$0x3FAB] =	sst s2  }
0xb: {  	[smem:$0x3FAC] =	sst s3  }
0xc: {  	[smem:$0x3FAD] =	sst s4  }
0xd: {  	[smem:$0x3FAE] =	sst s5  }
0xe: {  	[smem:$0x3FAF] =	sst s6  }
0xf: {  	[smem:$0x3FB0] =	sst s7  }
0x10: {  	[smem:$0x3FB1] =	sst s8  }
0x11: {  	[smem:$0x3FB2] =	sst s9;
	s0 =	simm.s32 @!p0 $0x0  }
0x12: {  	s1 =	sld [smem:$0x3F98];
	s0 =	simm.s32 @p0 $0x1  }
0x13: {  	[smem:$0x3FB3] =	sst s0;
	s0 =	simm.s32 @!p1 $0x0  }
0x14: {  	s2 =	sld [smem:$0x3F97];
	s0 =	simm.s32 @p1 $0x1  }
0x15: {  	[smem:$0x3FB4] =	sst s0;
	s0 =	simm.s32 @!p2 $0x0  }
0x16: {  	s3 =	sld [smem:$0x3FDB];
	s0 =	simm.s32 @p2 $0x1  }
0x17: {  	s4 =	simm.s32 $0x1BF5;
	[smem:$0x3FB6] =	sst s0  }
0x18: {  	s0 =	sld [smem:$0x3F99];
	_ =	swait.ge [sflag:s4], $0x0  }
0x19: {  	s7 =	sld [smem:$0x3F9A]  }
0x1a: {  	s8 =	sadd.s32 $0xFFFFE003, lr  }
0x1b: {  	s9 =	sadd.s32 $0xFFFFFEF7, lr;
	s5 =	simm.s32 $0xFFFFFFFF;
	p2 =	slt.u32 s8, $0xFFFFF086  }
0x1c: {  	p1 =	slt.u32 s9, $0xF7A;
	s5 =	simm.s32 @!p2 $0x0  }
0x1d: {  	s5 =	simm.s32 @p1 $0x1;
	p0 =	seq.s32 s7, s2  }
0x1e: {  	s7 =	smul.u32 @!p0 $0xF7A, s2;
	p2 =	seq.s32 @!p0 s5, $0x0  }
0x1f: {  	s9 =	smul.u32 $0xF7A, s1;
	s8 =	simm.s32 @!p0 $0x1BF5;
	p2 =	por !p2, p0  }
0x20: {  	[sflag:s8] =	ssyncset.s32 @!p0 $0xFFFFF086;
	s6 =	sadd.s32 @!p0 s3, s7;
	s7 =	simm.s32 @!p0 $0x108  }
0x21: {  	s3 =	sadd.s32 s3, s9;
	s6 =	sadd.s32 @!p0 $0x88, s6;
	s7 =	simm.s32 @p2 $0x1082  }
0x22: {  	[simem:s7], [sflag:s8] =	dma.local @!p0 [hbm:s6], $0xF7A  }
0x23: {  	s9 =	sor.u32 $0xD0000000, s2;
	s6 =	simm.s32 $0x108;
	_ =	swait.ge @!p0 [sflag:s8], $0x0  }
0x24: {  	s3 =	sadd.s32 $0x88, s3;
	s6 =	simm.s32 @!p1 $0x1082;
	[sflag:s4] =	ssyncset.s32 $0xFFFFF086  }
0x25: {  	[simem:s6], [sflag:s4] =	dma.local [hbm:s3], $0xF7A  }
0x26: {  	[smem:$0x3F9A] =	sst s1;
	(tag) =	ssettag s2;
	_ =	strace s9  }
0x27: {  	s1 =	sld [smem:$0x3FAA]  }
0x28: {  	s2 =	sld [smem:$0x3FAB]  }
0x29: {  	s4 =	sld [smem:$0x3FAD]  }
0x2a: {  	p0 =	seq.s32 s5, $0x0;
	s5 =	sld [smem:$0x3FAE]  }
0x2b: {  	s6 =	sld [smem:$0x3FAF]  }
0x2c: {  	s7 =	sld [smem:$0x3FB0]  }
0x2d: {  	s3 =	simm.s32 $0x108;
	s8 =	sld [smem:$0x3FB1]  }
0x2e: {  	s3 =	simm.s32 @!p0 $0x1082;
	s9 =	sld [smem:$0x3FB2]  }
0x2f: {  	lr =	sadd.s32 s0, s3;
	s0 =	sld [smem:$0x3FA9]  }
0x30: {  	s3 =	sld [smem:$0x3FAC]  }
0x31: {  	[smem:$0x3FB5] =	sst s10  }
0x32: {  	s10 =	sld [smem:$0x3FB3];
	_ =	sdelay $0x3  }
0x33: {  	p0 =	seq.s32 s10, $0x1;
	s10 =	sld [smem:$0x3FB5];
	_ =	sdelay $0x3  }
0x34: {  	[smem:$0x3FB5] =	sst s10  }
0x35: {  	s10 =	sld [smem:$0x3FB4];
	_ =	sdelay $0x3  }
0x36: {  	p1 =	seq.s32 s10, $0x1;
	s10 =	sld [smem:$0x3FB5];
	_ =	sdelay $0x3  }
0x37: {  	[smem:$0x3FB5] =	sst s10  }
0x38: {  	s10 =	sld [smem:$0x3FB6]  }
0x39: {  	_ = 	snop;
	(pc) =	sbr.ind lr, $3  }
0x3a: {  	_ = 	snop  }
0x3b: {  	_ = 	snop  }
0x3c: {  	p2 =	seq.s32 s10, $0x1;
	s10 =	sld [smem:$0x3FB5]  }
0x3d: {  	_ =	shalt  }
0x3e: {  	_ =	shalt  }
0x3f: {  	_ =	shalt  }
0x40: {  	_ =	shalt  }
0x41: {  	_ =	shalt  }
0x42: {  	_ =	shalt  }
0x43: {  	_ =	shalt  }
0x44: {  	_ =	shalt  }
0x45: {  	_ =	shalt  }
0x46: {  	_ =	shalt  }
0x47: {  	_ =	shalt  }
0x48: {  	_ =	shalt  }
0x49: {  	_ =	shalt  }
0x4a: {  	_ =	shalt  }
0x4b: {  	_ =	shalt  }
0x4c: {  	_ =	shalt  }
0x4d: {  	_ =	shalt  }
0x4e: {  	_ =	shalt  }
0x4f: {  	_ =	shalt  }
0x50: {  	_ =	shalt  }
0x51: {  	_ =	shalt  }
0x52: {  	_ =	shalt  }
0x53: {  	_ =	shalt  }
0x54: {  	_ =	shalt  }
0x55: {  	_ =	shalt  }
0x56: {  	_ =	shalt  }
0x57: {  	_ =	shalt  }
0x58: {  	_ =	shalt  }
0x59: {  	_ =	shalt  }
0x5a: {  	_ =	shalt  }
0x5b: {  	_ =	shalt  }
0x5c: {  	_ =	shalt  }
0x5d: {  	_ =	shalt  }
0x5e: {  	_ =	shalt  }
0x5f: {  	_ =	shalt  }
0x60: {  	_ =	shalt  }
0x61: {  	_ =	shalt  }
0x62: {  	_ =	shalt  }
0x63: {  	_ =	shalt  }
0x64: {  	_ =	shalt  }
0x65: {  	_ =	shalt  }
0x66: {  	_ =	shalt  }
0x67: {  	_ =	shalt  }
0x68: {  	_ =	shalt  }
0x69: {  	_ =	shalt  }
0x6a: {  	_ =	shalt  }
0x6b: {  	_ =	shalt  }
0x6c: {  	_ =	shalt  }
0x6d: {  	_ =	shalt  }
0x6e: {  	_ =	shalt  }
0x6f: {  	_ =	shalt  }
0x70: {  	_ =	shalt  }
0x71: {  	_ =	shalt  }
0x72: {  	_ =	shalt  }
0x73: {  	_ =	shalt  }
0x74: {  	_ =	shalt  }
0x75: {  	_ =	shalt  }
0x76: {  	_ =	shalt  }
0x77: {  	_ =	shalt  }
0x78: {  	_ =	shalt  }
0x79: {  	_ =	shalt  }
0x7a: {  	_ =	shalt  }
0x7b: {  	_ =	shalt  }
0x7c: {  	_ =	shalt  }
0x7d: {  	_ =	shalt  }
0x7e: {  	_ =	shalt  }
0x7f: {  	_ =	shalt  }
0x80: {  	_ =	shalt  }
0x81: {  	_ =	shalt  }
0x82: {  	_ =	shalt  }
0x83: {  	_ =	shalt  }
0x84: {  	_ =	shalt  }
0x85: {  	_ =	shalt  }
0x86: {  	_ =	shalt  }
0x87: {  	_ =	shalt  }
.Lfunc_end0:
.L_simem_size_0:
called_computation_lowered:
.L_overlay_start_0:
0x88: {  	s2 =	sld [smem:$0x3FD9]  }
0x89: {  	s3 =	sld [smem:$0x3FFE];
	_ =	sdelay $0x1  }
0x8a: {  	s1 =	srdreg.scid  }
0x8b: {  	s0 =	sand.u32 $0x1, s1  }
0x8c: {  	s17 =	sshll.u32 s0, $0xA;
	s2 =	sadd.s32 s3, s2  }
0x8d: {  	s2 =	sadd.s32 s2, s17  }
0x8e: {  	[smem:$0x3FC1] =	sst s2  }
0x8f: {  	_ = 	snop  }
0x90: {  	s2 =	sld [smem:$0x3FC9]  }
0x91: {  	s18 =	sld [smem:$0x3FC8]  }
0x92: {  	s4 =	sld [smem:$0x3FC7]  }
0x93: {  	s5 =	sld [smem:$0x3FC6]  }
0x94: {  	s6 =	sld [smem:$0x3FC5]  }
0x95: {  	s7 =	sld [smem:$0x3FC4]  }
0x96: {  	s8 =	sld [smem:$0x3FC3];
	(tm) =	ssettm $0x1  }
0x97: {  	s9 =	sld [smem:$0x3FFB];
	_ =	sdelay $0x3  }
0x98: {  	_ =	strace s9  }
0x99: {  	s9 =	sld [smem:$0x3FFC];
	_ =	sdelay $0x3  }
0x9a: {  	_ =	strace s9  }
0x9b: {  	s9 =	sld [smem:$0x3FFD];
	_ =	sdelay $0x3  }
0x9c: {  	_ =	strace s9  }
0x9d: {  	_ =	strace $0x8FFFFFFF  }
0x9e: {  	s19 =	sld [smem:$0x3FDB];
	_ =	sdelay $0x1  }
0x9f: {  	s10 =	simm.s32 $_scs_section_size  }
0xa0: {  	s11 =	simm.s32 $_size__tile_overlayer_lowered;
	s12 =	simm.s32 $_tile_overlayer_lowered  }
0xa1: {  	s22 =	simm.s32 $0x1BFF;
	s21 =	sshll.u32 s12, $0x1;
	s9 =	sadd.s32 s10, s19  }
0xa2: {  	s13 =	simm.s32 $0x0;
	s20 =	sshll.u32 s11, $0x1;
	s11 =	sadd.s32 s21, s9  }
0xa3: {  	[timem:s13], [sflag:s22] =	dma.local [hbm:s11], s20  }
0xa4: {  	_ =	swait.ge [sflag:s22], s20  }
0xa5: {  	s10 =	ssub.s32 $0x0, s20;
	[sflag:s22] =	ssyncset.done $0x0  }
0xa6: {  	[sflag:s22] =	ssyncadd.s32 s10;
	_ =	sdelay $0x1  }
0xa7: {  	s23 =	simm.s32 $0x1B8B  }
0xa8: {  	_ =	swait.ge [sflag:s23], $0x1  }
0xa9: {  	[sflag:s23] =	ssyncset.done $0x0  }
0xaa: {  	s25 =	simm.s32 $0x1B8E;
	s24 =	sld [smem:$0x3FFE];
	[sflag:s23] =	ssyncadd.s32 $0xFFFFFFFF  }
0xab: {  	s26 =	simm.s32 $execute0_lowered;
	[smem:$0x3FD2] =	sst s25  }
0xac: {  	s11 =	sshll.u32 s26, $0x1;
	_ =	strace $0x80000046;
	[dreg:$0x1] =	wrdreg $0xFFFFFFFF  }
0xad: {  	s28 =	simm.s32 $_size_execute0_lowered;
	s9 =	sadd.s32 s9, s11;
	[dreg:$0x0] =	wrdreg $0x0  }
0xae: {  	s11 =	sshll.u32 s28, $0x1;
	[dreg:$0x2] =	wrdreg s9  }
0xaf: {  	[dreg:$0x3] =	wrdreg s11  }
0xb0: {  	[dreg:$0x4] =	wrdreg $0xC0  }
0xb1: {  	_ =	task [dreg:s13], $0x5FFFF  }
0xb2: {  	[dreg:$0x1] =	wrdreg $0xFFFFFFFF  }
0xb3: {  	[dreg:$0x0] =	wrdreg $0x60  }
0xb4: {  	[dreg:$0x2] =	wrdreg s2  }
0xb5: {  	[dreg:$0x3] =	wrdreg s18  }
0xb6: {  	[dreg:$0x4] =	wrdreg s4  }
0xb7: {  	[dreg:$0x5] =	wrdreg s5  }
0xb8: {  	[dreg:$0x6] =	wrdreg s6  }
0xb9: {  	[dreg:$0x7] =	wrdreg s7  }
0xba: {  	[dreg:$0x8] =	wrdreg s8  }
0xbb: {  	[dreg:$0x9] =	wrdreg s24  }
0xbc: {  	[dreg:$0xa] =	wrdreg $0x9  }
0xbd: {  	_ =	task.clear_ibuf [dreg:s13], $0xBFFFF;
	_ =	strace $0x90000046  }
0xbe: {  	s29 =	simm.s32 $0x9;
	_ =	strace $0x80000048  }
0xbf: {  	_ =	swait.ge [sflag:s29], $0x1  }
0xc0: {  	[sflag:s29] =	ssyncadd.s32 $0xFFFFFFFF  }
0xc1: {  	_ =	strace $0x90000048  }
0xc2: {  	_ =	sfence  }
0xc3: {  	s30 =	sld [smem:$0x0];
	_ =	sdelay $0x2  }
0xc4: {  	s31 =	sshll.u32 s1, $0xD;
	s1 =	sshrl.u32 s1, $0x2  }
0xc5: {  	s3 =	sand.u32 $0x4000, s31;
	s1 =	sadd.s32 s1, s30  }
0xc6: {  	s0 =	sor.u32 s3, s0;
	s1 =	sshll.u32 s1, $0x11  }
0xc7: {  	s0 =	sor.u32 s1, s0  }
0xc8: {  	s0 =	sadd.s32 $0x8F2B, s0  }
0xc9: {  	[sflag:s0] =	ssyncadd.remote.s32 $0x1  }
0xca: {  	_ =	sfence.sel $0xFFFF  }
0xcb: {  	[dreg:$0x0] =	wrdreg $0xFFFFFFFF;
	(pc) =	sbr.abs _section_cstart, $3  }
0xcc: {  	[dreg:$0x1] =	wrdreg $0xFFFFFFFF  }
0xcd: {  	_ =	task.clear_ibuf [dreg:s13], $0x2FFFF;
	_ =	strace $0x9FFFFFFF  }
0xce: {  	(tm) =	ssettm $0x7FFFFFFF  }
0xcf: {  	_ =	shalt  }
tec
execute0_lowered:
.L_overlay_start_1:
0x0: {  	(tag) =	ssettag $0x1  }
0x1: {  	s0 =	rddreg [dreg:$0x0]  }
0x2: {  	s1 =	rddreg [dreg:$0x1]  }
0x3: {  	s3 =	rddreg [dreg:$0x2]  }
0x4: {  	s4 =	rddreg [dreg:$0x3]  }
0x5: {  	s5 =	rddreg [dreg:$0x4]  }
0x6: {  	s6 =	rddreg [dreg:$0x5]  }
0x7: {  	s2 =	srdreg.scid;
	s8 =	rddreg [dreg:$0x6]  }
0x8: {  	s13 =	stileid.u32;
	s10 =	rddreg [dreg:$0x7]  }
0x9: {  	s9 =	simm.s32 $0x0;
	s29 =	simm.s32 $0x500;
	s30 =	simm.s32 $0x3DE00  }
0xa: {  	s16 =	simm.s32 $0x2;
	s2 =	sand.u32 $0x1, s2;
	s7 =	sshll.u32 s13, $0x1  }
0xb: {  	p0 =	seq.s32 s13, $0xF;
	[smem:$0x7FF] =	sst s9;
	s7 =	sor.u32 s2, s7  }
0xc: {  	s2 =	ssub.s32 $0x2, s2;
	_ =	strace $0x80000047;
	s11 =	smul.u32 $0x1E, s7  }
0xd: {  	s12 =	smul.u32 $0x1F, s7;
	s18 =	sshrl.u32 s2, $0x1;
	s7 =	sshll.u32 s7, $0x4  }
0xe: {  	s2 =	ssub.s32 s2, s18;
	s7 =	sadd.s32 s10, s7;
	s10 =	simm.s32 $0x7BC00  }
0xf: {  	s11 =	sadd.s32 $0x1E, s11;
	[dreg:$0x11] =	wrdreg s7;
	s7 =	simm.f32 $0.0e+00  }
0x10: {  	s2 =	smax.u32 s2, $0x1;
	s12 =	smov.u32 @p0 s11;
	s7 =	simm.s32 @!p0 $0x3F800000  }
0x11: {  	[dreg:$0x14] =	wrdreg s2;
	s2 =	simm.s32 $0xA00;
	s11 =	sshll.u32 s12, $0x5  }
0x12: {  	s19 =	smin.u32 s12, $0x3BF;
	s24 =	sadd.s32 $0xA, s12;
	s11 =	sand.u32 $0x1FFFFFE0, s11  }
0x13: {  	s14 =	sshll.u32 s12, $0x6;
	[dreg:$0x10] =	wrdreg s24;
	s15 =	sadd.s32 s3, s11  }
0x14: {  	s14 =	sand.u32 $0x1FFFFFC0, s14;
	s20 =	sadd.s32 s5, s11;
	[dreg:$0x9] =	wrdreg s15  }
0x15: {  	s17 =	sadd.s32 $0x5, s12;
	s21 =	sadd.s32 s0, s14;
	[dreg:$0xa] =	wrdreg s20  }
0x16: {  	s12 =	simm.s32 $0x0;
	s22 =	sadd.s32 s1, s14;
	[dreg:$0xb] =	wrdreg s21  }
0x17: {  	s13 =	sadd.s32 $0x1E, s19;
	s14 =	sadd.s32 s4, s14;
	[dreg:$0xc] =	wrdreg s22  }
0x18: {  	s23 =	sadd.s32 s6, s11;
	s11 =	sadd.s32 s8, s11;
	[dreg:$0xd] =	wrdreg s14  }
0x19: {  	s25 =	sshll.u32 s13, $0x5;
	s26 =	sshll.u32 s13, $0x6;
	[dreg:$0xe] =	wrdreg s23  }
0x1a: {  	[dreg:$0xf] =	wrdreg s11;
	s19 =	sadd.s32 s3, s25;
	s20 =	sadd.s32 s0, s26  }
0x1b: {  	s22 =	sadd.s32 s1, s26;
	s23 =	sadd.s32 s4, s26;
	s28 =	sadd.s32 s6, s25  }
0x1c: {  	s24 =	sadd.s32 s5, s25;
	s31 =	sadd.s32 s8, s25;
	[dreg:$0x12] =	wrdreg s28  }
0x1d: {  	v1 =	vimm.f32 $0.0e+00;
	v0 =	vmov s7;
	s14 =	simm.s32 $0xAF00;
	s15 =	simm.s32 $0x1;
	[dreg:$0x13] =	wrdreg s31  }
.LBB2_1:
0x1e: {  	[dreg:$0x15] =	wrdreg s12  }
0x1f: {  	s7 =	rddreg [dreg:$0x9];
	s11 =	simm.s32 $0x3C00  }
0x20: {  	[tilespmem:s11], [sflag:$0x1] =	stream.strided.gather [hbm4b:s7+s29], $0x3700, s30, s29, $0x38;
	[tilespmem:$0x16880] =	vst v63  }
0x21: {  	s28 =	rddreg [dreg:$0xa];
	s31 =	simm.s32 $0x7300  }
0x22: {  	[tilespmem:s31], [sflag:$0x1] =	stream.strided.gather [hbm4b:s28+s29], $0x3700, s30, s29, $0x38;
	[tilespmem:$0x16880] =	vst v63  }
0x23: {  	s12 =	rddreg [dreg:$0xb]  }
0x24: {  	[tilespmem:s9], [sflag:$0x1] =	stream.strided.gather [hbm4b:s12+s2], $0x1400, s10, s2, $0x38;
	[tilespmem:$0x16880] =	vst v63  }
0x25: {  	s13 =	rddreg [dreg:$0xc];
	s18 =	simm.s32 $0x1400  }
0x26: {  	[tilespmem:s18], [sflag:$0x1] =	stream.strided.gather [hbm4b:s13+s2], $0x1400, s10, s2, $0x38;
	[tilespmem:$0x16880] =	vst v63  }
0x27: {  	s21 =	rddreg [dreg:$0xd];
	s25 =	simm.s32 $0x2800  }
0x28: {  	[tilespmem:s25], [sflag:$0x1] =	stream.strided.gather [hbm4b:s21+s2], $0x1400, s10, s2, $0x38;
	[tilespmem:$0x16880] =	vst v63  }
0x29: {  	s26 =	rddreg [dreg:$0xe];
	s28 =	simm.s32 $0xAA00  }
0x2a: {  	[tilespmem:s28], [sflag:$0x1] =	stream.linear.gather [hbm4b:s26+s9], $0x500, $0x38;
	[tilespmem:$0x16880] =	vst v63  }
0x2b: {  	s31 =	rddreg [dreg:$0xf];
	s21 =	simm.s32 $0x0  }
0x2c: {  	v2 =	vimm.f32 $0.0e+00;
	v3 =	vimm.f32 $0.0e+00;
	v4 =	vimm.f32 $0.0e+00;
	[tilespmem:s14], [sflag:$0x1] =	stream.linear.gather [hbm4b:s31+s9], $0x500, $0x38;
	[tilespmem:$0x16880] =	vst v63  }
.LBB2_2:
0x2d: {  	s28 =	smul.u32 $0xA, s21;
	_ =	sdelay $0x1  }
0x2e: {  	s7 =	sadd.s32 s28, s17  }
0x2f: {  	s18 =	sshll.u32 s7, $0x5  }
0x30: {  	s11 =	simm.s32 $0xF000;
	s25 =	sadd.s32 s3, s18  }
0x31: {  	[tilespmem:s11], [sflag:$0x2] =	stream.strided.gather [hbm4b:s25+s29], $0x3700, s30, s29, $0x38;
	[tilespmem:$0x16880] =	vst v63  }
0x32: {  	s12 =	simm.s32 $0x12700;
	s7 =	sshll.u32 s7, $0x6;
	s11 =	sadd.s32 s5, s18  }
0x33: {  	[tilespmem:s12], [sflag:$0x2] =	stream.strided.gather [hbm4b:s11+s29], $0x3700, s30, s29, $0x38;
	[tilespmem:$0x16880] =	vst v63  }
0x34: {  	s26 =	simm.s32 $0xB400;
	s13 =	sadd.s32 s0, s7  }
0x35: {  	[tilespmem:s26], [sflag:$0x2] =	stream.strided.gather [hbm4b:s13+s2], $0x1400, s10, s2, $0x38;
	[tilespmem:$0x16880] =	vst v63  }
0x36: {  	s12 =	sadd.s32 s1, s7;
	s13 =	simm.s32 $0xC800  }
0x37: {  	[tilespmem:s13], [sflag:$0x2] =	stream.strided.gather [hbm4b:s12+s2], $0x1400, s10, s2, $0x38;
	[tilespmem:$0x16880] =	vst v63  }
0x38: {  	s7 =	sadd.s32 s4, s7;
	s26 =	simm.s32 $0xDC00  }
0x39: {  	[tilespmem:s26], [sflag:$0x2] =	stream.strided.gather [hbm4b:s7+s2], $0x1400, s10, s2, $0x38;
	[tilespmem:$0x16880] =	vst v63  }
0x3a: {  	s12 =	sadd.s32 s6, s18;
	s13 =	simm.s32 $0x15E00;
	s26 =	simm.s32 $0x0  }
0x3b: {  	[tilespmem:s13], [sflag:$0x2] =	stream.linear.gather [hbm4b:s12+s26], $0x500, $0x38;
	[tilespmem:$0x16880] =	vst v63  }
0x3c: {  	s25 =	simm.s32 $0x16300;
	s18 =	sadd.s32 s8, s18  }
0x3d: {  	[tilespmem:s25], [sflag:$0x2] =	stream.linear.gather [hbm4b:s18+s26], $0x500, $0x38;
	[tilespmem:$0x16880] =	vst v63  }
0x3e: {  	_ =	swait.ge [sflag:s15], $0x3700  }
0x3f: {  	[sflag:s15] =	ssyncset.done $0x0  }
0x40: {  	[sflag:s15] =	ssyncadd.s32 $0xFFFFC900  }
0x41: {  	_ =	swait.ge [sflag:s15], $0x3700  }
0x42: {  	[sflag:s15] =	ssyncset.done $0x0  }
0x43: {  	[sflag:s15] =	ssyncadd.s32 $0xFFFFC900  }
0x44: {  	_ =	swait.ge [sflag:s15], $0x1400  }
0x45: {  	[sflag:s15] =	ssyncset.done $0x0  }
0x46: {  	[sflag:s15] =	ssyncadd.s32 $0xFFFFEC00  }
0x47: {  	_ =	swait.ge [sflag:s15], $0x1400  }
0x48: {  	[sflag:s15] =	ssyncset.done $0x0  }
0x49: {  	[sflag:s15] =	ssyncadd.s32 $0xFFFFEC00  }
0x4a: {  	_ =	swait.ge [sflag:s15], $0x1400  }
0x4b: {  	[sflag:s15] =	ssyncset.done $0x0  }
0x4c: {  	[sflag:s15] =	ssyncadd.s32 $0xFFFFEC00  }
0x4d: {  	_ =	swait.ge [sflag:s15], $0x500  }
0x4e: {  	s11 =	simm.s32 $0x0;
	[sflag:s15] =	ssyncset.done $0x0  }
0x4f: {  	s7 =	sand.u32 $0x1, s11;
	[sflag:s15] =	ssyncadd.s32 $0xFFFFFB00  }
0x50: {  	s12 =	sand.u32 $0x70, s26;
	s13 =	sshll.u32 s7, $0x7;
	_ =	swait.ge [sflag:s15], $0x500  }
0x51: {  	s31 =	simm.s32 $0x0;
	s18 =	sor.u32 s12, s13;
	[sflag:s15] =	ssyncset.done $0x0  }
0x52: {  	s18 =	sor.u32 s31, s18;
	[sflag:s15] =	ssyncadd.s32 $0xFFFFFB00  }
0x53: {  	v7 =	vld [tilespmem:s18+$0xA500]  }
0x54: {  	s7 =	smul.u32 $0xA00, s7;
	v13 =	vld [tilespmem:s18+$0x6900]  }
0x55: {  	v8 =	vld [tilespmem:s18+$0x8200]  }
0x56: {  	s7 =	sadd.s32 $0x0, s7;
	v6 =	vld [tilespmem:s18+$0xAF00]  }
0x57: {  	s25 =	sor.u32 s12, s7;
	v10 =	vld [tilespmem:s18+$0x6400]  }
0x58: {  	v9 =	vld [tilespmem:s25+$0x180]  }
0x59: {  	v16 =	vld [tilespmem:s18+$0xA000]  }
0x5a: {  	v15 =	vld [tilespmem:s25+$0x2980]  }
0x5b: {  	v12 =	vld [tilespmem:s25+$0x100]  }
0x5c: {  	v5 =	vld [tilespmem:s18+$0x9600]  }
0x5d: {  	v11 =	vld [tilespmem:s18+$0x8C00]  }
0x5e: {  	v17 =	vld [tilespmem:s18+$0x9B00]  }
0x5f: {  	v19 =	vld [tilespmem:s18+$0x8700]  }
0x60: {  	v18 =	vld [tilespmem:s25+$0x1500]  }
0x61: {  	v14 =	vld [tilespmem:s18+$0x5F00]  }
0x62: {  	v20 =	vld [tilespmem:s18+$0x5000]  }
0x63: {  	v24 =	vld [tilespmem:s18+$0x9100]  }
0x64: {  	v25 =	vld [tilespmem:s18+$0x5A00]  }
0x65: {  	v21 =	vld [tilespmem:s25+$0x2880]  }
0x66: {  	v23 =	vld [tilespmem:s25+$0x1480]  }
0x67: {  	v22 =	vld [tilespmem:s25+$0x1580];
	vm0 =	vgt.s32 v6, $0x0;
	v26 =	vsub.f32 v14, v5  }
0x68: {  	v14 =	vld [tilespmem:s25+$0x2800];
	v27 =	vsub.f32 v20, v19;
	v5 =	vsel vm0, $0x3F800000, v1;
	vm0 =	veq.s32 v6, $0x2  }
0x69: {  	v29 =	vsub.f32 v25, v24;
	v24 =	vld [tilespmem:s18+$0x3C00];
	v2 =	vadd.f32 v5, v2;
	v9 =	vsel vm0, v12, v9  }
0x6a: {  	v19 =	vand.u32 $0x7FFFFFFF, v26;
	v26 =	vld [tilespmem:s25+$0x2900];
	v28 =	vand.u32 $0x7FFFFFFF, v27;
	vm0 =	veq.s32 v6, $0x0  }
0x6b: {  	v25 =	vld [tilespmem:s18+$0x7300];
	v27 =	vsub.f32 v10, v17;
	v10 =	vand.u32 $0x7FFFFFFF, v29;
	v30 =	vmin.f32 v28, $1.111111120e-01  }
0x6c: {  	s31 =	simm.s32 $0x1;
	v12 =	vld [tilespmem:s25+$0x80];
	v20 =	vmin.f32 v19, $1.111111120e-01;
	v17 =	vsub.f32 v28, v30;
	v28 =	vmul.f32 v30, v30  }
.LBB2_3:
0x6d: {  	p0 =	sne.s32 s31, $0x4F  }
0x6e: {  	v21 =	vsub.f32 v23, v21;
	v23 =	vld [tilespmem:s18+$0x4100];
	v29 =	vmul.f32 v20, v20;
	v13 =	vsub.f32 v13, v16;
	s26 =	sadd.s32 $0x10, s26;
	s7 =	smov.u32 s31;
	s31 =	sadd.s32 $0x1, s31  }
0x6f: {  	v15 =	vsub.f32 v22, v15;
	v22 =	vand.u32 $0x7FFFFFFF, v27;
	v16 =	vsub.f32 v18, v26;
	v18 =	vld [tilespmem:s18+$0x7800]  }
0x70: {  	vm1 =	veq.s32 v6, $0x1;
	v26 =	vmul.f32 $4.500000000e+00, v28;
	v6 =	vld [tilespmem:s18+$0x4600];
	v27 =	vmul.f32 $4.500000000e+00, v29  }
0x71: {  	v29 =	vmin.f32 v22, $1.111111120e-01;
	v13 =	vand.u32 $0x7FFFFFFF, v13;
	v28 =	vld [tilespmem:s25+$0x0];
	v16 =	vand.u32 $0x7FFFFFFF, v16  }
0x72: {  	v30 =	vmin.f32 v16, $1.111111120e-01;
	v24 =	vsub.f32 v24, v25;
	v25 =	vmul.f32 v29, v29;
	v31 =	vld [tilespmem:s18+$0x6E00]  }
0x73: {  	v19 =	vsub.f32 v19, v20;
	v15 =	vand.u32 $0x7FFFFFFF, v15;
	v20 =	vmin.f32 v13, $1.111111120e-01;
	v32 =	vld [tilespmem:s18+$0x4B00]  }
0x74: {  	v9 =	vsel vm1, v12, v9;
	v12 =	vsub.f32 v16, v30;
	v16 =	vmul.f32 v30, v30;
	v30 =	vld [tilespmem:s18+$0x5500]  }
0x75: {  	v22 =	vsub.f32 v22, v29;
	v24 =	vand.u32 $0x7FFFFFFF, v24;
	v25 =	vmul.f32 $4.500000000e+00, v25;
	v33 =	vld [tilespmem:s25+$0x1400]  }
0x76: {  	v9 =	vsel vm0, v28, v9;
	v28 =	vmul.f32 $4.500000000e+00, v16;
	v16 =	vmin.f32 v24, $1.111111120e-01;
	v29 =	vld [tilespmem:s18+$0x7D00]  }
0x77: {  	v34 =	vmin.f32 v15, $1.111111120e-01;
	v22 =	vadd.f32 v25, v22;
	v7 =	vsub.f32 v31, v7  }
0x78: {  	v3 =	vadd.f32 v9, v3;
	v9 =	vmul.f32 v34, v34;
	v8 =	vsub.f32 v32, v8  }
0x79: {  	v13 =	vsub.f32 v13, v20;
	v11 =	vsub.f32 v30, v11;
	v7 =	vand.u32 $0x7FFFFFFF, v7  }
0x7a: {  	v17 =	vadd.f32 v26, v17;
	v14 =	vsub.f32 v33, v14;
	v8 =	vand.u32 $0x7FFFFFFF, v8  }
0x7b: {  	v24 =	vsub.f32 v24, v16;
	v16 =	vmul.f32 v16, v16;
	v11 =	vand.u32 $0x7FFFFFFF, v11  }
0x7c: {  	v25 =	vsub.f32 v15, v34;
	v9 =	vmul.f32 $4.500000000e+00, v9;
	v15 =	vmin.f32 v11, $1.111111120e-01  }
0x7d: {  	v18 =	vsub.f32 v23, v18;
	v23 =	vmin.f32 v7, $1.111111120e-01;
	v11 =	vsub.f32 v11, v15  }
0x7e: {  	v26 =	vmin.f32 v8, $1.111111120e-01;
	v30 =	vsub.f32 v7, v23;
	v23 =	vmul.f32 v23, v23  }
0x7f: {  	v18 =	vand.u32 $0x7FFFFFFF, v18;
	v7 =	vmul.f32 v20, v20;
	v31 =	vsub.f32 v8, v26  }
0x80: {  	s25 =	sshrl.u32 s7, $0x3;
	v8 =	vmin.f32 v18, $1.111111120e-01;
	v20 =	vmul.f32 v26, v26  }
0x81: {  	v21 =	vand.u32 $0x7FFFFFFF, v21;
	s7 =	sshrl.u32 s7, $0x4;
	s25 =	sand.u32 $0x1, s25;
	v15 =	vmul.f32 v15, v15;
	v7 =	vmul.f32 $4.500000000e+00, v7  }
0x82: {  	s11 =	sand.u32 $0x70, s26;
	v19 =	vadd.f32 v27, v19;
	s12 =	sshll.u32 s25, $0x7;
	s25 =	smul.u32 $0xA00, s25;
	v6 =	vsub.f32 v6, v29  }
0x83: {  	s13 =	sshll.u32 s7, $0x8;
	s7 =	sshll.u32 s7, $0x9;
	s12 =	sor.u32 s11, s12;
	v16 =	vmul.f32 $4.500000000e+00, v16;
	v26 =	vmin.f32 v21, $1.111111120e-01;
	v13 =	vadd.f32 v7, v13  }
0x84: {  	s7 =	sadd.s32 s7, s25;
	v33 =	vmin.f32 v10, $1.111111120e-01;
	v29 =	vmul.f32 v26, v26;
	v32 =	vand.u32 $0x7FFFFFFF, v6;
	v27 =	vld [tilespmem:s18+$0xAA00];
	s18 =	sor.u32 s13, s12  }
0x85: {  	s25 =	sor.u32 s11, s7;
	v10 =	vsub.f32 v10, v33;
	v34 =	vmul.f32 v8, v8;
	v22 =	vadd.f32 v13, v22;
	v7 =	vld [tilespmem:s18+$0xA500]  }
0x86: {  	v18 =	vsub.f32 v18, v8;
	v35 =	vmin.f32 v32, $1.111111120e-01;
	v15 =	vmul.f32 $4.500000000e+00, v15;
	v13 =	vld [tilespmem:s18+$0x6900]  }
0x87: {  	v24 =	vadd.f32 v16, v24;
	v23 =	vmul.f32 $4.500000000e+00, v23;
	v16 =	vmul.f32 v35, v35;
	v8 =	vld [tilespmem:s18+$0x8200]  }
0x88: {  	v21 =	vsub.f32 v21, v26;
	v26 =	vmul.f32 $4.500000000e+00, v34;
	v11 =	vadd.f32 v15, v11;
	v6 =	vld [tilespmem:s18+$0xAF00]  }
0x89: {  	v33 =	vmul.f32 v33, v33;
	v14 =	vand.u32 $0x7FFFFFFF, v14;
	v32 =	vsub.f32 v32, v35;
	v34 =	vld [tilespmem:s18+$0x6400]  }
0x8a: {  	v36 =	vmin.f32 v14, $1.111111120e-01;
	v23 =	vadd.f32 v23, v30;
	v37 =	vmul.f32 $4.500000000e+00, v16;
	v35 =	vld [tilespmem:s25+$0x180]  }
0x8b: {  	v29 =	vmul.f32 $4.500000000e+00, v29;
	v18 =	vadd.f32 v26, v18;
	v17 =	vadd.f32 v11, v17;
	v16 =	vld [tilespmem:s18+$0xA000]  }
0x8c: {  	v11 =	vmul.f32 v36, v36;
	v26 =	vadd.f32 v37, v32;
	v22 =	vadd.f32 v23, v22;
	v15 =	vld [tilespmem:s25+$0x2980]  }
0x8d: {  	v12 =	vadd.f32 v28, v12;
	v28 =	vmul.f32 $4.500000000e+00, v33;
	v14 =	vsub.f32 v14, v36;
	v23 =	vld [tilespmem:s25+$0x100]  }
0x8e: {  	v20 =	vmul.f32 $4.500000000e+00, v20;
	v24 =	vadd.f32 v18, v24;
	v32 =	vmul.f32 $4.500000000e+00, v11;
	v30 =	vld [tilespmem:s18+$0x9600]  }
0x8f: {  	v9 =	vadd.f32 v9, v25;
	v10 =	vadd.f32 v28, v10;
	vm0 =	vgt.s32 v6, $0x0;
	v11 =	vld [tilespmem:s18+$0x8C00]  }
0x90: {  	v20 =	vadd.f32 v20, v31;
	v21 =	vadd.f32 v29, v21;
	v25 =	vld [tilespmem:s18+$0x9B00]  }
0x91: {  	v10 =	vadd.f32 v19, v10;
	v14 =	vadd.f32 v32, v14;
	v28 =	vld [tilespmem:s18+$0x8700]  }
0x92: {  	v12 =	vadd.f32 v9, v12;
	v9 =	vadd.f32 v20, v26;
	v18 =	vld [tilespmem:s25+$0x1500]  }
0x93: {  	v10 =	vadd.f32 v10, v17;
	v14 =	vadd.f32 v21, v14;
	v19 =	vsel vm0, $0x3F800000, v1;
	v20 =	vld [tilespmem:s18+$0x5F00]  }
0x94: {  	v17 =	vadd.f32 v9, v24;
	vm0 =	veq.s32 v6, $0x2;
	v2 =	vadd.f32 v19, v2;
	v21 =	vld [tilespmem:s25+$0x2880]  }
0x95: {  	v10 =	vadd.f32 v22, v10;
	v12 =	vadd.f32 v12, v14;
	v9 =	vsel vm0, v23, v35;
	v24 =	vld [tilespmem:s18+$0x5000]  }
0x96: {  	v29 =	vld [tilespmem:s18+$0x9100]  }
0x97: {  	v12 =	vadd.f32 v17, v12;
	v31 =	vld [tilespmem:s18+$0x5A00]  }
0x98: {  	v23 =	vld [tilespmem:s25+$0x1480];
	v17 =	vsub.f32 v20, v30  }
0x99: {  	v27 =	vmul.f32 v5, v27;
	v10 =	vadd.f32 v10, v12;
	v5 =	vmov v19;
	v22 =	vld [tilespmem:s25+$0x1580]  }
.Ltmp0:
0x9a: {  	v14 =	vld [tilespmem:s25+$0x2800];
	v24 =	vsub.f32 v24, v28;
	v19 =	vand.u32 $0x7FFFFFFF, v17;
	(pc) =	sbr.rel @p0 .LBB2_3-.Ltmp0, $4  }
0x9b: {  	v10 =	vmul.f32 v10, v27;
	v26 =	vld [tilespmem:s25+$0x2900];
	v20 =	vmin.f32 v19, $1.111111120e-01  }
0x9c: {  	vm0 =	veq.s32 v6, $0x0;
	v12 =	vld [tilespmem:s25+$0x80];
	v17 =	vand.u32 $0x7FFFFFFF, v24;
	v29 =	vsub.f32 v31, v29  }
0x9d: {  	v4 =	vadd.f32 v10, v4;
	v27 =	vsub.f32 v34, v25;
	v24 =	vld [tilespmem:s18+$0x3C00];
	v28 =	vmin.f32 v17, $1.111111120e-01  }
0x9e: {  	v25 =	vld [tilespmem:s18+$0x7300];
	v17 =	vsub.f32 v17, v28;
	v28 =	vmul.f32 v28, v28;
	v10 =	vand.u32 $0x7FFFFFFF, v29  }
0x9f: {  	v21 =	vsub.f32 v23, v21;
	v57 =	vmul.f32 v20, v20;
	v13 =	vsub.f32 v13, v16  }
0xa0: {  	v15 =	vsub.f32 v22, v15;
	v58 =	vand.u32 $0x7FFFFFFF, v27;
	v19 =	vsub.f32 v19, v20  }
0xa1: {  	v52 =	vmin.f32 v10, $1.111111120e-01;
	v18 =	vsub.f32 v18, v26;
	v59 =	vmul.f32 $4.500000000e+00, v28  }
0xa2: {  	v60 =	vld [tilespmem:s18+$0x6E00];
	v27 =	vmin.f32 v58, $1.111111120e-01;
	v10 =	vsub.f32 v10, v52;
	v23 =	vmul.f32 $4.500000000e+00, v57  }
0xa3: {  	v29 =	vld [tilespmem:s18+$0x4B00];
	v13 =	vand.u32 $0x7FFFFFFF, v13;
	v62 =	vmul.f32 v27, v27;
	v15 =	vand.u32 $0x7FFFFFFF, v15  }
0xa4: {  	v30 =	vld [tilespmem:s18+$0x5500];
	v16 =	vsub.f32 v58, v27;
	v21 =	vand.u32 $0x7FFFFFFF, v21;
	v57 =	vmul.f32 v52, v52  }
0xa5: {  	v32 =	vld [tilespmem:s25+$0x1400];
	v18 =	vand.u32 $0x7FFFFFFF, v18;
	v63 =	vmin.f32 v13, $1.111111120e-01;
	v39 =	vmin.f32 v15, $1.111111120e-01  }
0xa6: {  	v36 =	vld [tilespmem:s18+$0x4100];
	v17 =	vadd.f32 v59, v17;
	v49 =	vmin.f32 v21, $1.111111120e-01;
	v61 =	vmin.f32 v18, $1.111111120e-01  }
0xa7: {  	v33 =	vld [tilespmem:s18+$0x7800];
	v24 =	vsub.f32 v24, v25;
	v25 =	vmul.f32 $4.500000000e+00, v62;
	v13 =	vsub.f32 v13, v63  }
0xa8: {  	v40 =	vmul.f32 v39, v39;
	v15 =	vsub.f32 v15, v39;
	v19 =	vadd.f32 v23, v19  }
0xa9: {  	v20 =	vmul.f32 v63, v63;
	v21 =	vsub.f32 v21, v49;
	v18 =	vsub.f32 v18, v61  }
0xaa: {  	v51 =	vmul.f32 v49, v49;
	v7 =	vsub.f32 v60, v7;
	v8 =	vsub.f32 v29, v8  }
0xab: {  	v31 =	vmul.f32 v61, v61;
	v11 =	vsub.f32 v30, v11;
	v14 =	vsub.f32 v32, v14  }
0xac: {  	v42 =	vld [tilespmem:s18+$0x4600];
	v27 =	vsub.f32 v36, v33;
	v24 =	vand.u32 $0x7FFFFFFF, v24;
	v26 =	vmul.f32 $4.500000000e+00, v40  }
0xad: {  	v44 =	vld [tilespmem:s18+$0x7D00];
	v16 =	vadd.f32 v25, v16;
	v20 =	vmul.f32 $4.500000000e+00, v20;
	v37 =	vmul.f32 $4.500000000e+00, v31  }
0xae: {  	v38 =	vmin.f32 v24, $1.111111120e-01;
	v7 =	vand.u32 $0x7FFFFFFF, v7;
	v8 =	vand.u32 $0x7FFFFFFF, v8  }
0xaf: {  	v11 =	vand.u32 $0x7FFFFFFF, v11;
	v27 =	vand.u32 $0x7FFFFFFF, v27;
	v14 =	vand.u32 $0x7FFFFFFF, v14  }
0xb0: {  	v41 =	vsub.f32 v24, v38;
	v43 =	vmul.f32 v38, v38;
	v45 =	vmin.f32 v11, $1.111111120e-01  }
0xb1: {  	v46 =	vmin.f32 v7, $1.111111120e-01;
	v47 =	vmin.f32 v8, $1.111111120e-01;
	v48 =	vmin.f32 v27, $1.111111120e-01  }
0xb2: {  	v24 =	vsub.f32 v42, v44;
	v13 =	vadd.f32 v20, v13;
	v58 =	vmin.f32 v14, $1.111111120e-01  }
0xb3: {  	v20 =	vmul.f32 $4.500000000e+00, v51;
	v15 =	vadd.f32 v26, v15;
	v11 =	vsub.f32 v11, v45  }
0xb4: {  	v7 =	vsub.f32 v7, v46;
	v31 =	vmul.f32 v46, v46;
	v32 =	vmul.f32 v47, v47  }
0xb5: {  	v8 =	vsub.f32 v8, v47;
	v30 =	vmul.f32 v45, v45;
	v53 =	vmul.f32 v48, v48  }
0xb6: {  	v27 =	vsub.f32 v27, v48;
	v59 =	vmul.f32 v58, v58;
	v14 =	vsub.f32 v14, v58  }
0xb7: {  	v18 =	vadd.f32 v37, v18;
	v50 =	vmul.f32 $4.500000000e+00, v43;
	v24 =	vand.u32 $0x7FFFFFFF, v24  }
0xb8: {  	v13 =	vadd.f32 v13, v16;
	v20 =	vadd.f32 v20, v21;
	v30 =	vmul.f32 $4.500000000e+00, v30  }
0xb9: {  	v54 =	vmin.f32 v24, $1.111111120e-01;
	v31 =	vmul.f32 $4.500000000e+00, v31;
	v16 =	vmul.f32 $4.500000000e+00, v53  }
0xba: {  	v60 =	vmul.f32 $4.500000000e+00, v32;
	v15 =	vadd.f32 v15, v18;
	v22 =	vadd.f32 v50, v41  }
0xbb: {  	v55 =	vmul.f32 v54, v54;
	v56 =	vsub.f32 v24, v54;
	v11 =	vadd.f32 v30, v11  }
0xbc: {  	v24 =	vmul.f32 $4.500000000e+00, v57;
	v7 =	vadd.f32 v31, v7;
	v16 =	vadd.f32 v16, v27  }
0xbd: {  	v25 =	vmul.f32 $4.500000000e+00, v55;
	v11 =	vadd.f32 v11, v17;
	v17 =	vmul.f32 $4.500000000e+00, v59  }
0xbe: {  	v8 =	vadd.f32 v60, v8;
	v10 =	vadd.f32 v24, v10  }
0xbf: {  	v23 =	vadd.f32 v25, v56;
	v14 =	vadd.f32 v17, v14  }
0xc0: {  	v16 =	vadd.f32 v16, v22;
	v10 =	vadd.f32 v19, v10  }
0xc1: {  	v8 =	vadd.f32 v8, v23;
	v14 =	vadd.f32 v20, v14  }
0xc2: {  	v61 =	vld [tilespmem:s18+$0xAA00];
	v7 =	vadd.f32 v7, v13;
	v10 =	vadd.f32 v10, v11  }
0xc3: {  	v8 =	vadd.f32 v8, v16;
	v62 =	vadd.f32 v15, v14;
	_ =	sdelay $0x1  }
0xc4: {  	v63 =	vld [tilespmem:s25+$0x0];
	v7 =	vadd.f32 v7, v10;
	v8 =	vadd.f32 v8, v62  }
0xc5: {  	p0 =	seq.s32 s21, $0x2  }
.Ltmp1:
0xc6: {  	v5 =	vmul.f32 v5, v61;
	v7 =	vadd.f32 v7, v8;
	(pc) =	sbr.rel @!p0 .LBB2_5-.Ltmp1, $4  }
0xc7: {  	vm1 =	veq.s32 v6, $0x1  }
0xc8: {  	v6 =	vsel vm1, v12, v9;
	v5 =	vmul.f32 v7, v5  }
0xc9: {  	v6 =	vsel vm0, v63, v6  }
0xca: {  	v3 =	vadd.f32 v6, v3;
	v4 =	vadd.f32 v5, v4  }
0xcb: {  	s7 =	simm.s32 $0x3C00  }
0xcc: {  	[tilespmem:s7], [sflag:$0x1] =	stream.linear.gather [hbm4b:s19+s9], $0x100, $0x38;
	[tilespmem:$0x16880] =	vst v63  }
0xcd: {  	s26 =	sadd.s32 $0x7BC0, s19;
	s11 =	simm.s32 $0x4100  }
0xce: {  	[tilespmem:s11], [sflag:$0x1] =	stream.linear.gather [hbm4b:s26+s9], $0x100, $0x38;
	[tilespmem:$0x16880] =	vst v63  }
0xcf: {  	s28 =	sadd.s32 $0xF780, s19;
	s31 =	simm.s32 $0x4600  }
0xd0: {  	[tilespmem:s31], [sflag:$0x1] =	stream.linear.gather [hbm4b:s28+s9], $0x100, $0x38;
	[tilespmem:$0x16880] =	vst v63  }
0xd1: {  	s12 =	simm.s32 $0x4B00;
	s11 =	sadd.s32 $0x17340, s19  }
0xd2: {  	[tilespmem:s12], [sflag:$0x1] =	stream.linear.gather [hbm4b:s11+s9], $0x100, $0x38;
	[tilespmem:$0x16880] =	vst v63  }
0xd3: {  	s13 =	sadd.s32 $0x1EF00, s19;
	s18 =	simm.s32 $0x5000  }
0xd4: {  	[tilespmem:s18], [sflag:$0x1] =	stream.linear.gather [hbm4b:s13+s9], $0x100, $0x38;
	[tilespmem:$0x16880] =	vst v63  }
0xd5: {  	s25 =	sadd.s32 $0x26AC0, s19;
	s26 =	simm.s32 $0x5500  }
0xd6: {  	[tilespmem:s26], [sflag:$0x1] =	stream.linear.gather [hbm4b:s25+s9], $0x100, $0x38;
	[tilespmem:$0x16880] =	vst v63  }
0xd7: {  	s28 =	sadd.s32 $0x2E680, s19;
	s31 =	simm.s32 $0x5A00  }
0xd8: {  	[tilespmem:s31], [sflag:$0x1] =	stream.linear.gather [hbm4b:s28+s9], $0x100, $0x38;
	[tilespmem:$0x16880] =	vst v63  }
0xd9: {  	s11 =	sadd.s32 $0x36240, s19;
	s12 =	simm.s32 $0x5F00  }
0xda: {  	[tilespmem:s12], [sflag:$0x1] =	stream.linear.gather [hbm4b:s11+s9], $0x100, $0x38;
	[tilespmem:$0x16880] =	vst v63  }
0xdb: {  	s13 =	sadd.s32 $0x3DE00, s19;
	s18 =	simm.s32 $0x6400  }
0xdc: {  	[tilespmem:s18], [sflag:$0x1] =	stream.linear.gather [hbm4b:s13+s9], $0x100, $0x38;
	[tilespmem:$0x16880] =	vst v63  }
0xdd: {  	s25 =	sadd.s32 $0x459C0, s19;
	s26 =	simm.s32 $0x6900  }
0xde: {  	[tilespmem:s26], [sflag:$0x1] =	stream.linear.gather [hbm4b:s25+s9], $0x100, $0x38;
	[tilespmem:$0x16880] =	vst v63  }
0xdf: {  	s28 =	sadd.s32 $0x4D580, s19;
	s31 =	simm.s32 $0x6E00  }
0xe0: {  	[tilespmem:s31], [sflag:$0x1] =	stream.linear.gather [hbm4b:s28+s9], $0x100, $0x38;
	[tilespmem:$0x16880] =	vst v63  }
0xe1: {  	s12 =	simm.s32 $0x7300  }
0xe2: {  	[tilespmem:s12], [sflag:$0x1] =	stream.linear.gather [hbm4b:s24+s9], $0x100, $0x38;
	[tilespmem:$0x16880] =	vst v63  }
0xe3: {  	s13 =	sadd.s32 $0x7BC0, s24;
	s18 =	simm.s32 $0x7800  }
0xe4: {  	[tilespmem:s18], [sflag:$0x1] =	stream.linear.gather [hbm4b:s13+s9], $0x100, $0x38;
	[tilespmem:$0x16880] =	vst v63  }
0xe5: {  	s25 =	sadd.s32 $0xF780, s24;
	s26 =	simm.s32 $0x7D00  }
0xe6: {  	[tilespmem:s26], [sflag:$0x1] =	stream.linear.gather [hbm4b:s25+s9], $0x100, $0x38;
	[tilespmem:$0x16880] =	vst v63  }
0xe7: {  	s28 =	sadd.s32 $0x17340, s24;
	s31 =	simm.s32 $0x8200  }
0xe8: {  	[tilespmem:s31], [sflag:$0x1] =	stream.linear.gather [hbm4b:s28+s9], $0x100, $0x38;
	[tilespmem:$0x16880] =	vst v63  }
0xe9: {  	s11 =	sadd.s32 $0x1EF00, s24;
	s12 =	simm.s32 $0x8700  }
0xea: {  	[tilespmem:s12], [sflag:$0x1] =	stream.linear.gather [hbm4b:s11+s9], $0x100, $0x38;
	[tilespmem:$0x16880] =	vst v63  }
0xeb: {  	s13 =	sadd.s32 $0x26AC0, s24;
	s18 =	simm.s32 $0x8C00  }
0xec: {  	[tilespmem:s18], [sflag:$0x1] =	stream.linear.gather [hbm4b:s13+s9], $0x100, $0x38;
	[tilespmem:$0x16880] =	vst v63  }
0xed: {  	s25 =	sadd.s32 $0x2E680, s24;
	s26 =	simm.s32 $0x9100  }
0xee: {  	[tilespmem:s26], [sflag:$0x1] =	stream.linear.gather [hbm4b:s25+s9], $0x100, $0x38;
	[tilespmem:$0x16880] =	vst v63  }
0xef: {  	s28 =	sadd.s32 $0x36240, s24;
	s31 =	simm.s32 $0x9600  }
0xf0: {  	[tilespmem:s31], [sflag:$0x1] =	stream.linear.gather [hbm4b:s28+s9], $0x100, $0x38;
	[tilespmem:$0x16880] =	vst v63  }
0xf1: {  	s11 =	sadd.s32 $0x3DE00, s24;
	s12 =	simm.s32 $0x9B00  }
0xf2: {  	[tilespmem:s12], [sflag:$0x1] =	stream.linear.gather [hbm4b:s11+s9], $0x100, $0x38;
	[tilespmem:$0x16880] =	vst v63  }
0xf3: {  	s13 =	sadd.s32 $0x459C0, s24;
	s18 =	simm.s32 $0xA000  }
0xf4: {  	[tilespmem:s18], [sflag:$0x1] =	stream.linear.gather [hbm4b:s13+s9], $0x100, $0x38;
	[tilespmem:$0x16880] =	vst v63  }
0xf5: {  	s25 =	sadd.s32 $0x4D580, s24;
	s26 =	simm.s32 $0xA500  }
0xf6: {  	[tilespmem:s26], [sflag:$0x1] =	stream.linear.gather [hbm4b:s25+s9], $0x100, $0x38;
	[tilespmem:$0x16880] =	vst v63  }
0xf7: {  	_ = 	snop  }
0xf8: {  	[tilespmem:s9], [sflag:$0x1] =	stream.linear.gather [hbm4b:s20+s9], $0x200, $0x38;
	[tilespmem:$0x16880] =	vst v63  }
0xf9: {  	s28 =	sadd.s32 $0xF780, s20  }
0xfa: {  	[tilespmem:s2], [sflag:$0x1] =	stream.linear.gather [hbm4b:s28+s9], $0x200, $0x38;
	[tilespmem:$0x16880] =	vst v63  }
0xfb: {  	s31 =	simm.s32 $0x1400  }
0xfc: {  	[tilespmem:s31], [sflag:$0x1] =	stream.linear.gather [hbm4b:s22+s9], $0x200, $0x38;
	[tilespmem:$0x16880] =	vst v63  }
0xfd: {  	s11 =	sadd.s32 $0xF780, s22;
	s12 =	simm.s32 $0x1E00  }
0xfe: {  	[tilespmem:s12], [sflag:$0x1] =	stream.linear.gather [hbm4b:s11+s9], $0x200, $0x38;
	[tilespmem:$0x16880] =	vst v63  }
0xff: {  	s13 =	simm.s32 $0x2800  }
0x100: {  	[tilespmem:s13], [sflag:$0x1] =	stream.linear.gather [hbm4b:s23+s9], $0x200, $0x38;
	[tilespmem:$0x16880] =	vst v63  }
0x101: {  	s18 =	sadd.s32 $0xF780, s23;
	s25 =	simm.s32 $0x3200  }
0x102: {  	[tilespmem:s25], [sflag:$0x1] =	stream.linear.gather [hbm4b:s18+s9], $0x200, $0x38;
	[tilespmem:$0x16880] =	vst v63  }
.Ltmp2:
0x103: {  	_ = 	snop;
	(pc) =	sbr.rel .LBB2_7-.Ltmp2, $4  }
0x104: {  	s26 =	rddreg [dreg:$0x12];
	s28 =	simm.s32 $0xAA00  }
0x105: {  	[tilespmem:s28], [sflag:$0x1] =	stream.linear.gather [hbm4b:s26+s9], $0x100, $0x38;
	[tilespmem:$0x16880] =	vst v63  }
0x106: {  	s31 =	rddreg [dreg:$0x13]  }
0x107: {  	[tilespmem:s14], [sflag:$0x1] =	stream.linear.gather [hbm4b:s31+s9], $0x100, $0x38;
	[tilespmem:$0x16880] =	vst v63  }
.LBB2_5:
0x108: {  	s7 =	rddreg [dreg:$0x10]  }
0x109: {  	s7 =	sadd.s32 s28, s7  }
0x10a: {  	s11 =	sshll.u32 s7, $0x5  }
0x10b: {  	s13 =	simm.s32 $0x3C00;
	s12 =	sadd.s32 s3, s11  }
0x10c: {  	[tilespmem:s13], [sflag:$0x1] =	stream.strided.gather [hbm4b:s12+s29], $0x3700, s30, s29, $0x38;
	[tilespmem:$0x16880] =	vst v63  }
0x10d: {  	s28 =	simm.s32 $0x7300;
	s7 =	sshll.u32 s7, $0x6;
	s26 =	sadd.s32 s5, s11  }
0x10e: {  	[tilespmem:s28], [sflag:$0x1] =	stream.strided.gather [hbm4b:s26+s29], $0x3700, s30, s29, $0x38;
	[tilespmem:$0x16880] =	vst v63  }
0x10f: {  	s31 =	sadd.s32 s0, s7  }
0x110: {  	[tilespmem:s9], [sflag:$0x1] =	stream.strided.gather [hbm4b:s31+s2], $0x1400, s10, s2, $0x38;
	[tilespmem:$0x16880] =	vst v63  }
0x111: {  	s18 =	simm.s32 $0x1400;
	s13 =	sadd.s32 s1, s7  }
0x112: {  	[tilespmem:s18], [sflag:$0x1] =	stream.strided.gather [hbm4b:s13+s2], $0x1400, s10, s2, $0x38;
	[tilespmem:$0x16880] =	vst v63  }
0x113: {  	s25 =	simm.s32 $0x2800;
	s7 =	sadd.s32 s4, s7  }
0x114: {  	[tilespmem:s25], [sflag:$0x1] =	stream.strided.gather [hbm4b:s7+s2], $0x1400, s10, s2, $0x38;
	[tilespmem:$0x16880] =	vst v63  }
0x115: {  	s26 =	sadd.s32 s6, s11;
	s28 =	simm.s32 $0xAA00  }
0x116: {  	[tilespmem:s28], [sflag:$0x1] =	stream.linear.gather [hbm4b:s26+s9], $0x500, $0x38;
	[tilespmem:$0x16880] =	vst v63  }
0x117: {  	s31 =	sadd.s32 s8, s11  }
0x118: {  	[tilespmem:s14], [sflag:$0x1] =	stream.linear.gather [hbm4b:s31+s9], $0x500, $0x38;
	[tilespmem:$0x16880] =	vst v63  }
.LBB2_7:
0x119: {  	_ =	swait.ge [sflag:s16], $0x3700  }
0x11a: {  	[sflag:s16] =	ssyncset.done $0x0  }
0x11b: {  	[sflag:s16] =	ssyncadd.s32 $0xFFFFC900  }
0x11c: {  	_ =	swait.ge [sflag:s16], $0x3700  }
0x11d: {  	[sflag:s16] =	ssyncset.done $0x0  }
0x11e: {  	[sflag:s16] =	ssyncadd.s32 $0xFFFFC900  }
0x11f: {  	_ =	swait.ge [sflag:s16], $0x1400  }
0x120: {  	[sflag:s16] =	ssyncset.done $0x0  }
0x121: {  	[sflag:s16] =	ssyncadd.s32 $0xFFFFEC00  }
0x122: {  	_ =	swait.ge [sflag:s16], $0x1400  }
0x123: {  	[sflag:s16] =	ssyncset.done $0x0  }
0x124: {  	[sflag:s16] =	ssyncadd.s32 $0xFFFFEC00  }
0x125: {  	_ =	swait.ge [sflag:s16], $0x1400  }
0x126: {  	[sflag:s16] =	ssyncset.done $0x0  }
0x127: {  	[sflag:s16] =	ssyncadd.s32 $0xFFFFEC00  }
0x128: {  	_ =	swait.ge [sflag:s16], $0x500  }
0x129: {  	s7 =	simm.s32 $0x0;
	[sflag:s16] =	ssyncset.done $0x0  }
0x12a: {  	s26 =	simm.s32 $0x0;
	s7 =	sand.u32 $0x1, s7;
	[sflag:s16] =	ssyncadd.s32 $0xFFFFFB00  }
0x12b: {  	s11 =	sand.u32 $0x70, s26;
	s12 =	sshll.u32 s7, $0x7;
	_ =	swait.ge [sflag:s16], $0x500  }
0x12c: {  	s13 =	simm.s32 $0x0;
	s12 =	sor.u32 s11, s12;
	[sflag:s16] =	ssyncset.done $0x0  }
0x12d: {  	s18 =	sor.u32 s13, s12;
	[sflag:s16] =	ssyncadd.s32 $0xFFFFFB00  }
0x12e: {  	v7 =	vld [tilespmem:s18+$0x15900]  }
0x12f: {  	s7 =	smul.u32 $0xA00, s7;
	v13 =	vld [tilespmem:s18+$0x11D00]  }
0x130: {  	v8 =	vld [tilespmem:s18+$0x13600]  }
0x131: {  	s7 =	sadd.s32 $0x0, s7;
	v6 =	vld [tilespmem:s18+$0x16300]  }
0x132: {  	s25 =	sor.u32 s11, s7;
	v10 =	vld [tilespmem:s18+$0x11800]  }
0x133: {  	v9 =	vld [tilespmem:s25+$0xB580]  }
0x134: {  	v16 =	vld [tilespmem:s18+$0x15400]  }
0x135: {  	v15 =	vld [tilespmem:s25+$0xDD80]  }
0x136: {  	v12 =	vld [tilespmem:s25+$0xB500]  }
0x137: {  	v5 =	vld [tilespmem:s18+$0x14A00]  }
0x138: {  	v11 =	vld [tilespmem:s18+$0x14000]  }
0x139: {  	v17 =	vld [tilespmem:s18+$0x14F00]  }
0x13a: {  	v19 =	vld [tilespmem:s18+$0x13B00]  }
0x13b: {  	v18 =	vld [tilespmem:s25+$0xC900]  }
0x13c: {  	v14 =	vld [tilespmem:s18+$0x11300]  }
0x13d: {  	v20 =	vld [tilespmem:s18+$0x10400]  }
0x13e: {  	v24 =	vld [tilespmem:s18+$0x14500]  }
0x13f: {  	v25 =	vld [tilespmem:s18+$0x10E00]  }
0x140: {  	v21 =	vld [tilespmem:s25+$0xDC80]  }
0x141: {  	v23 =	vld [tilespmem:s25+$0xC880]  }
0x142: {  	v22 =	vld [tilespmem:s25+$0xC980];
	vm0 =	vgt.s32 v6, $0x0;
	v26 =	vsub.f32 v14, v5  }
0x143: {  	v14 =	vld [tilespmem:s25+$0xDC00];
	v27 =	vsub.f32 v20, v19;
	v5 =	vsel vm0, $0x3F800000, v1;
	vm0 =	veq.s32 v6, $0x2  }
0x144: {  	v29 =	vsub.f32 v25, v24;
	v24 =	vld [tilespmem:s18+$0xF000];
	v2 =	vadd.f32 v5, v2;
	v9 =	vsel vm0, v12, v9  }
0x145: {  	v19 =	vand.u32 $0x7FFFFFFF, v26;
	v26 =	vld [tilespmem:s25+$0xDD00];
	v28 =	vand.u32 $0x7FFFFFFF, v27;
	vm0 =	veq.s32 v6, $0x0  }
0x146: {  	v25 =	vld [tilespmem:s18+$0x12700];
	v27 =	vsub.f32 v10, v17;
	v10 =	vand.u32 $0x7FFFFFFF, v29;
	v30 =	vmin.f32 v28, $1.111111120e-01  }
0x147: {  	s28 =	simm.s32 $0x1;
	v12 =	vld [tilespmem:s25+$0xB480];
	v20 =	vmin.f32 v19, $1.111111120e-01;
	v17 =	vsub.f32 v28, v30;
	v28 =	vmul.f32 v30, v30  }
.LBB2_8:
0x148: {  	p0 =	sne.s32 s28, $0x4F  }
0x149: {  	v21 =	vsub.f32 v23, v21;
	v23 =	vld [tilespmem:s18+$0xF500];
	v29 =	vmul.f32 v20, v20;
	v13 =	vsub.f32 v13, v16;
	s26 =	sadd.s32 $0x10, s26;
	s7 =	smov.u32 s28;
	s28 =	sadd.s32 $0x1, s28  }
0x14a: {  	v15 =	vsub.f32 v22, v15;
	v22 =	vand.u32 $0x7FFFFFFF, v27;
	v16 =	vsub.f32 v18, v26;
	v18 =	vld [tilespmem:s18+$0x12C00]  }
0x14b: {  	vm1 =	veq.s32 v6, $0x1;
	v26 =	vmul.f32 $4.500000000e+00, v28;
	v6 =	vld [tilespmem:s18+$0xFA00];
	v27 =	vmul.f32 $4.500000000e+00, v29  }
0x14c: {  	v29 =	vmin.f32 v22, $1.111111120e-01;
	v13 =	vand.u32 $0x7FFFFFFF, v13;
	v28 =	vld [tilespmem:s25+$0xB400];
	v16 =	vand.u32 $0x7FFFFFFF, v16  }
0x14d: {  	v30 =	vmin.f32 v16, $1.111111120e-01;
	v24 =	vsub.f32 v24, v25;
	v25 =	vmul.f32 v29, v29;
	v31 =	vld [tilespmem:s18+$0x12200]  }
0x14e: {  	v19 =	vsub.f32 v19, v20;
	v15 =	vand.u32 $0x7FFFFFFF, v15;
	v20 =	vmin.f32 v13, $1.111111120e-01;
	v32 =	vld [tilespmem:s18+$0xFF00]  }
0x14f: {  	v9 =	vsel vm1, v12, v9;
	v12 =	vsub.f32 v16, v30;
	v16 =	vmul.f32 v30, v30;
	v30 =	vld [tilespmem:s18+$0x10900]  }
0x150: {  	v22 =	vsub.f32 v22, v29;
	v24 =	vand.u32 $0x7FFFFFFF, v24;
	v25 =	vmul.f32 $4.500000000e+00, v25;
	v33 =	vld [tilespmem:s25+$0xC800]  }
0x151: {  	v9 =	vsel vm0, v28, v9;
	v28 =	vmul.f32 $4.500000000e+00, v16;
	v16 =	vmin.f32 v24, $1.111111120e-01;
	v29 =	vld [tilespmem:s18+$0x13100]  }
0x152: {  	v34 =	vmin.f32 v15, $1.111111120e-01;
	v22 =	vadd.f32 v25, v22;
	v7 =	vsub.f32 v31, v7  }
0x153: {  	v3 =	vadd.f32 v9, v3;
	v9 =	vmul.f32 v34, v34;
	v8 =	vsub.f32 v32, v8  }
0x154: {  	v13 =	vsub.f32 v13, v20;
	v11 =	vsub.f32 v30, v11;
	v7 =	vand.u32 $0x7FFFFFFF, v7  }
0x155: {  	v17 =	vadd.f32 v26, v17;
	v14 =	vsub.f32 v33, v14;
	v8 =	vand.u32 $0x7FFFFFFF, v8  }
0x156: {  	v24 =	vsub.f32 v24, v16;
	v16 =	vmul.f32 v16, v16;
	v11 =	vand.u32 $0x7FFFFFFF, v11  }
0x157: {  	v25 =	vsub.f32 v15, v34;
	v9 =	vmul.f32 $4.500000000e+00, v9;
	v15 =	vmin.f32 v11, $1.111111120e-01  }
0x158: {  	v18 =	vsub.f32 v23, v18;
	v23 =	vmin.f32 v7, $1.111111120e-01;
	v11 =	vsub.f32 v11, v15  }
0x159: {  	v26 =	vmin.f32 v8, $1.111111120e-01;
	v30 =	vsub.f32 v7, v23;
	v23 =	vmul.f32 v23, v23  }
0x15a: {  	v18 =	vand.u32 $0x7FFFFFFF, v18;
	v7 =	vmul.f32 v20, v20;
	v31 =	vsub.f32 v8, v26  }
0x15b: {  	s11 =	sshrl.u32 s7, $0x3;
	v8 =	vmin.f32 v18, $1.111111120e-01;
	v20 =	vmul.f32 v26, v26  }
0x15c: {  	s7 =	sshrl.u32 s7, $0x4;
	s11 =	sand.u32 $0x1, s11;
	v21 =	vand.u32 $0x7FFFFFFF, v21;
	v15 =	vmul.f32 v15, v15;
	v7 =	vmul.f32 $4.500000000e+00, v7  }
0x15d: {  	s12 =	sand.u32 $0x70, s26;
	s13 =	sshll.u32 s11, $0x7;
	s11 =	smul.u32 $0xA00, s11;
	v19 =	vadd.f32 v27, v19;
	v6 =	vsub.f32 v6, v29  }
0x15e: {  	s13 =	sor.u32 s12, s13;
	s25 =	sshll.u32 s7, $0x8;
	s7 =	sshll.u32 s7, $0x9;
	v16 =	vmul.f32 $4.500000000e+00, v16;
	v26 =	vmin.f32 v21, $1.111111120e-01;
	v13 =	vadd.f32 v7, v13  }
0x15f: {  	s7 =	sadd.s32 s7, s11;
	v33 =	vmin.f32 v10, $1.111111120e-01;
	v29 =	vmul.f32 v26, v26;
	v32 =	vand.u32 $0x7FFFFFFF, v6;
	v27 =	vld [tilespmem:s18+$0x15E00];
	s18 =	sor.u32 s25, s13  }
0x160: {  	v10 =	vsub.f32 v10, v33;
	v34 =	vmul.f32 v8, v8;
	v22 =	vadd.f32 v13, v22;
	s25 =	sor.u32 s12, s7;
	v7 =	vld [tilespmem:s18+$0x15900]  }
0x161: {  	v18 =	vsub.f32 v18, v8;
	v35 =	vmin.f32 v32, $1.111111120e-01;
	v15 =	vmul.f32 $4.500000000e+00, v15;
	v13 =	vld [tilespmem:s18+$0x11D00]  }
0x162: {  	v24 =	vadd.f32 v16, v24;
	v23 =	vmul.f32 $4.500000000e+00, v23;
	v16 =	vmul.f32 v35, v35;
	v8 =	vld [tilespmem:s18+$0x13600]  }
0x163: {  	v21 =	vsub.f32 v21, v26;
	v26 =	vmul.f32 $4.500000000e+00, v34;
	v11 =	vadd.f32 v15, v11;
	v6 =	vld [tilespmem:s18+$0x16300]  }
0x164: {  	v33 =	vmul.f32 v33, v33;
	v14 =	vand.u32 $0x7FFFFFFF, v14;
	v32 =	vsub.f32 v32, v35;
	v34 =	vld [tilespmem:s18+$0x11800]  }
0x165: {  	v36 =	vmin.f32 v14, $1.111111120e-01;
	v23 =	vadd.f32 v23, v30;
	v37 =	vmul.f32 $4.500000000e+00, v16;
	v35 =	vld [tilespmem:s25+$0xB580]  }
0x166: {  	v29 =	vmul.f32 $4.500000000e+00, v29;
	v18 =	vadd.f32 v26, v18;
	v17 =	vadd.f32 v11, v17;
	v16 =	vld [tilespmem:s18+$0x15400]  }
0x167: {  	v11 =	vmul.f32 v36, v36;
	v26 =	vadd.f32 v37, v32;
	v22 =	vadd.f32 v23, v22;
	v15 =	vld [tilespmem:s25+$0xDD80]  }
0x168: {  	v12 =	vadd.f32 v28, v12;
	v28 =	vmul.f32 $4.500000000e+00, v33;
	v14 =	vsub.f32 v14, v36;
	v23 =	vld [tilespmem:s25+$0xB500]  }
0x169: {  	v20 =	vmul.f32 $4.500000000e+00, v20;
	v24 =	vadd.f32 v18, v24;
	v32 =	vmul.f32 $4.500000000e+00, v11;
	v30 =	vld [tilespmem:s18+$0x14A00]  }
0x16a: {  	v9 =	vadd.f32 v9, v25;
	v10 =	vadd.f32 v28, v10;
	vm0 =	vgt.s32 v6, $0x0;
	v11 =	vld [tilespmem:s18+$0x14000]  }
0x16b: {  	v20 =	vadd.f32 v20, v31;
	v21 =	vadd.f32 v29, v21;
	v25 =	vld [tilespmem:s18+$0x14F00]  }
0x16c: {  	v10 =	vadd.f32 v19, v10;
	v14 =	vadd.f32 v32, v14;
	v28 =	vld [tilespmem:s18+$0x13B00]  }
0x16d: {  	v12 =	vadd.f32 v9, v12;
	v9 =	vadd.f32 v20, v26;
	v18 =	vld [tilespmem:s25+$0xC900]  }
0x16e: {  	v10 =	vadd.f32 v10, v17;
	v14 =	vadd.f32 v21, v14;
	v19 =	vsel vm0, $0x3F800000, v1;
	v20 =	vld [tilespmem:s18+$0x11300]  }
0x16f: {  	v17 =	vadd.f32 v9, v24;
	vm0 =	veq.s32 v6, $0x2;
	v2 =	vadd.f32 v19, v2;
	v21 =	vld [tilespmem:s25+$0xDC80]  }
0x170: {  	v10 =	vadd.f32 v22, v10;
	v12 =	vadd.f32 v12, v14;
	v9 =	vsel vm0, v23, v35;
	v24 =	vld [tilespmem:s18+$0x10400]  }
0x171: {  	v29 =	vld [tilespmem:s18+$0x14500]  }
0x172: {  	v12 =	vadd.f32 v17, v12;
	v31 =	vld [tilespmem:s18+$0x10E00]  }
0x173: {  	v23 =	vld [tilespmem:s25+$0xC880];
	v17 =	vsub.f32 v20, v30  }
0x174: {  	v27 =	vmul.f32 v5, v27;
	v10 =	vadd.f32 v10, v12;
	v5 =	vmov v19;
	v22 =	vld [tilespmem:s25+$0xC980]  }
.Ltmp3:
0x175: {  	v14 =	vld [tilespmem:s25+$0xDC00];
	v24 =	vsub.f32 v24, v28;
	v19 =	vand.u32 $0x7FFFFFFF, v17;
	(pc) =	sbr.rel @p0 .LBB2_8-.Ltmp3, $4  }
0x176: {  	v10 =	vmul.f32 v10, v27;
	v26 =	vld [tilespmem:s25+$0xDD00];
	v20 =	vmin.f32 v19, $1.111111120e-01  }
0x177: {  	vm0 =	veq.s32 v6, $0x0;
	v12 =	vld [tilespmem:s25+$0xB480];
	v17 =	vand.u32 $0x7FFFFFFF, v24;
	v29 =	vsub.f32 v31, v29  }
0x178: {  	v4 =	vadd.f32 v10, v4;
	v27 =	vsub.f32 v34, v25;
	v24 =	vld [tilespmem:s18+$0xF000];
	v28 =	vmin.f32 v17, $1.111111120e-01  }
0x179: {  	v25 =	vld [tilespmem:s18+$0x12700];
	v17 =	vsub.f32 v17, v28;
	v28 =	vmul.f32 v28, v28;
	v10 =	vand.u32 $0x7FFFFFFF, v29  }
0x17a: {  	v21 =	vsub.f32 v23, v21;
	v57 =	vmul.f32 v20, v20;
	v13 =	vsub.f32 v13, v16  }
0x17b: {  	v15 =	vsub.f32 v22, v15;
	v58 =	vand.u32 $0x7FFFFFFF, v27;
	v19 =	vsub.f32 v19, v20  }
0x17c: {  	v52 =	vmin.f32 v10, $1.111111120e-01;
	v18 =	vsub.f32 v18, v26;
	v59 =	vmul.f32 $4.500000000e+00, v28  }
0x17d: {  	v60 =	vld [tilespmem:s18+$0x12200];
	v27 =	vmin.f32 v58, $1.111111120e-01;
	v10 =	vsub.f32 v10, v52;
	v23 =	vmul.f32 $4.500000000e+00, v57  }
0x17e: {  	v29 =	vld [tilespmem:s18+$0xFF00];
	v13 =	vand.u32 $0x7FFFFFFF, v13;
	v62 =	vmul.f32 v27, v27;
	v15 =	vand.u32 $0x7FFFFFFF, v15  }
0x17f: {  	v30 =	vld [tilespmem:s18+$0x10900];
	v16 =	vsub.f32 v58, v27;
	v21 =	vand.u32 $0x7FFFFFFF, v21;
	v57 =	vmul.f32 v52, v52  }
0x180: {  	v32 =	vld [tilespmem:s25+$0xC800];
	v18 =	vand.u32 $0x7FFFFFFF, v18;
	v63 =	vmin.f32 v13, $1.111111120e-01;
	v39 =	vmin.f32 v15, $1.111111120e-01  }
0x181: {  	v36 =	vld [tilespmem:s18+$0xF500];
	v17 =	vadd.f32 v59, v17;
	v49 =	vmin.f32 v21, $1.111111120e-01;
	v61 =	vmin.f32 v18, $1.111111120e-01  }
0x182: {  	v33 =	vld [tilespmem:s18+$0x12C00];
	v24 =	vsub.f32 v24, v25;
	v25 =	vmul.f32 $4.500000000e+00, v62;
	v13 =	vsub.f32 v13, v63  }
0x183: {  	v40 =	vmul.f32 v39, v39;
	v15 =	vsub.f32 v15, v39;
	v19 =	vadd.f32 v23, v19  }
0x184: {  	v20 =	vmul.f32 v63, v63;
	v21 =	vsub.f32 v21, v49;
	v18 =	vsub.f32 v18, v61  }
0x185: {  	v51 =	vmul.f32 v49, v49;
	v7 =	vsub.f32 v60, v7;
	v8 =	vsub.f32 v29, v8  }
0x186: {  	v31 =	vmul.f32 v61, v61;
	v11 =	vsub.f32 v30, v11;
	v14 =	vsub.f32 v32, v14  }
0x187: {  	v42 =	vld [tilespmem:s18+$0xFA00];
	v27 =	vsub.f32 v36, v33;
	v24 =	vand.u32 $0x7FFFFFFF, v24;
	v26 =	vmul.f32 $4.500000000e+00, v40  }
0x188: {  	v44 =	vld [tilespmem:s18+$0x13100];
	v16 =	vadd.f32 v25, v16;
	v20 =	vmul.f32 $4.500000000e+00, v20;
	v37 =	vmul.f32 $4.500000000e+00, v31  }
0x189: {  	v38 =	vmin.f32 v24, $1.111111120e-01;
	v7 =	vand.u32 $0x7FFFFFFF, v7;
	v8 =	vand.u32 $0x7FFFFFFF, v8  }
0x18a: {  	v11 =	vand.u32 $0x7FFFFFFF, v11;
	v27 =	vand.u32 $0x7FFFFFFF, v27;
	v14 =	vand.u32 $0x7FFFFFFF, v14  }
0x18b: {  	v41 =	vsub.f32 v24, v38;
	v43 =	vmul.f32 v38, v38;
	v45 =	vmin.f32 v11, $1.111111120e-01  }
0x18c: {  	v46 =	vmin.f32 v7, $1.111111120e-01;
	v47 =	vmin.f32 v8, $1.111111120e-01;
	v48 =	vmin.f32 v27, $1.111111120e-01  }
0x18d: {  	v24 =	vsub.f32 v42, v44;
	v13 =	vadd.f32 v20, v13;
	v58 =	vmin.f32 v14, $1.111111120e-01  }
0x18e: {  	v20 =	vmul.f32 $4.500000000e+00, v51;
	v15 =	vadd.f32 v26, v15;
	v11 =	vsub.f32 v11, v45  }
0x18f: {  	v7 =	vsub.f32 v7, v46;
	v31 =	vmul.f32 v46, v46;
	v32 =	vmul.f32 v47, v47  }
0x190: {  	v8 =	vsub.f32 v8, v47;
	v30 =	vmul.f32 v45, v45;
	v53 =	vmul.f32 v48, v48  }
0x191: {  	v27 =	vsub.f32 v27, v48;
	v59 =	vmul.f32 v58, v58;
	v14 =	vsub.f32 v14, v58  }
0x192: {  	v18 =	vadd.f32 v37, v18;
	v50 =	vmul.f32 $4.500000000e+00, v43;
	v24 =	vand.u32 $0x7FFFFFFF, v24  }
0x193: {  	v13 =	vadd.f32 v13, v16;
	v20 =	vadd.f32 v20, v21;
	v30 =	vmul.f32 $4.500000000e+00, v30  }
0x194: {  	v54 =	vmin.f32 v24, $1.111111120e-01;
	v31 =	vmul.f32 $4.500000000e+00, v31;
	v16 =	vmul.f32 $4.500000000e+00, v53  }
0x195: {  	v60 =	vmul.f32 $4.500000000e+00, v32;
	v15 =	vadd.f32 v15, v18;
	v22 =	vadd.f32 v50, v41  }
0x196: {  	v55 =	vmul.f32 v54, v54;
	v56 =	vsub.f32 v24, v54;
	v11 =	vadd.f32 v30, v11  }
0x197: {  	v24 =	vmul.f32 $4.500000000e+00, v57;
	v7 =	vadd.f32 v31, v7;
	v16 =	vadd.f32 v16, v27  }
0x198: {  	v25 =	vmul.f32 $4.500000000e+00, v55;
	v11 =	vadd.f32 v11, v17;
	v17 =	vmul.f32 $4.500000000e+00, v59  }
0x199: {  	v8 =	vadd.f32 v60, v8;
	v10 =	vadd.f32 v24, v10  }
0x19a: {  	v23 =	vadd.f32 v25, v56;
	v14 =	vadd.f32 v17, v14  }
0x19b: {  	v16 =	vadd.f32 v16, v22;
	v10 =	vadd.f32 v19, v10  }
0x19c: {  	v8 =	vadd.f32 v8, v23;
	v14 =	vadd.f32 v20, v14  }
0x19d: {  	v61 =	vld [tilespmem:s18+$0x15E00];
	v7 =	vadd.f32 v7, v13;
	v10 =	vadd.f32 v10, v11  }
0x19e: {  	v8 =	vadd.f32 v8, v16;
	v62 =	vadd.f32 v15, v14;
	_ =	sdelay $0x1  }
0x19f: {  	s21 =	sadd.s32 $0x1, s21;
	v63 =	vld [tilespmem:s25+$0xB400];
	v7 =	vadd.f32 v7, v10;
	v8 =	vadd.f32 v8, v62  }
0x1a0: {  	p0 =	sne.s32 s21, $0x3  }
.Ltmp4:
0x1a1: {  	v5 =	vmul.f32 v5, v61;
	v7 =	vadd.f32 v7, v8;
	(pc) =	sbr.rel @p0 .LBB2_2-.Ltmp4, $4  }
0x1a2: {  	vm1 =	veq.s32 v6, $0x1  }
0x1a3: {  	v6 =	vsel vm1, v12, v9;
	v5 =	vmul.f32 v7, v5  }
0x1a4: {  	v6 =	vsel vm0, v63, v6  }
0x1a5: {  	v3 =	vadd.f32 v6, v3;
	v4 =	vadd.f32 v5, v4  }
0x1a6: {  	_ =	swait.ge [sflag:s15], $0xB00  }
0x1a7: {  	[sflag:s15] =	ssyncset.done $0x0  }
0x1a8: {  	[sflag:s15] =	ssyncadd.s32 $0xFFFFF500  }
0x1a9: {  	_ =	swait.ge [sflag:s15], $0xB00  }
0x1aa: {  	[sflag:s15] =	ssyncset.done $0x0  }
0x1ab: {  	[sflag:s15] =	ssyncadd.s32 $0xFFFFF500  }
0x1ac: {  	_ =	swait.ge [sflag:s15], $0x400  }
0x1ad: {  	[sflag:s15] =	ssyncset.done $0x0  }
0x1ae: {  	[sflag:s15] =	ssyncadd.s32 $0xFFFFFC00  }
0x1af: {  	_ =	swait.ge [sflag:s15], $0x400  }
0x1b0: {  	[sflag:s15] =	ssyncset.done $0x0  }
0x1b1: {  	[sflag:s15] =	ssyncadd.s32 $0xFFFFFC00  }
0x1b2: {  	_ =	swait.ge [sflag:s15], $0x400  }
0x1b3: {  	[sflag:s15] =	ssyncset.done $0x0  }
0x1b4: {  	[sflag:s15] =	ssyncadd.s32 $0xFFFFFC00  }
0x1b5: {  	_ =	swait.ge [sflag:s15], $0x100  }
0x1b6: {  	[sflag:s15] =	ssyncset.done $0x0  }
0x1b7: {  	[sflag:s15] =	ssyncadd.s32 $0xFFFFFF00  }
0x1b8: {  	s21 =	simm.s32 $0x0;
	_ =	swait.ge [sflag:s15], $0x100  }
0x1b9: {  	s11 =	simm.s32 $0x0;
	s7 =	sand.u32 $0x70, s21;
	[sflag:s15] =	ssyncset.done $0x0  }
0x1ba: {  	s18 =	sor.u32 s7, s11;
	[sflag:s15] =	ssyncadd.s32 $0xFFFFFF00  }
0x1bb: {  	v5 =	vld [tilespmem:s18+$0x6E00]  }
0x1bc: {  	v6 =	vld [tilespmem:s18+$0xA500]  }
0x1bd: {  	v7 =	vld [tilespmem:s18+$0x3C00]  }
0x1be: {  	v8 =	vld [tilespmem:s18+$0x7300]  }
0x1bf: {  	v9 =	vld [tilespmem:s18+$0x4100]  }
0x1c0: {  	v10 =	vld [tilespmem:s18+$0x7800]  }
0x1c1: {  	v11 =	vld [tilespmem:s18+$0x4600]  }
0x1c2: {  	v12 =	vld [tilespmem:s18+$0x7D00]  }
0x1c3: {  	v13 =	vld [tilespmem:s18+$0x4B00]  }
0x1c4: {  	v14 =	vld [tilespmem:s18+$0x8200]  }
0x1c5: {  	v15 =	vld [tilespmem:s18+$0x5000]  }
0x1c6: {  	v16 =	vld [tilespmem:s18+$0x8700]  }
0x1c7: {  	v17 =	vld [tilespmem:s18+$0x5500]  }
0x1c8: {  	v18 =	vld [tilespmem:s18+$0x8C00]  }
0x1c9: {  	v19 =	vld [tilespmem:s18+$0x5A00]  }
0x1ca: {  	v20 =	vld [tilespmem:s18+$0x9100]  }
0x1cb: {  	v21 =	vld [tilespmem:s18+$0x5F00]  }
0x1cc: {  	v22 =	vld [tilespmem:s18+$0x9600]  }
0x1cd: {  	s31 =	simm.s32 $0x0;
	v23 =	vld [tilespmem:s18+$0x6400]  }
0x1ce: {  	s11 =	smul.u32 $0xA00, s31;
	v24 =	vld [tilespmem:s18+$0x9B00]  }
0x1cf: {  	v25 =	vld [tilespmem:s18+$0x6900]  }
0x1d0: {  	s7 =	sor.u32 s7, s11;
	v26 =	vld [tilespmem:s18+$0xA000]  }
0x1d1: {  	v27 =	vld [tilespmem:s7+$0x1400];
	v7 =	vsub.f32 v7, v8  }
0x1d2: {  	v28 =	vld [tilespmem:s7+$0x2800];
	v6 =	vsub.f32 v5, v6;
	v9 =	vsub.f32 v9, v10  }
0x1d3: {  	v10 =	vsub.f32 v11, v12;
	v12 =	vsub.f32 v13, v14  }
0x1d4: {  	v14 =	vsub.f32 v15, v16;
	v15 =	vsub.f32 v17, v18  }
0x1d5: {  	v17 =	vsub.f32 v19, v20;
	v18 =	vsub.f32 v21, v22  }
0x1d6: {  	s11 =	sadd.s32 $0x0, s11;
	v29 =	vld [tilespmem:s7+$0x1500];
	v20 =	vsub.f32 v23, v24;
	v21 =	vsub.f32 v25, v26  }
0x1d7: {  	s12 =	sor.u32 $0x80, s11;
	v8 =	vld [tilespmem:s7+$0x2900];
	v5 =	vimm.f32 $0.0e+00;
	v25 =	vsub.f32 v27, v28;
	v6 =	vand.u32 $0x7FFFFFFF, v6  }
0x1d8: {  	v11 =	vld [tilespmem:s12+$0x1400];
	v7 =	vand.u32 $0x7FFFFFFF, v7;
	v9 =	vand.u32 $0x7FFFFFFF, v9;
	v10 =	vand.u32 $0x7FFFFFFF, v10  }
0x1d9: {  	s11 =	sor.u32 $0x180, s11;
	v13 =	vld [tilespmem:s12+$0x2800];
	v12 =	vand.u32 $0x7FFFFFFF, v12;
	v27 =	vand.u32 $0x7FFFFFFF, v14;
	v28 =	vand.u32 $0x7FFFFFFF, v15  }
0x1da: {  	v16 =	vld [tilespmem:s11+$0x1400];
	v30 =	vand.u32 $0x7FFFFFFF, v18;
	v38 =	vand.u32 $0x7FFFFFFF, v20;
	v24 =	vand.u32 $0x7FFFFFFF, v21  }
0x1db: {  	v19 =	vld [tilespmem:s11+$0x2800];
	v26 =	vand.u32 $0x7FFFFFFF, v25;
	v18 =	vmin.f32 v9, $1.111111120e-01;
	v21 =	vmin.f32 v10, $1.111111120e-01  }
0x1dc: {  	v34 =	vmin.f32 v12, $1.111111120e-01;
	v39 =	vmin.f32 v27, $1.111111120e-01;
	v40 =	vmin.f32 v28, $1.111111120e-01  }
0x1dd: {  	v37 =	vmin.f32 v30, $1.111111120e-01;
	v32 =	vmin.f32 v38, $1.111111120e-01;
	v15 =	vsub.f32 v9, v18  }
0x1de: {  	v31 =	vmin.f32 v24, $1.111111120e-01;
	v14 =	vsub.f32 v12, v34;
	v12 =	vsub.f32 v28, v40  }
0x1df: {  	v28 =	vmul.f32 v18, v18;
	v33 =	vmul.f32 v21, v21;
	v8 =	vsub.f32 v29, v8  }
0x1e0: {  	v29 =	vand.u32 $0x7FFFFFFF, v17;
	v23 =	vsub.f32 v11, v13;
	v22 =	vsub.f32 v16, v19  }
0x1e1: {  	v11 =	vmin.f32 v7, $1.111111120e-01;
	v19 =	vmin.f32 v6, $1.111111120e-01;
	v17 =	vsub.f32 v10, v21  }
0x1e2: {  	v16 =	vsub.f32 v27, v39;
	v21 =	vsub.f32 v38, v32;
	v36 =	vmin.f32 v29, $1.111111120e-01  }
0x1e3: {  	v9 =	vld [tilespmem:s7+$0x0];
	v13 =	vsub.f32 v6, v19;
	v20 =	vsub.f32 v7, v11;
	v27 =	vmul.f32 v19, v19  }
0x1e4: {  	v10 =	vld [tilespmem:s12+$0x0];
	v35 =	vmul.f32 v11, v11;
	v19 =	vsub.f32 v30, v37;
	v30 =	vmul.f32 v40, v40  }
0x1e5: {  	v11 =	vld [tilespmem:s7+$0x100];
	v6 =	vimm.f32 $0.0e+00;
	v7 =	vimm.f32 $0.0e+00;
	v25 =	vand.u32 $0x7FFFFFFF, v8  }
0x1e6: {  	s25 =	simm.s32 $0x1;
	v8 =	vld [tilespmem:s11+$0x0];
	v18 =	vsub.f32 v29, v36;
	v29 =	vmul.f32 v34, v34;
	v34 =	vmul.f32 v39, v39  }
.LBB2_11:
0x1e7: {  	s28 =	sshrl.u32 s25, $0x3;
	p0 =	sne.s32 s25, $0xF;
	v36 =	vmul.f32 v36, v36;
	v37 =	vmul.f32 v37, v37;
	v24 =	vsub.f32 v24, v31;
	s21 =	sadd.s32 $0x10, s21  }
0x1e8: {  	v39 =	vmin.f32 v26, $1.111111120e-01;
	v32 =	vmul.f32 v32, v32;
	v31 =	vmul.f32 v31, v31;
	s26 =	sand.u32 $0x70, s21;
	s7 =	sshll.u32 s28, $0x7;
	v38 =	vld [tilespmem:s18+$0xAA00]  }
0x1e9: {  	v23 =	vand.u32 $0x7FFFFFFF, v23;
	v41 =	vmin.f32 v25, $1.111111120e-01;
	v22 =	vand.u32 $0x7FFFFFFF, v22;
	v40 =	vld [tilespmem:s18+$0xAF00];
	s18 =	sor.u32 s26, s7  }
0x1ea: {  	v26 =	vsub.f32 v26, v39;
	v39 =	vmul.f32 v39, v39;
	v43 =	vmul.f32 v41, v41;
	v42 =	vld [tilespmem:s18+$0x6E00]  }
0x1eb: {  	v35 =	vmul.f32 $4.500000000e+00, v35;
	v27 =	vmul.f32 $4.500000000e+00, v27;
	v25 =	vsub.f32 v25, v41;
	v44 =	vld [tilespmem:s18+$0xA500]  }
0x1ec: {  	v28 =	vmul.f32 $4.500000000e+00, v28;
	v33 =	vmul.f32 $4.500000000e+00, v33;
	v45 =	vmin.f32 v23, $1.111111120e-01;
	v41 =	vld [tilespmem:s18+$0x3C00]  }
0x1ed: {  	v29 =	vmul.f32 $4.500000000e+00, v29;
	v47 =	vmin.f32 v22, $1.111111120e-01;
	v34 =	vmul.f32 $4.500000000e+00, v34;
	v46 =	vld [tilespmem:s18+$0x7300]  }
0x1ee: {  	v30 =	vmul.f32 $4.500000000e+00, v30;
	v23 =	vsub.f32 v23, v45;
	v36 =	vmul.f32 $4.500000000e+00, v36;
	v48 =	vld [tilespmem:s18+$0x4100]  }
0x1ef: {  	v22 =	vsub.f32 v22, v47;
	v37 =	vmul.f32 $4.500000000e+00, v37;
	v32 =	vmul.f32 $4.500000000e+00, v32;
	v49 =	vld [tilespmem:s18+$0x7800]  }
0x1f0: {  	v20 =	vadd.f32 v35, v20;
	v31 =	vmul.f32 $4.500000000e+00, v31;
	v13 =	vadd.f32 v27, v13;
	v50 =	vld [tilespmem:s18+$0x4600]  }
0x1f1: {  	v35 =	vmul.f32 v45, v45;
	v15 =	vadd.f32 v28, v15;
	v17 =	vadd.f32 v33, v17;
	v27 =	vld [tilespmem:s18+$0x7D00]  }
0x1f2: {  	v33 =	vmul.f32 v47, v47;
	v14 =	vadd.f32 v29, v14;
	v16 =	vadd.f32 v34, v16;
	v28 =	vld [tilespmem:s18+$0x4B00]  }
0x1f3: {  	v34 =	vmul.f32 $4.500000000e+00, v39;
	v12 =	vadd.f32 v30, v12;
	v18 =	vadd.f32 v36, v18;
	v29 =	vld [tilespmem:s18+$0x8200]  }
0x1f4: {  	v36 =	vmul.f32 $4.500000000e+00, v43;
	v19 =	vadd.f32 v37, v19;
	v21 =	vadd.f32 v32, v21;
	v30 =	vld [tilespmem:s18+$0x5000]  }
0x1f5: {  	v24 =	vadd.f32 v31, v24;
	v26 =	vadd.f32 v34, v26;
	v34 =	vmul.f32 $4.500000000e+00, v35;
	v32 =	vld [tilespmem:s18+$0x8700]  }
0x1f6: {  	v33 =	vmul.f32 $4.500000000e+00, v33;
	v15 =	vadd.f32 v15, v20;
	v25 =	vadd.f32 v36, v25;
	v31 =	vld [tilespmem:s18+$0x5500]  }
0x1f7: {  	v14 =	vadd.f32 v14, v17;
	v12 =	vadd.f32 v12, v16;
	vm0 =	veq.s32 v40, $0x2;
	v20 =	vld [tilespmem:s18+$0x8C00]  }
0x1f8: {  	v17 =	vadd.f32 v33, v22;
	v8 =	vsel vm0, v11, v8;
	v11 =	vadd.f32 v34, v23;
	v16 =	vld [tilespmem:s18+$0x5A00]  }
0x1f9: {  	v18 =	vadd.f32 v19, v18;
	v19 =	vadd.f32 v24, v21;
	vm0 =	veq.s32 v40, $0x1;
	v22 =	vld [tilespmem:s18+$0x9100]  }
0x1fa: {  	v8 =	vsel vm0, v10, v8;
	v10 =	vadd.f32 v11, v26;
	v11 =	vadd.f32 v17, v25;
	v21 =	vld [tilespmem:s18+$0x5F00]  }
0x1fb: {  	v14 =	vadd.f32 v14, v15;
	v12 =	vadd.f32 v18, v12;
	vm0 =	veq.s32 v40, $0x0;
	v17 =	vld [tilespmem:s18+$0x9600]  }
0x1fc: {  	v8 =	vsel vm0, v9, v8;
	v9 =	vadd.f32 v11, v10;
	v10 =	vadd.f32 v13, v19;
	v15 =	vld [tilespmem:s18+$0x6400]  }
0x1fd: {  	s7 =	smul.u32 $0xA00, s28;
	v5 =	vadd.f32 v8, v5;
	v11 =	vld [tilespmem:s18+$0x9B00]  }
0x1fe: {  	vm0 =	vgt.s32 v40, $0x0;
	v9 =	vadd.f32 v14, v9;
	v10 =	vadd.f32 v10, v12;
	v8 =	vld [tilespmem:s18+$0x6900]  }
0x1ff: {  	s11 =	sor.u32 s26, s7;
	v13 =	vsel vm0, $0x3F800000, v1;
	v12 =	vld [tilespmem:s18+$0xA000]  }
0x200: {  	v18 =	vmul.f32 v13, v38;
	v6 =	vadd.f32 v13, v6;
	v9 =	vadd.f32 v10, v9;
	v14 =	vld [tilespmem:s11+$0x1400]  }
0x201: {  	v10 =	vld [tilespmem:s11+$0x2800]  }
0x202: {  	s7 =	sadd.s32 s7, s21;
	v23 =	vsub.f32 v42, v44;
	v19 =	vsub.f32 v41, v46;
	v9 =	vmul.f32 v9, v18;
	v13 =	vld [tilespmem:s11+$0x1500]  }
0x203: {  	s12 =	sor.u32 $0x80, s7;
	v24 =	vsub.f32 v48, v49;
	v25 =	vsub.f32 v50, v27;
	v18 =	vld [tilespmem:s11+$0x2900]  }
0x204: {  	v27 =	vsub.f32 v28, v29;
	v7 =	vadd.f32 v9, v7;
	v26 =	vld [tilespmem:s12+$0x1400]  }
0x205: {  	s7 =	sor.u32 $0x180, s7;
	v9 =	vsub.f32 v30, v32;
	v20 =	vsub.f32 v31, v20;
	v28 =	vld [tilespmem:s12+$0x2800]  }
0x206: {  	v16 =	vsub.f32 v16, v22;
	v17 =	vsub.f32 v21, v17;
	v29 =	vld [tilespmem:s7+$0x1400]  }
0x207: {  	v15 =	vsub.f32 v15, v11;
	v12 =	vsub.f32 v8, v12;
	v21 =	vld [tilespmem:s7+$0x2800]  }
0x208: {  	v14 =	vsub.f32 v14, v10;
	v8 =	vld [tilespmem:s7+$0x0];
	v18 =	vsub.f32 v13, v18;
	v13 =	vand.u32 $0x7FFFFFFF, v23  }
0x209: {  	v19 =	vand.u32 $0x7FFFFFFF, v19;
	v33 =	vand.u32 $0x7FFFFFFF, v25;
	v30 =	vand.u32 $0x7FFFFFFF, v24;
	v11 =	vld [tilespmem:s11+$0x100]  }
0x20a: {  	v27 =	vand.u32 $0x7FFFFFFF, v27;
	v34 =	vand.u32 $0x7FFFFFFF, v9;
	v35 =	vand.u32 $0x7FFFFFFF, v20;
	v10 =	vld [tilespmem:s12+$0x0]  }
0x20b: {  	v38 =	vand.u32 $0x7FFFFFFF, v16;
	v39 =	vand.u32 $0x7FFFFFFF, v17;
	v40 =	vand.u32 $0x7FFFFFFF, v15;
	v9 =	vld [tilespmem:s11+$0x0]  }
0x20c: {  	v24 =	vand.u32 $0x7FFFFFFF, v12;
	v23 =	vsub.f32 v26, v28;
	v22 =	vsub.f32 v29, v21  }
0x20d: {  	v28 =	vmin.f32 v30, $1.111111120e-01;
	v21 =	vmin.f32 v19, $1.111111120e-01;
	v29 =	vmin.f32 v13, $1.111111120e-01  }
0x20e: {  	v41 =	vmin.f32 v33, $1.111111120e-01;
	v42 =	vmin.f32 v27, $1.111111120e-01;
	v43 =	vmin.f32 v34, $1.111111120e-01  }
0x20f: {  	v44 =	vmin.f32 v35, $1.111111120e-01;
	v36 =	vmin.f32 v38, $1.111111120e-01;
	v37 =	vmin.f32 v39, $1.111111120e-01  }
0x210: {  	v32 =	vmin.f32 v40, $1.111111120e-01;
	v31 =	vmin.f32 v24, $1.111111120e-01;
	v13 =	vsub.f32 v13, v29  }
0x211: {  	v26 =	vand.u32 $0x7FFFFFFF, v14;
	v15 =	vsub.f32 v30, v28;
	v20 =	vsub.f32 v19, v21  }
.Ltmp5:
0x212: {  	v17 =	vsub.f32 v33, v41;
	v25 =	vand.u32 $0x7FFFFFFF, v18;
	v14 =	vsub.f32 v27, v42;
	(pc) =	sbr.rel @p0 .LBB2_11-.Ltmp5, $4  }
0x213: {  	v16 =	vsub.f32 v34, v43;
	v12 =	vsub.f32 v35, v44;
	v27 =	vmul.f32 v29, v29  }
0x214: {  	v18 =	vsub.f32 v38, v36;
	v28 =	vmul.f32 v28, v28;
	v35 =	vmul.f32 v21, v21  }
0x215: {  	v33 =	vmul.f32 v41, v41;
	v29 =	vmul.f32 v42, v42;
	v19 =	vsub.f32 v39, v37  }
0x216: {  	s25 =	sadd.s32 $0x1, s25;
	v34 =	vmul.f32 v43, v43;
	v30 =	vmul.f32 v44, v44;
	v21 =	vsub.f32 v40, v32  }
0x217: {  	v36 =	vmul.f32 v36, v36;
	v37 =	vmul.f32 v37, v37;
	v24 =	vsub.f32 v24, v31  }
0x218: {  	v38 =	vmin.f32 v26, $1.111111120e-01;
	v32 =	vmul.f32 v32, v32;
	v50 =	vmul.f32 v31, v31  }
0x219: {  	v23 =	vand.u32 $0x7FFFFFFF, v23;
	v39 =	vmin.f32 v25, $1.111111120e-01;
	v35 =	vmul.f32 $4.500000000e+00, v35  }
0x21a: {  	v22 =	vand.u32 $0x7FFFFFFF, v22;
	v27 =	vmul.f32 $4.500000000e+00, v27;
	v28 =	vmul.f32 $4.500000000e+00, v28  }
0x21b: {  	v33 =	vmul.f32 $4.500000000e+00, v33;
	v29 =	vmul.f32 $4.500000000e+00, v29;
	v26 =	vsub.f32 v26, v38  }
0x21c: {  	v38 =	vmul.f32 v38, v38;
	v40 =	vmul.f32 v39, v39;
	v25 =	vsub.f32 v25, v39  }
0x21d: {  	v51 =	vmin.f32 v23, $1.111111120e-01;
	v41 =	vmin.f32 v22, $1.111111120e-01;
	v34 =	vmul.f32 $4.500000000e+00, v34  }
0x21e: {  	v30 =	vmul.f32 $4.500000000e+00, v30;
	v23 =	vsub.f32 v23, v51;
	v36 =	vmul.f32 $4.500000000e+00, v36  }
0x21f: {  	v22 =	vsub.f32 v22, v41;
	v37 =	vmul.f32 $4.500000000e+00, v37;
	v32 =	vmul.f32 $4.500000000e+00, v32  }
0x220: {  	v20 =	vadd.f32 v35, v20;
	v31 =	vmul.f32 $4.500000000e+00, v50;
	v13 =	vadd.f32 v27, v13  }
0x221: {  	v52 =	vmul.f32 v51, v51;
	v15 =	vadd.f32 v28, v15;
	v17 =	vadd.f32 v33, v17  }
0x222: {  	v53 =	vmul.f32 v41, v41;
	v14 =	vadd.f32 v29, v14;
	v16 =	vadd.f32 v34, v16  }
0x223: {  	v54 =	vmul.f32 $4.500000000e+00, v38;
	v12 =	vadd.f32 v30, v12;
	v18 =	vadd.f32 v36, v18  }
0x224: {  	v55 =	vmul.f32 $4.500000000e+00, v40;
	v19 =	vadd.f32 v37, v19;
	v21 =	vadd.f32 v32, v21  }
0x225: {  	v27 =	vmul.f32 $4.500000000e+00, v52;
	v24 =	vadd.f32 v31, v24;
	v15 =	vadd.f32 v15, v20  }
0x226: {  	v28 =	vmul.f32 $4.500000000e+00, v53;
	v14 =	vadd.f32 v14, v17;
	v26 =	vadd.f32 v54, v26  }
0x227: {  	v25 =	vadd.f32 v55, v25;
	v12 =	vadd.f32 v12, v16  }
0x228: {  	v56 =	vadd.f32 v27, v23;
	v57 =	vadd.f32 v28, v22  }
0x229: {  	v58 =	vld [tilespmem:s18+$0xAF00];
	v18 =	vadd.f32 v19, v18;
	v59 =	vadd.f32 v24, v21  }
0x22a: {  	v16 =	vadd.f32 v56, v26;
	v17 =	vadd.f32 v57, v25  }
0x22b: {  	v60 =	vld [tilespmem:s18+$0xAA00];
	v14 =	vadd.f32 v14, v15;
	v12 =	vadd.f32 v18, v12  }
0x22c: {  	v13 =	vadd.f32 v13, v59;
	v61 =	vadd.f32 v17, v16;
	_ =	sdelay $0x1  }
0x22d: {  	vm0 =	vgt.s32 v58, $0x0;
	v12 =	vadd.f32 v13, v12;
	v14 =	vadd.f32 v14, v61  }
0x22e: {  	vm13 =	veq.s32 v58, $0x2;
	vm14 =	veq.s32 v58, $0x1;
	v62 =	vsel vm0, $0x3F800000, v1  }
0x22f: {  	v8 =	vsel vm13, v11, v8;
	v63 =	vmul.f32 v62, v60;
	v12 =	vadd.f32 v12, v14  }
0x230: {  	vm15 =	veq.s32 v58, $0x0;
	v8 =	vsel vm14, v10, v8  }
0x231: {  	v6 =	vadd.f32 v62, v6;
	v8 =	vsel vm15, v9, v8;
	v12 =	vmul.f32 v12, v63  }
0x232: {  	[tilespmem:$0x16810] =	vst v1;
	v5 =	vadd.f32 v8, v5  }
0x233: {  	[tilespmem:$0x16840] =	vst v1;
	v6 =	vmul.f32 v6, v0;
	v7 =	vadd.f32 v12, v7  }
0x234: {  	[tilespmem:$0x16850] =	vst v1;
	v5 =	vmul.f32 v5, v0  }
0x235: {  	[tilespmem:$0x16860] =	vst v1;
	v2 =	vadd.f32 v6, v2;
	v7 =	vmul.f32 v7, v0  }
0x236: {  	[tilespmem:$0x16870] =	vst v1;
	v3 =	vadd.f32 v5, v3  }
0x237: {  	[tilespmem:$0x16830] =	vst v2;
	v4 =	vadd.f32 v7, v4  }
0x238: {  	[tilespmem:$0x16820] =	vst v3  }
0x239: {  	s7 =	rddreg [dreg:$0x11];
	s11 =	simm.s32 $0x16800;
	s28 =	simm.s32 $0x3;
	[tilespmem:$0x16800] =	vst v4  }
0x23a: {  	[hbm4b:s7+s9] =	stream.linear.scatter [tilespmem:s11], [sflag:$0x3], $0x80, $0x38;
	[tilespmem:$0x16880] =	vst v63  }
0x23b: {  	_ =	swait.ge [sflag:s28], $0x80  }
0x23c: {  	s12 =	rddreg [dreg:$0x15]  }
0x23d: {  	s31 =	rddreg [dreg:$0x14];
	s12 =	sadd.s32 $0x1, s12  }
0x23e: {  	p0 =	sne.s32 s12, s31  }
.Ltmp6:
0x23f: {  	_ = 	snop;
	(pc) =	sbr.rel @p0 .LBB2_1-.Ltmp6, $3  }
0x240: {  	_ =	sdelay $0x1  }
0x241: {  	[sflag:s28] =	ssyncset.done $0x0  }
0x242: {  	[sflag:s28] =	ssyncadd.s32 $0xFFFFFF80  }
0x243: {  	_ =	sfence.sel $0x180000  }
0x244: {  	[bflag:$0x0] =	sbarrier.arrive $0xFFFF  }
0x245: {  	_ =	strace $0x90000047  }
0x246: {  	s0 =	stileid.u32;
	[bflag:$0x2] =	sbarrier.arrive $0xFFFF  }
0x247: {  	p0 =	sne.s32 s0, $0x0;
	s0 =	rddreg [dreg:$0x8]  }
0x248: {  	s0 =	sadd.s32 @!p0 $0x100000, s0  }
0x249: {  	[sflag:s0] =	ssyncadd.tile.s32 @!p0 $0x1;
	_ =	shalt  }
.Lfunc_end2:
_tile_overlayer_lowered:
.L_overlay_start_2:
0x24a: {  	(tag) =	ssettag $0x2  }
0x24b: {  	s0 =	rddreg [dreg:$0x0];
	s2 =	stileid.u32  }
0x24c: {  	s1 =	rddreg [dreg:$0x1];
	p0 =	sne.s32 s2, $0x0  }
0x24d: {  	s3 =	rddreg [dreg:$0x2];
	[bflag:$0x3] =	sbarrier.arrive $0xFFFF;
	s2 =	simm.s32 @!p0 $0x1C03  }
0x24e: {  	[timem:s3], [sflag:s2] =	dma.local @!p0 [hbm:s0], s1  }
0x24f: {  	s0 =	simm.s32 @!p0 $0x3  }
0x250: {  	_ =	swait.ge @!p0 [sflag:s0], s1  }
0x251: {  	s1 =	ssub.s32 @!p0 $0x0, s1;
	[sflag:s0] =	ssyncset.done @!p0 $0x0  }
0x252: {  	[sflag:s0] =	ssyncadd.s32 @!p0 s1  }
0x253: {  	[bflag:$0x3] =	sbarrier.arrive $0xFFFF  }
0x254: {  	_ =	shalt  }

</sc_bundles>
